<compile_context>
chip_gen: v7x
topology: tpu7x:2x2x1
jax: 0.10.2.dev20260603
libtpu: 0.0.44.dev20260713+nightly
codegen_flags: <defaults>
</compile_context>

<pallas_src>
import functools
import numpy as np
import jax
import jax.numpy as jnp
from jax import lax
from jax.experimental import pallas as pl
from jax.experimental.pallas import tpu as pltpu
from jax.experimental.pallas import tpu_sc as plsc

_S = 512
_K = 32
_R2 = np.float32(0.4 ** 2)
_SBLK = 8
_STILE = 128
_NBLK = 256


def _fps_body(xyzT_ref, nxyz_ref, dist_ref, ist_ref):
    B = xyzT_ref.shape[0]
    N = xyzT_ref.shape[2]
    xc = [xyzT_ref[:, c, :] for c in range(3)]
    iota = lax.broadcasted_iota(jnp.int32, (B, N), 1).astype(jnp.float32)
    dist_ref[...] = jnp.full((B, N), 1e10, jnp.float32)
    ist_ref[...] = jnp.zeros((B, 1), jnp.float32)

    def body(i, carry):
        ist = ist_ref[...]
        oh = (iota == ist).astype(jnp.float32)
        cent = [jnp.sum(oh * xc[c], axis=1, keepdims=True) for c in range(3)]
        nxyz_ref[:, pl.ds(i, 1), :] = jnp.concatenate(cent, axis=1)[:, None, :]
        d = ((xc[0] - cent[0]) ** 2 + (xc[1] - cent[1]) ** 2
             + (xc[2] - cent[2]) ** 2)
        dist = jnp.minimum(dist_ref[...], d)
        dist_ref[...] = dist
        m = jnp.max(dist, axis=1, keepdims=True)
        ist_ref[...] = jnp.min(
            jnp.where(dist == m, iota, float(N)), axis=1, keepdims=True)
        return carry

    lax.fori_loop(0, _S, body, 0)


def _run_fps(xyzT):
    B, _, N = xyzT.shape
    return pl.pallas_call(
        _fps_body,
        out_shape=jax.ShapeDtypeStruct((B, _S, 3), jnp.float32),
        scratch_shapes=[pltpu.VMEM((B, N), jnp.float32),
                        pltpu.VMEM((B, 1), jnp.float32)],
    )(xyzT)


def _bq_body(xyzT_ref, xyz_ref, nxyz_ref, w1t_ref, b1_ref, w2t_ref, b2_ref,
             w3t_ref, b3_ref, wts_ref, idx_ref, sel_ref):
    b = pl.program_id(0)
    N = xyzT_ref.shape[2]
    Nf = float(N)
    iota = lax.broadcasted_iota(jnp.int32, (_SBLK, N), 1).astype(jnp.float32)

    d2 = jnp.zeros((_SBLK, N), jnp.float32)
    for c in range(3):
        d2 = d2 + (nxyz_ref[0, :, c:c + 1] - xyzT_ref[0, c:c + 1, :]) ** 2

    running = d2 <= _R2
    idx0 = None
    cols = []
    for k in range(_K):
        m = jnp.min(jnp.where(running, iota, Nf), axis=1, keepdims=True)
        if k == 0:
            idx0 = m
        meff = jnp.where(m >= Nf, idx0, m)
        selk = iota == meff
        sel_ref[k] = selk.astype(jnp.float32)
        running = jnp.logical_and(running, jnp.logical_not(selk))
        cols.append(meff)

    idx = jnp.concatenate(cols, axis=1)
    idx_ref[0] = idx.astype(jnp.int32) + b * N

    xyz = xyz_ref[0]
    grels = []
    for s in range(_SBLK):
        g = jnp.dot(sel_ref[:, s, :], xyz,
                    preferred_element_type=jnp.float32)
        grels.append(g - nxyz_ref[0, s:s + 1, :])
    grel = jnp.concatenate(grels, axis=0)

    h = jnp.maximum(jnp.dot(grel, w1t_ref[...],
                            preferred_element_type=jnp.float32)
                    + b1_ref[...], 0.0)
    h = jnp.maximum(jnp.dot(h, w2t_ref[...],
                            preferred_element_type=jnp.float32)
                    + b2_ref[...], 0.0)
    wt = jnp.dot(h, w3t_ref[...],
                 preferred_element_type=jnp.float32) + b3_ref[...]
    wts_ref[0] = wt.reshape(_SBLK, _K, 64)


def _run_bq(xyzT, xyz, nxyz, w1t, b1r, w2t, b2r, w3t, b3r):
    B, N, _ = xyz.shape
    full = lambda *shape: shape
    return pl.pallas_call(
        _bq_body,
        grid=(B, _S // _SBLK),
        in_specs=[
            pl.BlockSpec((1, 3, N), lambda b, j: (b, 0, 0)),
            pl.BlockSpec((1, N, 3), lambda b, j: (b, 0, 0)),
            pl.BlockSpec((1, _SBLK, 3), lambda b, j: (b, j, 0)),
            pl.BlockSpec((3, 64), lambda b, j: (0, 0)),
            pl.BlockSpec((1, 64), lambda b, j: (0, 0)),
            pl.BlockSpec((64, 64), lambda b, j: (0, 0)),
            pl.BlockSpec((1, 64), lambda b, j: (0, 0)),
            pl.BlockSpec((64, 64), lambda b, j: (0, 0)),
            pl.BlockSpec((1, 64), lambda b, j: (0, 0)),
        ],
        out_specs=[
            pl.BlockSpec((1, _SBLK, _K, 64), lambda b, j: (b, j, 0, 0)),
            pl.BlockSpec((1, _SBLK, _K), lambda b, j: (b, j, 0)),
        ],
        out_shape=[jax.ShapeDtypeStruct((B, _S, _K, 64), jnp.float32),
                   jax.ShapeDtypeStruct((B, _S, _K), jnp.int32)],
        scratch_shapes=[pltpu.VMEM((_K, _SBLK, N), jnp.float32)],
    )(xyzT, xyz, nxyz, w1t, b1r, w2t, b2r, w3t, b3r)


def _gather_rows(table, idx):
    V, D = table.shape
    Btot = idx.shape[0]
    info = plsc.get_sparse_core_info()
    NW = info.num_cores * info.num_subcores
    b_per_w = Btot // NW
    CH = min(256, b_per_w)
    nch = b_per_w // CH
    mesh = plsc.VectorSubcoreMesh(core_axis_name="c", subcore_axis_name="s")

    @functools.partial(
        pl.kernel, mesh=mesh,
        out_type=jax.ShapeDtypeStruct((Btot, D), jnp.float32),
        scratch_types=[pltpu.VMEM((CH,), jnp.int32),
                       pltpu.VMEM((CH, D), jnp.float32),
                       pltpu.SemaphoreType.DMA],
    )
    def gk(table_hbm, idx_hbm, out_hbm, idx_v, rows_v, sem):
        wid = lax.axis_index("s") * info.num_cores + lax.axis_index("c")
        base = wid * b_per_w
        for c in range(nch):
            off = base + c * CH
            pltpu.sync_copy(idx_hbm.at[pl.ds(off, CH)], idx_v)
            pltpu.async_copy(table_hbm.at[idx_v], rows_v, sem).wait()
            pltpu.sync_copy(rows_v, out_hbm.at[pl.ds(off, CH)])

    return gk(table, idx)


def _nf_body(g_ref, wt_ref, wl3_ref, bl_ref, out_ref, nf3_ref, acc_ref):
    def stage_a(s, carry):
        nf3_ref[:, s, :] = lax.dot_general(
            wt_ref[0, s], g_ref[0, s],
            dimension_numbers=(((0,), (0,)), ((), ())),
            preferred_element_type=jnp.float32)
        return carry

    lax.fori_loop(0, _STILE, stage_a, 0)

    acc_ref[...] = jnp.zeros_like(acc_ref)

    def stage_b(j, carry):
        acc_ref[...] += jnp.dot(nf3_ref[j], wl3_ref[j],
                                preferred_element_type=jnp.float32)
        return carry

    lax.fori_loop(0, 64, stage_b, 0)
    out_ref[0] = jnp.maximum(acc_ref[...] + bl_ref[...], 0.0)


def _run_nf(g4, wts, wl3, blr):
    B = wts.shape[0]
    D = g4.shape[3]
    OC = wl3.shape[2]
    return pl.pallas_call(
        _nf_body,
        grid=(B, _S // _STILE),
        in_specs=[
            pl.BlockSpec((1, _STILE, _K, D), lambda b, t: (b, t, 0, 0)),
            pl.BlockSpec((1, _STILE, _K, 64), lambda b, t: (b, t, 0, 0)),
            pl.BlockSpec((64, D, OC), lambda b, t: (0, 0, 0)),
            pl.BlockSpec((1, OC), lambda b, t: (0, 0)),
        ],
        out_specs=pl.BlockSpec((1, _STILE, OC), lambda b, t: (b, t, 0)),
        out_shape=jax.ShapeDtypeStruct((B, _S, OC), jnp.float32),
        scratch_shapes=[pltpu.VMEM((64, _STILE, D), jnp.float32),
                        pltpu.VMEM((_STILE, OC), jnp.float32)],
    )(g4, wts, wl3, blr)


def _interp_body(xyz_ref, nxyzT_ref, nfeat_ref, featT_ref, wfit_ref,
                 wfft_ref, bf_ref, out_ref):
    Sf = float(_S)
    iota = lax.broadcasted_iota(jnp.int32, (_NBLK, _S), 1).astype(jnp.float32)

    d2 = jnp.zeros((_NBLK, _S), jnp.float32)
    for c in range(3):
        d2 = d2 + (xyz_ref[0, :, c:c + 1] - nxyzT_ref[0, c:c + 1, :]) ** 2

    wmat = jnp.zeros((_NBLK, _S), jnp.float32)
    rds = []
    ohs = []
    for j in range(3):
        m = jnp.min(d2, axis=1, keepdims=True)
        ij = jnp.min(jnp.where(d2 == m, iota, Sf), axis=1, keepdims=True)
        oh = iota == ij
        rds.append(1.0 / (m + 1e-8))
        ohs.append(oh)
        d2 = jnp.where(oh, jnp.inf, d2)
    norm = rds[0] + rds[1] + rds[2]
    for j in range(3):
        wmat = wmat + (rds[j] / norm) * ohs[j].astype(jnp.float32)

    interp = jnp.dot(wmat, nfeat_ref[0],
                     preferred_element_type=jnp.float32)
    out = (interp @ wfit_ref[...]
           + jnp.dot(featT_ref[0], wfft_ref[...],
                     preferred_element_type=jnp.float32)
           + bf_ref[...])
    out_ref[0] = jnp.maximum(out, 0.0)


def _run_interp(xyz, nxyzT, nfeat, featT, wfit, wfft, bfr):
    B, N, _ = xyz.shape
    D = featT.shape[2]
    OC = nfeat.shape[2]
    return pl.pallas_call(
        _interp_body,
        grid=(B, N // _NBLK),
        in_specs=[
            pl.BlockSpec((1, _NBLK, 3), lambda b, j: (b, j, 0)),
            pl.BlockSpec((1, 3, _S), lambda b, j: (b, 0, 0)),
            pl.BlockSpec((1, _S, OC), lambda b, j: (b, 0, 0)),
            pl.BlockSpec((1, _NBLK, D), lambda b, j: (b, j, 0)),
            pl.BlockSpec((OC, OC), lambda b, j: (0, 0)),
            pl.BlockSpec((D, OC), lambda b, j: (0, 0)),
            pl.BlockSpec((1, OC), lambda b, j: (0, 0)),
        ],
        out_specs=pl.BlockSpec((1, _NBLK, OC), lambda b, j: (b, j, 0)),
        out_shape=jax.ShapeDtypeStruct((B, N, OC), jnp.float32),
    )(xyz, nxyzT, nfeat, featT, wfit, wfft, bfr)


def kernel(xyz, feature, w1, b1, w2, b2, w3, b3, wl, bl, wf, bf):
    B, N, _ = xyz.shape
    D = feature.shape[1]
    OC = wl.shape[0]

    xyzT = jnp.transpose(xyz, (0, 2, 1))
    featT = jnp.transpose(feature, (0, 2, 1))

    nxyz = _run_fps(xyzT)
    nxyzT = jnp.transpose(nxyz, (0, 2, 1))

    wts, idx = _run_bq(xyzT, xyz, nxyz,
                       w1.T, b1[None, :], w2.T, b2[None, :],
                       w3.T, b3[None, :])

    g = _gather_rows(featT.reshape(B * N, D), idx.reshape(-1))
    g4 = g.reshape(B, _S, _K, D)

    wl3 = jnp.transpose(wl.reshape(OC, D, 64), (2, 1, 0))
    nfeat = _run_nf(g4, wts, wl3, bl[None, :])

    outT = _run_interp(xyz, nxyzT, nfeat, featT,
                       wf[:, :OC].T, wf[:, OC:].T, bf[None, :])
    return jnp.transpose(outT, (0, 2, 1))

# --- scband reference (transcript-rebuilt; emitter-appended) ---
"""Pipeline reference for scband-point-conv-80066780332161 (READ-ONLY COPY).

The authoritative reference and input builder live on the scoring server;
editing this copy changes nothing except your own understanding.
"""

import jax, jax.numpy as jnp
import numpy as np

NPOINTS = 512
NSAMPLE = 32
RADIUS = 0.4


def _fps(xyz, npoints):
    B, N, _ = xyz.shape
    def body(i, state):
        idxs, dist, farthest = state
        idxs = idxs.at[:, i].set(farthest)
        centroid = jnp.take_along_axis(xyz, farthest[:, None, None].astype(jnp.int32), axis=1)
        d = jnp.sum((xyz - centroid) ** 2, axis=-1)
        dist = jnp.minimum(dist, d)
        farthest = jnp.argmax(dist, axis=-1).astype(jnp.int32)
        return idxs, dist, farthest
    idxs = jnp.zeros((B, npoints), jnp.int32)
    dist = jnp.full((B, N), 1e10, jnp.float32)
    farthest = jnp.zeros((B,), jnp.int32)
    idxs, _, _ = jax.lax.fori_loop(0, npoints, body, (idxs, dist, farthest))
    return idxs


def _ball_query(radius, nsample, xyz, new_xyz):
    B, N, _ = xyz.shape
    S = new_xyz.shape[1]
    sqr = jnp.sum((new_xyz[:, :, None, :] - xyz[:, None, :, :]) ** 2, axis=-1)
    grp = jnp.broadcast_to(jnp.arange(N, dtype=jnp.int32), (B, S, N))
    grp = jnp.where(sqr > radius ** 2, N, grp)
    grp = jnp.sort(grp, axis=-1)[:, :, :nsample]
    first = grp[:, :, :1]
    grp = jnp.where(grp == N, jnp.broadcast_to(first, grp.shape), grp)
    return grp


def _group(arr, idx):
    # arr (B, C, N), idx (B, S, K) -> (B, C, S, K)
    return jax.vmap(lambda a, i: a[:, i])(arr, idx)


def setup_inputs(seed: int = 0):
    key = jax.random.key(seed)
    ks = jax.random.split(key, 8)
    B, N, D, OC = 4, 4096, 256, 128
    return {
        "xyz": jax.random.normal(ks[0], (B, N, 3), jnp.float32),
        "feature": jax.random.normal(ks[1], (B, D, N), jnp.float32),
        "w1": jax.random.normal(ks[2], (64, 3), jnp.float32) * 0.1,
        "b1": jnp.zeros((64,), jnp.float32),
        "w2": jax.random.normal(ks[3], (64, 64), jnp.float32) * 0.1,
        "b2": jnp.zeros((64,), jnp.float32),
        "w3": jax.random.normal(ks[4], (64, 64), jnp.float32) * 0.1,
        "b3": jnp.zeros((64,), jnp.float32),
        "wl": jax.random.normal(ks[5], (OC, D * 64), jnp.float32) * 0.01,
        "bl": jnp.zeros((OC,), jnp.float32),
        "wf": jax.random.normal(ks[6], (OC, OC + D), jnp.float32) * 0.1,
        "bf": jnp.zeros((OC,), jnp.float32),
    }


def reference(xyz, feature, w1, b1, w2, b2, w3, b3, wl, bl, wf, bf):
    B, N, _ = xyz.shape
    D = feature.shape[1]
    OC = wl.shape[0]
    xyz_trans = jnp.transpose(xyz, (0, 2, 1))
    # furthest point sampling (non-differentiable index op in the CUDA original)
    fps_idx = _fps(jax.lax.stop_gradient(xyz), NPOINTS)
    new_xyz_trans = jax.vmap(lambda a, i: a[:, i])(xyz_trans, fps_idx)  # (B,3,S)
    new_xyz = jnp.transpose(new_xyz_trans, (0, 2, 1))  # (B,S,3)
    # QueryAndGroup (use_xyz=False, ret_grouped_xyz=True)
    grp_idx = _ball_query(RADIUS, NSAMPLE, jax.lax.stop_gradient(xyz), jax.lax.stop_gradient(new_xyz))
    grouped_xyz = _group(xyz_trans, grp_idx) - new_xyz_trans[:, :, :, None]  # (B,3,S,K)
    new_feature = _group(feature, grp_idx)  # (B,D,S,K)
    # WeightNet: 1x1 Conv2d stack 3->64->64->64 (BN in eval mode ~= identity)
    h = jnp.einsum('oc,bcsk->bosk', w1, grouped_xyz) + b1[None, :, None, None]
    h = jax.nn.relu(h)
    h = jnp.einsum('oc,bcsk->bosk', w2, h) + b2[None, :, None, None]
    h = jax.nn.relu(h)
    weights = jnp.einsum('oc,bcsk->bosk', w3, h) + b3[None, :, None, None]  # (B,64,S,K)
    nf = jnp.matmul(jnp.transpose(new_feature, (0, 2, 1, 3)), jnp.transpose(weights, (0, 2, 3, 1)))  # (B,S,D,64)
    nf = nf.reshape(B, NPOINTS, D * 64)
    nf = jax.nn.relu(nf @ wl.T + bl)  # (B,S,OC)
    new_feat = jnp.transpose(nf, (0, 2, 1))  # (B,OC,S)
    # three_nn + inverse-distance weighted three_interpolate
    sqr = jnp.sum((xyz[:, :, None, :] - new_xyz[:, None, :, :]) ** 2, axis=-1)  # (B,N,S)
    neg_d, idx3 = jax.lax.top_k(-sqr, 3)
    dist = -neg_d
    rd = 1.0 / (dist + 1e-8)
    rd = rd / jnp.sum(rd, axis=2, keepdims=True)
    gathered = jax.vmap(lambda f, i: f[:, i])(new_feat, idx3)  # (B,OC,N,3)
    interpolated = jnp.sum(gathered * rd[:, None, :, :], axis=-1)  # (B,OC,N)
    concat = jnp.concatenate([interpolated, feature], axis=1)  # (B, OC+D, N)
    out = jax.nn.relu(jnp.einsum('oc,bcn->bon', wf, concat) + bf[None, :, None])
    return out

if __name__ == "__main__":
    import jax
    _d = setup_inputs()
    print(jax.jit(kernel)(*tuple(_d.values())))

</pallas_src>

<mosaic_0001>
#map = affine_map<(d0, d1) -> (0, 0)>
#map1 = affine_map<(d0, d1) -> (0)>
module attributes {stable_mosaic.version = 14 : i64} {
  func.func @gk(%arg0: i32, %arg1: i32, %arg2: memref<16384x256xf32, #tpu.memory_space<hbm>>, %arg3: memref<65536xi32, #tpu.memory_space<hbm>>, %arg4: memref<65536x256xf32, #tpu.memory_space<hbm>>, %arg5: memref<256xi32, #tpu.memory_space<vmem>>, %arg6: memref<256x256xf32, #tpu.memory_space<vmem>>, %arg7: memref<!tpu.dma_semaphore, #tpu.memory_space<semaphore_mem>>) attributes {dimension_semantics = [#tpu.dimension_semantics<core_parallel>, #tpu.dimension_semantics<subcore_parallel>], iteration_bounds = array<i64: 2, 16>, scalar_prefetch = 0 : i64, scratch_operands = 3 : i64, tpu.core_type = #tpu.core_type<sc_vector_subcore>, window_params = [{transform_indices = #map}, {transform_indices = #map1}, {transform_indices = #map}]} {
    %mul3A = arith.constant 2 : i32
    %mul3A_0 = arith.muli %arg1, %mul3A : i32
    %add3A = arith.addi %mul3A_0, %arg0 : i32
    %mul3A_1 = arith.constant 2048 : i32
    %mul3A_2 = arith.muli %add3A, %mul3A_1 : i32
    %add3A_3 = arith.constant 0 : i32
    %add3A_4 = arith.addi %mul3A_2, %add3A_3 : i32
    "tpu.region"() ({
      %run_scoped3A = tpu.sem_alloc : memref<!tpu.dma_semaphore, #tpu.memory_space<semaphore_mem>>
      %dma_start3A_65 = tpu.memref_slice %arg3[%add3A_4] : memref<65536xi32, #tpu.memory_space<hbm>> -> memref<256xi32, #tpu.memory_space<hbm>>
      %dma_start3A_66 = tpu.memref_slice %arg3[%add3A_4] : memref<65536xi32, #tpu.memory_space<hbm>> -> memref<256xi32, #tpu.memory_space<hbm>>
      tpu.enqueue_dma source(%dma_start3A_66 : memref<256xi32, #tpu.memory_space<hbm>>) target(%arg5 : memref<256xi32, #tpu.memory_space<vmem>>) target_semaphore(%run_scoped3A : memref<!tpu.dma_semaphore, #tpu.memory_space<semaphore_mem>>)
      %dma_wait3A_67 = tpu.memref_slice %arg3[%add3A_4] : memref<65536xi32, #tpu.memory_space<hbm>> -> memref<256xi32, #tpu.memory_space<hbm>>
      %dma_wait3A_68 = tpu.memref_slice %arg3[%add3A_4] : memref<65536xi32, #tpu.memory_space<hbm>> -> memref<256xi32, #tpu.memory_space<hbm>>
      tpu.wait_dma2 semaphore(%run_scoped3A : memref<!tpu.dma_semaphore, #tpu.memory_space<semaphore_mem>>) src(%dma_wait3A_68 : memref<256xi32, #tpu.memory_space<hbm>>) dst(%arg5 : memref<256xi32, #tpu.memory_space<vmem>>)
      tpu.yield
    }) : () -> ()
    %dma_start3A = arith.constant 0 : i32
    %dma_start3A_5 = arith.constant 0 : i32
    %dma_start3A_6 = tpu.memref_slice %arg2[%dma_start3A, %dma_start3A_5] : memref<16384x256xf32, #tpu.memory_space<hbm>> -> memref<16384x256xf32, #tpu.memory_space<hbm>>
    tpu.enqueue_indirect_dma source(%dma_start3A_6 : memref<16384x256xf32, #tpu.memory_space<hbm>>) target(%arg6 : memref<256x256xf32, #tpu.memory_space<vmem>>) offsets(%arg5 : memref<256xi32, #tpu.memory_space<vmem>>) semaphore(%arg7 : memref<!tpu.dma_semaphore, #tpu.memory_space<semaphore_mem>>)
    %dma_wait3A = arith.constant 0 : i32
    %dma_wait3A_7 = arith.constant 0 : i32
    %dma_wait3A_8 = tpu.memref_slice %arg2[%dma_wait3A, %dma_wait3A_7] : memref<16384x256xf32, #tpu.memory_space<hbm>> -> memref<16384x256xf32, #tpu.memory_space<hbm>>
    tpu.wait_indirect_dma semaphore(%arg7 : memref<!tpu.dma_semaphore, #tpu.memory_space<semaphore_mem>>) src(%dma_wait3A_8 : memref<16384x256xf32, #tpu.memory_space<hbm>>) dst(%arg6 : memref<256x256xf32, #tpu.memory_space<vmem>>)
    "tpu.region"() ({
      %run_scoped3A = tpu.sem_alloc : memref<!tpu.dma_semaphore, #tpu.memory_space<semaphore_mem>>
      %dma_start3A_65 = arith.constant 0 : i32
      %dma_start3A_66 = tpu.memref_slice %arg4[%add3A_4, %dma_start3A_65] : memref<65536x256xf32, #tpu.memory_space<hbm>> -> memref<256x256xf32, #tpu.memory_space<hbm>>
      %dma_start3A_67 = arith.constant 0 : i32
      %dma_start3A_68 = tpu.memref_slice %arg4[%add3A_4, %dma_start3A_67] : memref<65536x256xf32, #tpu.memory_space<hbm>> -> memref<256x256xf32, #tpu.memory_space<hbm>>
      tpu.enqueue_dma source(%arg6 : memref<256x256xf32, #tpu.memory_space<vmem>>) target(%dma_start3A_68 : memref<256x256xf32, #tpu.memory_space<hbm>>) target_semaphore(%run_scoped3A : memref<!tpu.dma_semaphore, #tpu.memory_space<semaphore_mem>>)
      %dma_wait3A_69 = arith.constant 0 : i32
      %dma_wait3A_70 = tpu.memref_slice %arg4[%add3A_4, %dma_wait3A_69] : memref<65536x256xf32, #tpu.memory_space<hbm>> -> memref<256x256xf32, #tpu.memory_space<hbm>>
      %dma_wait3A_71 = arith.constant 0 : i32
      %dma_wait3A_72 = tpu.memref_slice %arg4[%add3A_4, %dma_wait3A_71] : memref<65536x256xf32, #tpu.memory_space<hbm>> -> memref<256x256xf32, #tpu.memory_space<hbm>>
      tpu.wait_dma2 semaphore(%run_scoped3A : memref<!tpu.dma_semaphore, #tpu.memory_space<semaphore_mem>>) src(%arg6 : memref<256x256xf32, #tpu.memory_space<vmem>>) dst(%dma_wait3A_72 : memref<256x256xf32, #tpu.memory_space<hbm>>)
      tpu.yield
    }) : () -> ()
    %add3A_9 = arith.constant 256 : i32
    %add3A_10 = arith.addi %mul3A_2, %add3A_9 : i32
    "tpu.region"() ({
      %run_scoped3A = tpu.sem_alloc : memref<!tpu.dma_semaphore, #tpu.memory_space<semaphore_mem>>
      %dma_start3A_65 = tpu.memref_slice %arg3[%add3A_10] : memref<65536xi32, #tpu.memory_space<hbm>> -> memref<256xi32, #tpu.memory_space<hbm>>
      %dma_start3A_66 = tpu.memref_slice %arg3[%add3A_10] : memref<65536xi32, #tpu.memory_space<hbm>> -> memref<256xi32, #tpu.memory_space<hbm>>
      tpu.enqueue_dma source(%dma_start3A_66 : memref<256xi32, #tpu.memory_space<hbm>>) target(%arg5 : memref<256xi32, #tpu.memory_space<vmem>>) target_semaphore(%run_scoped3A : memref<!tpu.dma_semaphore, #tpu.memory_space<semaphore_mem>>)
      %dma_wait3A_67 = tpu.memref_slice %arg3[%add3A_10] : memref<65536xi32, #tpu.memory_space<hbm>> -> memref<256xi32, #tpu.memory_space<hbm>>
      %dma_wait3A_68 = tpu.memref_slice %arg3[%add3A_10] : memref<65536xi32, #tpu.memory_space<hbm>> -> memref<256xi32, #tpu.memory_space<hbm>>
      tpu.wait_dma2 semaphore(%run_scoped3A : memref<!tpu.dma_semaphore, #tpu.memory_space<semaphore_mem>>) src(%dma_wait3A_68 : memref<256xi32, #tpu.memory_space<hbm>>) dst(%arg5 : memref<256xi32, #tpu.memory_space<vmem>>)
      tpu.yield
    }) : () -> ()
    %dma_start3A_11 = arith.constant 0 : i32
    %dma_start3A_12 = arith.constant 0 : i32
    %dma_start3A_13 = tpu.memref_slice %arg2[%dma_start3A_11, %dma_start3A_12] : memref<16384x256xf32, #tpu.memory_space<hbm>> -> memref<16384x256xf32, #tpu.memory_space<hbm>>
    tpu.enqueue_indirect_dma source(%dma_start3A_13 : memref<16384x256xf32, #tpu.memory_space<hbm>>) target(%arg6 : memref<256x256xf32, #tpu.memory_space<vmem>>) offsets(%arg5 : memref<256xi32, #tpu.memory_space<vmem>>) semaphore(%arg7 : memref<!tpu.dma_semaphore, #tpu.memory_space<semaphore_mem>>)
    %dma_wait3A_14 = arith.constant 0 : i32
    %dma_wait3A_15 = arith.constant 0 : i32
    %dma_wait3A_16 = tpu.memref_slice %arg2[%dma_wait3A_14, %dma_wait3A_15] : memref<16384x256xf32, #tpu.memory_space<hbm>> -> memref<16384x256xf32, #tpu.memory_space<hbm>>
    tpu.wait_indirect_dma semaphore(%arg7 : memref<!tpu.dma_semaphore, #tpu.memory_space<semaphore_mem>>) src(%dma_wait3A_16 : memref<16384x256xf32, #tpu.memory_space<hbm>>) dst(%arg6 : memref<256x256xf32, #tpu.memory_space<vmem>>)
    "tpu.region"() ({
      %run_scoped3A = tpu.sem_alloc : memref<!tpu.dma_semaphore, #tpu.memory_space<semaphore_mem>>
      %dma_start3A_65 = arith.constant 0 : i32
      %dma_start3A_66 = tpu.memref_slice %arg4[%add3A_10, %dma_start3A_65] : memref<65536x256xf32, #tpu.memory_space<hbm>> -> memref<256x256xf32, #tpu.memory_space<hbm>>
      %dma_start3A_67 = arith.constant 0 : i32
      %dma_start3A_68 = tpu.memref_slice %arg4[%add3A_10, %dma_start3A_67] : memref<65536x256xf32, #tpu.memory_space<hbm>> -> memref<256x256xf32, #tpu.memory_space<hbm>>
      tpu.enqueue_dma source(%arg6 : memref<256x256xf32, #tpu.memory_space<vmem>>) target(%dma_start3A_68 : memref<256x256xf32, #tpu.memory_space<hbm>>) target_semaphore(%run_scoped3A : memref<!tpu.dma_semaphore, #tpu.memory_space<semaphore_mem>>)
      %dma_wait3A_69 = arith.constant 0 : i32
      %dma_wait3A_70 = tpu.memref_slice %arg4[%add3A_10, %dma_wait3A_69] : memref<65536x256xf32, #tpu.memory_space<hbm>> -> memref<256x256xf32, #tpu.memory_space<hbm>>
      %dma_wait3A_71 = arith.constant 0 : i32
      %dma_wait3A_72 = tpu.memref_slice %arg4[%add3A_10, %dma_wait3A_71] : memref<65536x256xf32, #tpu.memory_space<hbm>> -> memref<256x256xf32, #tpu.memory_space<hbm>>
      tpu.wait_dma2 semaphore(%run_scoped3A : memref<!tpu.dma_semaphore, #tpu.memory_space<semaphore_mem>>) src(%arg6 : memref<256x256xf32, #tpu.memory_space<vmem>>) dst(%dma_wait3A_72 : memref<256x256xf32, #tpu.memory_space<hbm>>)
      tpu.yield
    }) : () -> ()
    %add3A_17 = arith.constant 512 : i32
    %add3A_18 = arith.addi %mul3A_2, %add3A_17 : i32
    "tpu.region"() ({
      %run_scoped3A = tpu.sem_alloc : memref<!tpu.dma_semaphore, #tpu.memory_space<semaphore_mem>>
      %dma_start3A_65 = tpu.memref_slice %arg3[%add3A_18] : memref<65536xi32, #tpu.memory_space<hbm>> -> memref<256xi32, #tpu.memory_space<hbm>>
      %dma_start3A_66 = tpu.memref_slice %arg3[%add3A_18] : memref<65536xi32, #tpu.memory_space<hbm>> -> memref<256xi32, #tpu.memory_space<hbm>>
      tpu.enqueue_dma source(%dma_start3A_66 : memref<256xi32, #tpu.memory_space<hbm>>) target(%arg5 : memref<256xi32, #tpu.memory_space<vmem>>) target_semaphore(%run_scoped3A : memref<!tpu.dma_semaphore, #tpu.memory_space<semaphore_mem>>)
      %dma_wait3A_67 = tpu.memref_slice %arg3[%add3A_18] : memref<65536xi32, #tpu.memory_space<hbm>> -> memref<256xi32, #tpu.memory_space<hbm>>
      %dma_wait3A_68 = tpu.memref_slice %arg3[%add3A_18] : memref<65536xi32, #tpu.memory_space<hbm>> -> memref<256xi32, #tpu.memory_space<hbm>>
      tpu.wait_dma2 semaphore(%run_scoped3A : memref<!tpu.dma_semaphore, #tpu.memory_space<semaphore_mem>>) src(%dma_wait3A_68 : memref<256xi32, #tpu.memory_space<hbm>>) dst(%arg5 : memref<256xi32, #tpu.memory_space<vmem>>)
      tpu.yield
    }) : () -> ()
    %dma_start3A_19 = arith.constant 0 : i32
    %dma_start3A_20 = arith.constant 0 : i32
    %dma_start3A_21 = tpu.memref_slice %arg2[%dma_start3A_19, %dma_start3A_20] : memref<16384x256xf32, #tpu.memory_space<hbm>> -> memref<16384x256xf32, #tpu.memory_space<hbm>>
    tpu.enqueue_indirect_dma source(%dma_start3A_21 : memref<16384x256xf32, #tpu.memory_space<hbm>>) target(%arg6 : memref<256x256xf32, #tpu.memory_space<vmem>>) offsets(%arg5 : memref<256xi32, #tpu.memory_space<vmem>>) semaphore(%arg7 : memref<!tpu.dma_semaphore, #tpu.memory_space<semaphore_mem>>)
    %dma_wait3A_22 = arith.constant 0 : i32
    %dma_wait3A_23 = arith.constant 0 : i32
    %dma_wait3A_24 = tpu.memref_slice %arg2[%dma_wait3A_22, %dma_wait3A_23] : memref<16384x256xf32, #tpu.memory_space<hbm>> -> memref<16384x256xf32, #tpu.memory_space<hbm>>
    tpu.wait_indirect_dma semaphore(%arg7 : memref<!tpu.dma_semaphore, #tpu.memory_space<semaphore_mem>>) src(%dma_wait3A_24 : memref<16384x256xf32, #tpu.memory_space<hbm>>) dst(%arg6 : memref<256x256xf32, #tpu.memory_space<vmem>>)
    "tpu.region"() ({
      %run_scoped3A = tpu.sem_alloc : memref<!tpu.dma_semaphore, #tpu.memory_space<semaphore_mem>>
      %dma_start3A_65 = arith.constant 0 : i32
      %dma_start3A_66 = tpu.memref_slice %arg4[%add3A_18, %dma_start3A_65] : memref<65536x256xf32, #tpu.memory_space<hbm>> -> memref<256x256xf32, #tpu.memory_space<hbm>>
      %dma_start3A_67 = arith.constant 0 : i32
      %dma_start3A_68 = tpu.memref_slice %arg4[%add3A_18, %dma_start3A_67] : memref<65536x256xf32, #tpu.memory_space<hbm>> -> memref<256x256xf32, #tpu.memory_space<hbm>>
      tpu.enqueue_dma source(%arg6 : memref<256x256xf32, #tpu.memory_space<vmem>>) target(%dma_start3A_68 : memref<256x256xf32, #tpu.memory_space<hbm>>) target_semaphore(%run_scoped3A : memref<!tpu.dma_semaphore, #tpu.memory_space<semaphore_mem>>)
      %dma_wait3A_69 = arith.constant 0 : i32
      %dma_wait3A_70 = tpu.memref_slice %arg4[%add3A_18, %dma_wait3A_69] : memref<65536x256xf32, #tpu.memory_space<hbm>> -> memref<256x256xf32, #tpu.memory_space<hbm>>
      %dma_wait3A_71 = arith.constant 0 : i32
      %dma_wait3A_72 = tpu.memref_slice %arg4[%add3A_18, %dma_wait3A_71] : memref<65536x256xf32, #tpu.memory_space<hbm>> -> memref<256x256xf32, #tpu.memory_space<hbm>>
      tpu.wait_dma2 semaphore(%run_scoped3A : memref<!tpu.dma_semaphore, #tpu.memory_space<semaphore_mem>>) src(%arg6 : memref<256x256xf32, #tpu.memory_space<vmem>>) dst(%dma_wait3A_72 : memref<256x256xf32, #tpu.memory_space<hbm>>)
      tpu.yield
    }) : () -> ()
    %add3A_25 = arith.constant 768 : i32
    %add3A_26 = arith.addi %mul3A_2, %add3A_25 : i32
    "tpu.region"() ({
      %run_scoped3A = tpu.sem_alloc : memref<!tpu.dma_semaphore, #tpu.memory_space<semaphore_mem>>
      %dma_start3A_65 = tpu.memref_slice %arg3[%add3A_26] : memref<65536xi32, #tpu.memory_space<hbm>> -> memref<256xi32, #tpu.memory_space<hbm>>
      %dma_start3A_66 = tpu.memref_slice %arg3[%add3A_26] : memref<65536xi32, #tpu.memory_space<hbm>> -> memref<256xi32, #tpu.memory_space<hbm>>
      tpu.enqueue_dma source(%dma_start3A_66 : memref<256xi32, #tpu.memory_space<hbm>>) target(%arg5 : memref<256xi32, #tpu.memory_space<vmem>>) target_semaphore(%run_scoped3A : memref<!tpu.dma_semaphore, #tpu.memory_space<semaphore_mem>>)
      %dma_wait3A_67 = tpu.memref_slice %arg3[%add3A_26] : memref<65536xi32, #tpu.memory_space<hbm>> -> memref<256xi32, #tpu.memory_space<hbm>>
      %dma_wait3A_68 = tpu.memref_slice %arg3[%add3A_26] : memref<65536xi32, #tpu.memory_space<hbm>> -> memref<256xi32, #tpu.memory_space<hbm>>
      tpu.wait_dma2 semaphore(%run_scoped3A : memref<!tpu.dma_semaphore, #tpu.memory_space<semaphore_mem>>) src(%dma_wait3A_68 : memref<256xi32, #tpu.memory_space<hbm>>) dst(%arg5 : memref<256xi32, #tpu.memory_space<vmem>>)
      tpu.yield
    }) : () -> ()
    %dma_start3A_27 = arith.constant 0 : i32
    %dma_start3A_28 = arith.constant 0 : i32
    %dma_start3A_29 = tpu.memref_slice %arg2[%dma_start3A_27, %dma_start3A_28] : memref<16384x256xf32, #tpu.memory_space<hbm>> -> memref<16384x256xf32, #tpu.memory_space<hbm>>
    tpu.enqueue_indirect_dma source(%dma_start3A_29 : memref<16384x256xf32, #tpu.memory_space<hbm>>) target(%arg6 : memref<256x256xf32, #tpu.memory_space<vmem>>) offsets(%arg5 : memref<256xi32, #tpu.memory_space<vmem>>) semaphore(%arg7 : memref<!tpu.dma_semaphore, #tpu.memory_space<semaphore_mem>>)
    %dma_wait3A_30 = arith.constant 0 : i32
    %dma_wait3A_31 = arith.constant 0 : i32
    %dma_wait3A_32 = tpu.memref_slice %arg2[%dma_wait3A_30, %dma_wait3A_31] : memref<16384x256xf32, #tpu.memory_space<hbm>> -> memref<16384x256xf32, #tpu.memory_space<hbm>>
    tpu.wait_indirect_dma semaphore(%arg7 : memref<!tpu.dma_semaphore, #tpu.memory_space<semaphore_mem>>) src(%dma_wait3A_32 : memref<16384x256xf32, #tpu.memory_space<hbm>>) dst(%arg6 : memref<256x256xf32, #tpu.memory_space<vmem>>)
    "tpu.region"() ({
      %run_scoped3A = tpu.sem_alloc : memref<!tpu.dma_semaphore, #tpu.memory_space<semaphore_mem>>
      %dma_start3A_65 = arith.constant 0 : i32
      %dma_start3A_66 = tpu.memref_slice %arg4[%add3A_26, %dma_start3A_65] : memref<65536x256xf32, #tpu.memory_space<hbm>> -> memref<256x256xf32, #tpu.memory_space<hbm>>
      %dma_start3A_67 = arith.constant 0 : i32
      %dma_start3A_68 = tpu.memref_slice %arg4[%add3A_26, %dma_start3A_67] : memref<65536x256xf32, #tpu.memory_space<hbm>> -> memref<256x256xf32, #tpu.memory_space<hbm>>
      tpu.enqueue_dma source(%arg6 : memref<256x256xf32, #tpu.memory_space<vmem>>) target(%dma_start3A_68 : memref<256x256xf32, #tpu.memory_space<hbm>>) target_semaphore(%run_scoped3A : memref<!tpu.dma_semaphore, #tpu.memory_space<semaphore_mem>>)
      %dma_wait3A_69 = arith.constant 0 : i32
      %dma_wait3A_70 = tpu.memref_slice %arg4[%add3A_26, %dma_wait3A_69] : memref<65536x256xf32, #tpu.memory_space<hbm>> -> memref<256x256xf32, #tpu.memory_space<hbm>>
      %dma_wait3A_71 = arith.constant 0 : i32
      %dma_wait3A_72 = tpu.memref_slice %arg4[%add3A_26, %dma_wait3A_71] : memref<65536x256xf32, #tpu.memory_space<hbm>> -> memref<256x256xf32, #tpu.memory_space<hbm>>
      tpu.wait_dma2 semaphore(%run_scoped3A : memref<!tpu.dma_semaphore, #tpu.memory_space<semaphore_mem>>) src(%arg6 : memref<256x256xf32, #tpu.memory_space<vmem>>) dst(%dma_wait3A_72 : memref<256x256xf32, #tpu.memory_space<hbm>>)
      tpu.yield
    }) : () -> ()
    %add3A_33 = arith.constant 1024 : i32
    %add3A_34 = arith.addi %mul3A_2, %add3A_33 : i32
    "tpu.region"() ({
      %run_scoped3A = tpu.sem_alloc : memref<!tpu.dma_semaphore, #tpu.memory_space<semaphore_mem>>
      %dma_start3A_65 = tpu.memref_slice %arg3[%add3A_34] : memref<65536xi32, #tpu.memory_space<hbm>> -> memref<256xi32, #tpu.memory_space<hbm>>
      %dma_start3A_66 = tpu.memref_slice %arg3[%add3A_34] : memref<65536xi32, #tpu.memory_space<hbm>> -> memref<256xi32, #tpu.memory_space<hbm>>
      tpu.enqueue_dma source(%dma_start3A_66 : memref<256xi32, #tpu.memory_space<hbm>>) target(%arg5 : memref<256xi32, #tpu.memory_space<vmem>>) target_semaphore(%run_scoped3A : memref<!tpu.dma_semaphore, #tpu.memory_space<semaphore_mem>>)
      %dma_wait3A_67 = tpu.memref_slice %arg3[%add3A_34] : memref<65536xi32, #tpu.memory_space<hbm>> -> memref<256xi32, #tpu.memory_space<hbm>>
      %dma_wait3A_68 = tpu.memref_slice %arg3[%add3A_34] : memref<65536xi32, #tpu.memory_space<hbm>> -> memref<256xi32, #tpu.memory_space<hbm>>
      tpu.wait_dma2 semaphore(%run_scoped3A : memref<!tpu.dma_semaphore, #tpu.memory_space<semaphore_mem>>) src(%dma_wait3A_68 : memref<256xi32, #tpu.memory_space<hbm>>) dst(%arg5 : memref<256xi32, #tpu.memory_space<vmem>>)
      tpu.yield
    }) : () -> ()
    %dma_start3A_35 = arith.constant 0 : i32
    %dma_start3A_36 = arith.constant 0 : i32
    %dma_start3A_37 = tpu.memref_slice %arg2[%dma_start3A_35, %dma_start3A_36] : memref<16384x256xf32, #tpu.memory_space<hbm>> -> memref<16384x256xf32, #tpu.memory_space<hbm>>
    tpu.enqueue_indirect_dma source(%dma_start3A_37 : memref<16384x256xf32, #tpu.memory_space<hbm>>) target(%arg6 : memref<256x256xf32, #tpu.memory_space<vmem>>) offsets(%arg5 : memref<256xi32, #tpu.memory_space<vmem>>) semaphore(%arg7 : memref<!tpu.dma_semaphore, #tpu.memory_space<semaphore_mem>>)
    %dma_wait3A_38 = arith.constant 0 : i32
    %dma_wait3A_39 = arith.constant 0 : i32
    %dma_wait3A_40 = tpu.memref_slice %arg2[%dma_wait3A_38, %dma_wait3A_39] : memref<16384x256xf32, #tpu.memory_space<hbm>> -> memref<16384x256xf32, #tpu.memory_space<hbm>>
    tpu.wait_indirect_dma semaphore(%arg7 : memref<!tpu.dma_semaphore, #tpu.memory_space<semaphore_mem>>) src(%dma_wait3A_40 : memref<16384x256xf32, #tpu.memory_space<hbm>>) dst(%arg6 : memref<256x256xf32, #tpu.memory_space<vmem>>)
    "tpu.region"() ({
      %run_scoped3A = tpu.sem_alloc : memref<!tpu.dma_semaphore, #tpu.memory_space<semaphore_mem>>
      %dma_start3A_65 = arith.constant 0 : i32
      %dma_start3A_66 = tpu.memref_slice %arg4[%add3A_34, %dma_start3A_65] : memref<65536x256xf32, #tpu.memory_space<hbm>> -> memref<256x256xf32, #tpu.memory_space<hbm>>
      %dma_start3A_67 = arith.constant 0 : i32
      %dma_start3A_68 = tpu.memref_slice %arg4[%add3A_34, %dma_start3A_67] : memref<65536x256xf32, #tpu.memory_space<hbm>> -> memref<256x256xf32, #tpu.memory_space<hbm>>
      tpu.enqueue_dma source(%arg6 : memref<256x256xf32, #tpu.memory_space<vmem>>) target(%dma_start3A_68 : memref<256x256xf32, #tpu.memory_space<hbm>>) target_semaphore(%run_scoped3A : memref<!tpu.dma_semaphore, #tpu.memory_space<semaphore_mem>>)
      %dma_wait3A_69 = arith.constant 0 : i32
      %dma_wait3A_70 = tpu.memref_slice %arg4[%add3A_34, %dma_wait3A_69] : memref<65536x256xf32, #tpu.memory_space<hbm>> -> memref<256x256xf32, #tpu.memory_space<hbm>>
      %dma_wait3A_71 = arith.constant 0 : i32
      %dma_wait3A_72 = tpu.memref_slice %arg4[%add3A_34, %dma_wait3A_71] : memref<65536x256xf32, #tpu.memory_space<hbm>> -> memref<256x256xf32, #tpu.memory_space<hbm>>
      tpu.wait_dma2 semaphore(%run_scoped3A : memref<!tpu.dma_semaphore, #tpu.memory_space<semaphore_mem>>) src(%arg6 : memref<256x256xf32, #tpu.memory_space<vmem>>) dst(%dma_wait3A_72 : memref<256x256xf32, #tpu.memory_space<hbm>>)
      tpu.yield
    }) : () -> ()
    %add3A_41 = arith.constant 1280 : i32
    %add3A_42 = arith.addi %mul3A_2, %add3A_41 : i32
    "tpu.region"() ({
      %run_scoped3A = tpu.sem_alloc : memref<!tpu.dma_semaphore, #tpu.memory_space<semaphore_mem>>
      %dma_start3A_65 = tpu.memref_slice %arg3[%add3A_42] : memref<65536xi32, #tpu.memory_space<hbm>> -> memref<256xi32, #tpu.memory_space<hbm>>
      %dma_start3A_66 = tpu.memref_slice %arg3[%add3A_42] : memref<65536xi32, #tpu.memory_space<hbm>> -> memref<256xi32, #tpu.memory_space<hbm>>
      tpu.enqueue_dma source(%dma_start3A_66 : memref<256xi32, #tpu.memory_space<hbm>>) target(%arg5 : memref<256xi32, #tpu.memory_space<vmem>>) target_semaphore(%run_scoped3A : memref<!tpu.dma_semaphore, #tpu.memory_space<semaphore_mem>>)
      %dma_wait3A_67 = tpu.memref_slice %arg3[%add3A_42] : memref<65536xi32, #tpu.memory_space<hbm>> -> memref<256xi32, #tpu.memory_space<hbm>>
      %dma_wait3A_68 = tpu.memref_slice %arg3[%add3A_42] : memref<65536xi32, #tpu.memory_space<hbm>> -> memref<256xi32, #tpu.memory_space<hbm>>
      tpu.wait_dma2 semaphore(%run_scoped3A : memref<!tpu.dma_semaphore, #tpu.memory_space<semaphore_mem>>) src(%dma_wait3A_68 : memref<256xi32, #tpu.memory_space<hbm>>) dst(%arg5 : memref<256xi32, #tpu.memory_space<vmem>>)
      tpu.yield
    }) : () -> ()
    %dma_start3A_43 = arith.constant 0 : i32
    %dma_start3A_44 = arith.constant 0 : i32
    %dma_start3A_45 = tpu.memref_slice %arg2[%dma_start3A_43, %dma_start3A_44] : memref<16384x256xf32, #tpu.memory_space<hbm>> -> memref<16384x256xf32, #tpu.memory_space<hbm>>
    tpu.enqueue_indirect_dma source(%dma_start3A_45 : memref<16384x256xf32, #tpu.memory_space<hbm>>) target(%arg6 : memref<256x256xf32, #tpu.memory_space<vmem>>) offsets(%arg5 : memref<256xi32, #tpu.memory_space<vmem>>) semaphore(%arg7 : memref<!tpu.dma_semaphore, #tpu.memory_space<semaphore_mem>>)
    %dma_wait3A_46 = arith.constant 0 : i32
    %dma_wait3A_47 = arith.constant 0 : i32
    %dma_wait3A_48 = tpu.memref_slice %arg2[%dma_wait3A_46, %dma_wait3A_47] : memref<16384x256xf32, #tpu.memory_space<hbm>> -> memref<16384x256xf32, #tpu.memory_space<hbm>>
    tpu.wait_indirect_dma semaphore(%arg7 : memref<!tpu.dma_semaphore, #tpu.memory_space<semaphore_mem>>) src(%dma_wait3A_48 : memref<16384x256xf32, #tpu.memory_space<hbm>>) dst(%arg6 : memref<256x256xf32, #tpu.memory_space<vmem>>)
    "tpu.region"() ({
      %run_scoped3A = tpu.sem_alloc : memref<!tpu.dma_semaphore, #tpu.memory_space<semaphore_mem>>
      %dma_start3A_65 = arith.constant 0 : i32
      %dma_start3A_66 = tpu.memref_slice %arg4[%add3A_42, %dma_start3A_65] : memref<65536x256xf32, #tpu.memory_space<hbm>> -> memref<256x256xf32, #tpu.memory_space<hbm>>
      %dma_start3A_67 = arith.constant 0 : i32
      %dma_start3A_68 = tpu.memref_slice %arg4[%add3A_42, %dma_start3A_67] : memref<65536x256xf32, #tpu.memory_space<hbm>> -> memref<256x256xf32, #tpu.memory_space<hbm>>
      tpu.enqueue_dma source(%arg6 : memref<256x256xf32, #tpu.memory_space<vmem>>) target(%dma_start3A_68 : memref<256x256xf32, #tpu.memory_space<hbm>>) target_semaphore(%run_scoped3A : memref<!tpu.dma_semaphore, #tpu.memory_space<semaphore_mem>>)
      %dma_wait3A_69 = arith.constant 0 : i32
      %dma_wait3A_70 = tpu.memref_slice %arg4[%add3A_42, %dma_wait3A_69] : memref<65536x256xf32, #tpu.memory_space<hbm>> -> memref<256x256xf32, #tpu.memory_space<hbm>>
      %dma_wait3A_71 = arith.constant 0 : i32
      %dma_wait3A_72 = tpu.memref_slice %arg4[%add3A_42, %dma_wait3A_71] : memref<65536x256xf32, #tpu.memory_space<hbm>> -> memref<256x256xf32, #tpu.memory_space<hbm>>
      tpu.wait_dma2 semaphore(%run_scoped3A : memref<!tpu.dma_semaphore, #tpu.memory_space<semaphore_mem>>) src(%arg6 : memref<256x256xf32, #tpu.memory_space<vmem>>) dst(%dma_wait3A_72 : memref<256x256xf32, #tpu.memory_space<hbm>>)
      tpu.yield
    }) : () -> ()
    %add3A_49 = arith.constant 1536 : i32
    %add3A_50 = arith.addi %mul3A_2, %add3A_49 : i32
    "tpu.region"() ({
      %run_scoped3A = tpu.sem_alloc : memref<!tpu.dma_semaphore, #tpu.memory_space<semaphore_mem>>
      %dma_start3A_65 = tpu.memref_slice %arg3[%add3A_50] : memref<65536xi32, #tpu.memory_space<hbm>> -> memref<256xi32, #tpu.memory_space<hbm>>
      %dma_start3A_66 = tpu.memref_slice %arg3[%add3A_50] : memref<65536xi32, #tpu.memory_space<hbm>> -> memref<256xi32, #tpu.memory_space<hbm>>
      tpu.enqueue_dma source(%dma_start3A_66 : memref<256xi32, #tpu.memory_space<hbm>>) target(%arg5 : memref<256xi32, #tpu.memory_space<vmem>>) target_semaphore(%run_scoped3A : memref<!tpu.dma_semaphore, #tpu.memory_space<semaphore_mem>>)
      %dma_wait3A_67 = tpu.memref_slice %arg3[%add3A_50] : memref<65536xi32, #tpu.memory_space<hbm>> -> memref<256xi32, #tpu.memory_space<hbm>>
      %dma_wait3A_68 = tpu.memref_slice %arg3[%add3A_50] : memref<65536xi32, #tpu.memory_space<hbm>> -> memref<256xi32, #tpu.memory_space<hbm>>
      tpu.wait_dma2 semaphore(%run_scoped3A : memref<!tpu.dma_semaphore, #tpu.memory_space<semaphore_mem>>) src(%dma_wait3A_68 : memref<256xi32, #tpu.memory_space<hbm>>) dst(%arg5 : memref<256xi32, #tpu.memory_space<vmem>>)
      tpu.yield
    }) : () -> ()
    %dma_start3A_51 = arith.constant 0 : i32
    %dma_start3A_52 = arith.constant 0 : i32
    %dma_start3A_53 = tpu.memref_slice %arg2[%dma_start3A_51, %dma_start3A_52] : memref<16384x256xf32, #tpu.memory_space<hbm>> -> memref<16384x256xf32, #tpu.memory_space<hbm>>
    tpu.enqueue_indirect_dma source(%dma_start3A_53 : memref<16384x256xf32, #tpu.memory_space<hbm>>) target(%arg6 : memref<256x256xf32, #tpu.memory_space<vmem>>) offsets(%arg5 : memref<256xi32, #tpu.memory_space<vmem>>) semaphore(%arg7 : memref<!tpu.dma_semaphore, #tpu.memory_space<semaphore_mem>>)
    %dma_wait3A_54 = arith.constant 0 : i32
    %dma_wait3A_55 = arith.constant 0 : i32
    %dma_wait3A_56 = tpu.memref_slice %arg2[%dma_wait3A_54, %dma_wait3A_55] : memref<16384x256xf32, #tpu.memory_space<hbm>> -> memref<16384x256xf32, #tpu.memory_space<hbm>>
    tpu.wait_indirect_dma semaphore(%arg7 : memref<!tpu.dma_semaphore, #tpu.memory_space<semaphore_mem>>) src(%dma_wait3A_56 : memref<16384x256xf32, #tpu.memory_space<hbm>>) dst(%arg6 : memref<256x256xf32, #tpu.memory_space<vmem>>)
    "tpu.region"() ({
      %run_scoped3A = tpu.sem_alloc : memref<!tpu.dma_semaphore, #tpu.memory_space<semaphore_mem>>
      %dma_start3A_65 = arith.constant 0 : i32
      %dma_start3A_66 = tpu.memref_slice %arg4[%add3A_50, %dma_start3A_65] : memref<65536x256xf32, #tpu.memory_space<hbm>> -> memref<256x256xf32, #tpu.memory_space<hbm>>
      %dma_start3A_67 = arith.constant 0 : i32
      %dma_start3A_68 = tpu.memref_slice %arg4[%add3A_50, %dma_start3A_67] : memref<65536x256xf32, #tpu.memory_space<hbm>> -> memref<256x256xf32, #tpu.memory_space<hbm>>
      tpu.enqueue_dma source(%arg6 : memref<256x256xf32, #tpu.memory_space<vmem>>) target(%dma_start3A_68 : memref<256x256xf32, #tpu.memory_space<hbm>>) target_semaphore(%run_scoped3A : memref<!tpu.dma_semaphore, #tpu.memory_space<semaphore_mem>>)
      %dma_wait3A_69 = arith.constant 0 : i32
      %dma_wait3A_70 = tpu.memref_slice %arg4[%add3A_50, %dma_wait3A_69] : memref<65536x256xf32, #tpu.memory_space<hbm>> -> memref<256x256xf32, #tpu.memory_space<hbm>>
      %dma_wait3A_71 = arith.constant 0 : i32
      %dma_wait3A_72 = tpu.memref_slice %arg4[%add3A_50, %dma_wait3A_71] : memref<65536x256xf32, #tpu.memory_space<hbm>> -> memref<256x256xf32, #tpu.memory_space<hbm>>
      tpu.wait_dma2 semaphore(%run_scoped3A : memref<!tpu.dma_semaphore, #tpu.memory_space<semaphore_mem>>) src(%arg6 : memref<256x256xf32, #tpu.memory_space<vmem>>) dst(%dma_wait3A_72 : memref<256x256xf32, #tpu.memory_space<hbm>>)
      tpu.yield
    }) : () -> ()
    %add3A_57 = arith.constant 1792 : i32
    %add3A_58 = arith.addi %mul3A_2, %add3A_57 : i32
    "tpu.region"() ({
      %run_scoped3A = tpu.sem_alloc : memref<!tpu.dma_semaphore, #tpu.memory_space<semaphore_mem>>
      %dma_start3A_65 = tpu.memref_slice %arg3[%add3A_58] : memref<65536xi32, #tpu.memory_space<hbm>> -> memref<256xi32, #tpu.memory_space<hbm>>
      %dma_start3A_66 = tpu.memref_slice %arg3[%add3A_58] : memref<65536xi32, #tpu.memory_space<hbm>> -> memref<256xi32, #tpu.memory_space<hbm>>
      tpu.enqueue_dma source(%dma_start3A_66 : memref<256xi32, #tpu.memory_space<hbm>>) target(%arg5 : memref<256xi32, #tpu.memory_space<vmem>>) target_semaphore(%run_scoped3A : memref<!tpu.dma_semaphore, #tpu.memory_space<semaphore_mem>>)
      %dma_wait3A_67 = tpu.memref_slice %arg3[%add3A_58] : memref<65536xi32, #tpu.memory_space<hbm>> -> memref<256xi32, #tpu.memory_space<hbm>>
      %dma_wait3A_68 = tpu.memref_slice %arg3[%add3A_58] : memref<65536xi32, #tpu.memory_space<hbm>> -> memref<256xi32, #tpu.memory_space<hbm>>
      tpu.wait_dma2 semaphore(%run_scoped3A : memref<!tpu.dma_semaphore, #tpu.memory_space<semaphore_mem>>) src(%dma_wait3A_68 : memref<256xi32, #tpu.memory_space<hbm>>) dst(%arg5 : memref<256xi32, #tpu.memory_space<vmem>>)
      tpu.yield
    }) : () -> ()
    %dma_start3A_59 = arith.constant 0 : i32
    %dma_start3A_60 = arith.constant 0 : i32
    %dma_start3A_61 = tpu.memref_slice %arg2[%dma_start3A_59, %dma_start3A_60] : memref<16384x256xf32, #tpu.memory_space<hbm>> -> memref<16384x256xf32, #tpu.memory_space<hbm>>
    tpu.enqueue_indirect_dma source(%dma_start3A_61 : memref<16384x256xf32, #tpu.memory_space<hbm>>) target(%arg6 : memref<256x256xf32, #tpu.memory_space<vmem>>) offsets(%arg5 : memref<256xi32, #tpu.memory_space<vmem>>) semaphore(%arg7 : memref<!tpu.dma_semaphore, #tpu.memory_space<semaphore_mem>>)
    %dma_wait3A_62 = arith.constant 0 : i32
    %dma_wait3A_63 = arith.constant 0 : i32
    %dma_wait3A_64 = tpu.memref_slice %arg2[%dma_wait3A_62, %dma_wait3A_63] : memref<16384x256xf32, #tpu.memory_space<hbm>> -> memref<16384x256xf32, #tpu.memory_space<hbm>>
    tpu.wait_indirect_dma semaphore(%arg7 : memref<!tpu.dma_semaphore, #tpu.memory_space<semaphore_mem>>) src(%dma_wait3A_64 : memref<16384x256xf32, #tpu.memory_space<hbm>>) dst(%arg6 : memref<256x256xf32, #tpu.memory_space<vmem>>)
    "tpu.region"() ({
      %run_scoped3A = tpu.sem_alloc : memref<!tpu.dma_semaphore, #tpu.memory_space<semaphore_mem>>
      %dma_start3A_65 = arith.constant 0 : i32
      %dma_start3A_66 = tpu.memref_slice %arg4[%add3A_58, %dma_start3A_65] : memref<65536x256xf32, #tpu.memory_space<hbm>> -> memref<256x256xf32, #tpu.memory_space<hbm>>
      %dma_start3A_67 = arith.constant 0 : i32
      %dma_start3A_68 = tpu.memref_slice %arg4[%add3A_58, %dma_start3A_67] : memref<65536x256xf32, #tpu.memory_space<hbm>> -> memref<256x256xf32, #tpu.memory_space<hbm>>
      tpu.enqueue_dma source(%arg6 : memref<256x256xf32, #tpu.memory_space<vmem>>) target(%dma_start3A_68 : memref<256x256xf32, #tpu.memory_space<hbm>>) target_semaphore(%run_scoped3A : memref<!tpu.dma_semaphore, #tpu.memory_space<semaphore_mem>>)
      %dma_wait3A_69 = arith.constant 0 : i32
      %dma_wait3A_70 = tpu.memref_slice %arg4[%add3A_58, %dma_wait3A_69] : memref<65536x256xf32, #tpu.memory_space<hbm>> -> memref<256x256xf32, #tpu.memory_space<hbm>>
      %dma_wait3A_71 = arith.constant 0 : i32
      %dma_wait3A_72 = tpu.memref_slice %arg4[%add3A_58, %dma_wait3A_71] : memref<65536x256xf32, #tpu.memory_space<hbm>> -> memref<256x256xf32, #tpu.memory_space<hbm>>
      tpu.wait_dma2 semaphore(%run_scoped3A : memref<!tpu.dma_semaphore, #tpu.memory_space<semaphore_mem>>) src(%arg6 : memref<256x256xf32, #tpu.memory_space<vmem>>) dst(%dma_wait3A_72 : memref<256x256xf32, #tpu.memory_space<hbm>>)
      tpu.yield
    }) : () -> ()
    return
  }
}

module attributes {stable_mosaic.version = 14 : i64} {
  func.func @_bq_body(%arg0: i32, %arg1: i32, %arg2: memref<1x3x4096xf32, #tpu.memory_space<vmem>>, %arg3: memref<1x4096x3xf32, #tpu.memory_space<vmem>>, %arg4: memref<1x8x3xf32, #tpu.memory_space<vmem>>, %arg5: memref<3x64xf32, #tpu.memory_space<vmem>>, %arg6: memref<1x64xf32, #tpu.memory_space<vmem>>, %arg7: memref<64x64xf32, #tpu.memory_space<vmem>>, %arg8: memref<1x64xf32, #tpu.memory_space<vmem>>, %arg9: memref<64x64xf32, #tpu.memory_space<vmem>>, %arg10: memref<1x64xf32, #tpu.memory_space<vmem>>, %arg11: memref<1x8x32x64xf32, #tpu.memory_space<vmem>>, %arg12: memref<1x8x32xi32, #tpu.memory_space<vmem>>, %arg13: memref<32x8x4096xf32, #tpu.memory_space<vmem>>) attributes {dimension_semantics = [#tpu.dimension_semantics<arbitrary>, #tpu.dimension_semantics<arbitrary>], iteration_bounds = array<i64: 4, 64>, scalar_prefetch = 0 : i64, scratch_operands = 1 : i64, tpu.core_type = #tpu.core_type<tc>, window_params = [{transform_indices = @transform_0, window_bounds = array<i64: 1, 3, 4096>}, {transform_indices = @transform_1, window_bounds = array<i64: 1, 4096, 3>}, {transform_indices = @transform_2, window_bounds = array<i64: 1, 8, 3>}, {pipeline_mode = #tpu.pipeline_mode<synchronous>, transform_indices = @transform_3, window_bounds = array<i64: 3, 64>}, {pipeline_mode = #tpu.pipeline_mode<synchronous>, transform_indices = @transform_4, window_bounds = array<i64: 1, 64>}, {pipeline_mode = #tpu.pipeline_mode<synchronous>, transform_indices = @transform_5, window_bounds = array<i64: 64, 64>}, {pipeline_mode = #tpu.pipeline_mode<synchronous>, transform_indices = @transform_6, window_bounds = array<i64: 1, 64>}, {pipeline_mode = #tpu.pipeline_mode<synchronous>, transform_indices = @transform_7, window_bounds = array<i64: 64, 64>}, {pipeline_mode = #tpu.pipeline_mode<synchronous>, transform_indices = @transform_8, window_bounds = array<i64: 1, 64>}, {transform_indices = @transform_9, window_bounds = array<i64: 1, 8, 32, 64>}, {transform_indices = @transform_10, window_bounds = array<i64: 1, 8, 32>}]} {
    %iota3A = tpu.iota {dimensions = array<i32: 1>} : vector<8x4096xi32>
    %convert_element_type3A = arith.sitofp %iota3A : vector<8x4096xi32> to vector<8x4096xf32>
    %broadcast_in_dim3A = arith.constant 0.000000e+00 : f32
    %broadcast_in_dim3A_0 = vector.broadcast %broadcast_in_dim3A : f32 to vector<8x4096xf32>
    %get3A = arith.constant 0 : index
    %get3A_1 = arith.constant 0 : index
    %get3A_2 = arith.constant 0 : index
    %get3A_3 = vector.load %arg4[%get3A, %get3A_1, %get3A_2] : memref<1x8x3xf32, #tpu.memory_space<vmem>>, vector<1x8x1xf32>
    %get3A_4 = vector.shape_cast %get3A_3 : vector<1x8x1xf32> to vector<8x1xf32>
    %get3A_5 = arith.constant 0 : index
    %get3A_6 = arith.constant 0 : index
    %get3A_7 = arith.constant 0 : index
    %get3A_8 = vector.load %arg2[%get3A_5, %get3A_6, %get3A_7] : memref<1x3x4096xf32, #tpu.memory_space<vmem>>, vector<1x1x4096xf32>
    %get3A_9 = vector.shape_cast %get3A_8 : vector<1x1x4096xf32> to vector<1x4096xf32>
    %sub3A = vector.broadcast %get3A_4 : vector<8x1xf32> to vector<8x4096xf32>
    %sub3A_10 = vector.broadcast %get3A_9 : vector<1x4096xf32> to vector<8x4096xf32>
    %sub3A_11 = arith.subf %sub3A, %sub3A_10 : vector<8x4096xf32>
    %integer_pow3A = arith.mulf %sub3A_11, %sub3A_11 : vector<8x4096xf32>
    %add3A = arith.addf %broadcast_in_dim3A_0, %integer_pow3A : vector<8x4096xf32>
    %get3A_12 = arith.constant 0 : index
    %get3A_13 = arith.constant 0 : index
    %get3A_14 = arith.constant 1 : index
    %get3A_15 = vector.load %arg4[%get3A_12, %get3A_13, %get3A_14] : memref<1x8x3xf32, #tpu.memory_space<vmem>>, vector<1x8x1xf32>
    %get3A_16 = vector.shape_cast %get3A_15 : vector<1x8x1xf32> to vector<8x1xf32>
    %get3A_17 = arith.constant 0 : index
    %get3A_18 = arith.constant 1 : index
    %get3A_19 = arith.constant 0 : index
    %get3A_20 = vector.load %arg2[%get3A_17, %get3A_18, %get3A_19] : memref<1x3x4096xf32, #tpu.memory_space<vmem>>, vector<1x1x4096xf32>
    %get3A_21 = vector.shape_cast %get3A_20 : vector<1x1x4096xf32> to vector<1x4096xf32>
    %sub3A_22 = vector.broadcast %get3A_16 : vector<8x1xf32> to vector<8x4096xf32>
    %sub3A_23 = vector.broadcast %get3A_21 : vector<1x4096xf32> to vector<8x4096xf32>
    %sub3A_24 = arith.subf %sub3A_22, %sub3A_23 : vector<8x4096xf32>
    %integer_pow3A_25 = arith.mulf %sub3A_24, %sub3A_24 : vector<8x4096xf32>
    %add3A_26 = arith.addf %add3A, %integer_pow3A_25 : vector<8x4096xf32>
    %get3A_27 = arith.constant 0 : index
    %get3A_28 = arith.constant 0 : index
    %get3A_29 = arith.constant 2 : index
    %get3A_30 = vector.load %arg4[%get3A_27, %get3A_28, %get3A_29] : memref<1x8x3xf32, #tpu.memory_space<vmem>>, vector<1x8x1xf32>
    %get3A_31 = vector.shape_cast %get3A_30 : vector<1x8x1xf32> to vector<8x1xf32>
    %get3A_32 = arith.constant 0 : index
    %get3A_33 = arith.constant 2 : index
    %get3A_34 = arith.constant 0 : index
    %get3A_35 = vector.load %arg2[%get3A_32, %get3A_33, %get3A_34] : memref<1x3x4096xf32, #tpu.memory_space<vmem>>, vector<1x1x4096xf32>
    %get3A_36 = vector.shape_cast %get3A_35 : vector<1x1x4096xf32> to vector<1x4096xf32>
    %sub3A_37 = vector.broadcast %get3A_31 : vector<8x1xf32> to vector<8x4096xf32>
    %sub3A_38 = vector.broadcast %get3A_36 : vector<1x4096xf32> to vector<8x4096xf32>
    %sub3A_39 = arith.subf %sub3A_37, %sub3A_38 : vector<8x4096xf32>
    %integer_pow3A_40 = arith.mulf %sub3A_39, %sub3A_39 : vector<8x4096xf32>
    %add3A_41 = arith.addf %add3A_26, %integer_pow3A_40 : vector<8x4096xf32>
    %le3A = arith.constant 1.600000e-01 : f32
    %le3A_42 = vector.broadcast %le3A : f32 to vector<8x4096xf32>
    %le3A_43 = arith.cmpf ole, %add3A_41, %le3A_42 : vector<8x4096xf32>
    %jit3A = arith.constant 4.096000e+03 : f32
    %broadcast_in_dim3A_44 = vector.broadcast %jit3A : f32 to vector<8x4096xf32>
    %select_n3A = arith.select %le3A_43, %convert_element_type3A, %broadcast_in_dim3A_44 : vector<8x4096xi1>, vector<8x4096xf32>
    %reduce_min3A = arith.constant dense<0x7F800000> : vector<8xf32>
    %reduce_min3A_45 = vector.multi_reduction <minimumf>, %select_n3A, %reduce_min3A [1] : vector<8x4096xf32> to vector<8xf32>
    %broadcast_in_dim3A_46 = vector.shape_cast %reduce_min3A_45 : vector<8xf32> to vector<8x1xf32>
    %ge3A = arith.constant 4.096000e+03 : f32
    %ge3A_47 = vector.broadcast %ge3A : f32 to vector<8x1xf32>
    %ge3A_48 = arith.cmpf oge, %broadcast_in_dim3A_46, %ge3A_47 : vector<8x1xf32>
    %select_n3A_49 = arith.select %ge3A_48, %broadcast_in_dim3A_46, %broadcast_in_dim3A_46 : vector<8x1xi1>, vector<8x1xf32>
    %eq3A = vector.broadcast %select_n3A_49 : vector<8x1xf32> to vector<8x4096xf32>
    %eq3A_50 = arith.cmpf oeq, %convert_element_type3A, %eq3A : vector<8x4096xf32>
    %convert_element_type3A_51 = arith.extui %eq3A_50 : vector<8x4096xi1> to vector<8x4096xi32>
    %convert_element_type3A_52 = arith.sitofp %convert_element_type3A_51 : vector<8x4096xi32> to vector<8x4096xf32>
    %swap3A = arith.constant 0 : index
    %swap3A_53 = arith.constant 0 : index
    %swap3A_54 = arith.constant 0 : index
    %swap3A_55 = vector.load %arg13[%swap3A, %swap3A_53, %swap3A_54] : memref<32x8x4096xf32, #tpu.memory_space<vmem>>, vector<1x8x4096xf32>
    %swap3A_56 = vector.shape_cast %swap3A_55 : vector<1x8x4096xf32> to vector<8x4096xf32>
    %swap3A_57 = vector.shape_cast %convert_element_type3A_52 : vector<8x4096xf32> to vector<1x8x4096xf32>
    tpu.vector_store %arg13[%swap3A, %swap3A_53, %swap3A_54], %swap3A_57 {strides = array<i32>} : memref<32x8x4096xf32, #tpu.memory_space<vmem>>, vector<1x8x4096xf32>,
    %not3A = arith.constant dense<true> : vector<8x4096xi1>
    %not3A_58 = arith.xori %eq3A_50, %not3A : vector<8x4096xi1>
    %and3A = arith.andi %le3A_43, %not3A_58 : vector<8x4096xi1>
    %jit3A_59 = arith.constant 4.096000e+03 : f32
    %broadcast_in_dim3A_60 = vector.broadcast %jit3A_59 : f32 to vector<8x4096xf32>
    %select_n3A_61 = arith.select %and3A, %convert_element_type3A, %broadcast_in_dim3A_60 : vector<8x4096xi1>, vector<8x4096xf32>
    %reduce_min3A_62 = arith.constant dense<0x7F800000> : vector<8xf32>
    %reduce_min3A_63 = vector.multi_reduction <minimumf>, %select_n3A_61, %reduce_min3A_62 [1] : vector<8x4096xf32> to vector<8xf32>
    %broadcast_in_dim3A_64 = vector.shape_cast %reduce_min3A_63 : vector<8xf32> to vector<8x1xf32>
    %ge3A_65 = arith.constant 4.096000e+03 : f32
    %ge3A_66 = vector.broadcast %ge3A_65 : f32 to vector<8x1xf32>
    %ge3A_67 = arith.cmpf oge, %broadcast_in_dim3A_64, %ge3A_66 : vector<8x1xf32>
    %select_n3A_68 = arith.select %ge3A_67, %broadcast_in_dim3A_46, %broadcast_in_dim3A_64 : vector<8x1xi1>, vector<8x1xf32>
    %eq3A_69 = vector.broadcast %select_n3A_68 : vector<8x1xf32> to vector<8x4096xf32>
    %eq3A_70 = arith.cmpf oeq, %convert_element_type3A, %eq3A_69 : vector<8x4096xf32>
    %convert_element_type3A_71 = arith.extui %eq3A_70 : vector<8x4096xi1> to vector<8x4096xi32>
    %convert_element_type3A_72 = arith.sitofp %convert_element_type3A_71 : vector<8x4096xi32> to vector<8x4096xf32>
    %swap3A_73 = arith.constant 1 : index
    %swap3A_74 = arith.constant 0 : index
    %swap3A_75 = arith.constant 0 : index
    %swap3A_76 = vector.load %arg13[%swap3A_73, %swap3A_74, %swap3A_75] : memref<32x8x4096xf32, #tpu.memory_space<vmem>>, vector<1x8x4096xf32>
    %swap3A_77 = vector.shape_cast %swap3A_76 : vector<1x8x4096xf32> to vector<8x4096xf32>
    %swap3A_78 = vector.shape_cast %convert_element_type3A_72 : vector<8x4096xf32> to vector<1x8x4096xf32>
    tpu.vector_store %arg13[%swap3A_73, %swap3A_74, %swap3A_75], %swap3A_78 {strides = array<i32>} : memref<32x8x4096xf32, #tpu.memory_space<vmem>>, vector<1x8x4096xf32>,
    %not3A_79 = arith.constant dense<true> : vector<8x4096xi1>
    %not3A_80 = arith.xori %eq3A_70, %not3A_79 : vector<8x4096xi1>
    %and3A_81 = arith.andi %and3A, %not3A_80 : vector<8x4096xi1>
    %jit3A_82 = arith.constant 4.096000e+03 : f32
    %broadcast_in_dim3A_83 = vector.broadcast %jit3A_82 : f32 to vector<8x4096xf32>
    %select_n3A_84 = arith.select %and3A_81, %convert_element_type3A, %broadcast_in_dim3A_83 : vector<8x4096xi1>, vector<8x4096xf32>
    %reduce_min3A_85 = arith.constant dense<0x7F800000> : vector<8xf32>
    %reduce_min3A_86 = vector.multi_reduction <minimumf>, %select_n3A_84, %reduce_min3A_85 [1] : vector<8x4096xf32> to vector<8xf32>
    %broadcast_in_dim3A_87 = vector.shape_cast %reduce_min3A_86 : vector<8xf32> to vector<8x1xf32>
    %ge3A_88 = arith.constant 4.096000e+03 : f32
    %ge3A_89 = vector.broadcast %ge3A_88 : f32 to vector<8x1xf32>
    %ge3A_90 = arith.cmpf oge, %broadcast_in_dim3A_87, %ge3A_89 : vector<8x1xf32>
    %select_n3A_91 = arith.select %ge3A_90, %broadcast_in_dim3A_46, %broadcast_in_dim3A_87 : vector<8x1xi1>, vector<8x1xf32>
    %eq3A_92 = vector.broadcast %select_n3A_91 : vector<8x1xf32> to vector<8x4096xf32>
    %eq3A_93 = arith.cmpf oeq, %convert_element_type3A, %eq3A_92 : vector<8x4096xf32>
    %convert_element_type3A_94 = arith.extui %eq3A_93 : vector<8x4096xi1> to vector<8x4096xi32>
    %convert_element_type3A_95 = arith.sitofp %convert_element_type3A_94 : vector<8x4096xi32> to vector<8x4096xf32>
    %swap3A_96 = arith.constant 2 : index
    %swap3A_97 = arith.constant 0 : index
    %swap3A_98 = arith.constant 0 : index
    %swap3A_99 = vector.load %arg13[%swap3A_96, %swap3A_97, %swap3A_98] : memref<32x8x4096xf32, #tpu.memory_space<vmem>>, vector<1x8x4096xf32>
    %swap3A_100 = vector.shape_cast %swap3A_99 : vector<1x8x4096xf32> to vector<8x4096xf32>
    %swap3A_101 = vector.shape_cast %convert_element_type3A_95 : vector<8x4096xf32> to vector<1x8x4096xf32>
    tpu.vector_store %arg13[%swap3A_96, %swap3A_97, %swap3A_98], %swap3A_101 {strides = array<i32>} : memref<32x8x4096xf32, #tpu.memory_space<vmem>>, vector<1x8x4096xf32>,
    %not3A_102 = arith.constant dense<true> : vector<8x4096xi1>
    %not3A_103 = arith.xori %eq3A_93, %not3A_102 : vector<8x4096xi1>
    %and3A_104 = arith.andi %and3A_81, %not3A_103 : vector<8x4096xi1>
    %jit3A_105 = arith.constant 4.096000e+03 : f32
    %broadcast_in_dim3A_106 = vector.broadcast %jit3A_105 : f32 to vector<8x4096xf32>
    %select_n3A_107 = arith.select %and3A_104, %convert_element_type3A, %broadcast_in_dim3A_106 : vector<8x4096xi1>, vector<8x4096xf32>
    %reduce_min3A_108 = arith.constant dense<0x7F800000> : vector<8xf32>
    %reduce_min3A_109 = vector.multi_reduction <minimumf>, %select_n3A_107, %reduce_min3A_108 [1] : vector<8x4096xf32> to vector<8xf32>
    %broadcast_in_dim3A_110 = vector.shape_cast %reduce_min3A_109 : vector<8xf32> to vector<8x1xf32>
    %ge3A_111 = arith.constant 4.096000e+03 : f32
    %ge3A_112 = vector.broadcast %ge3A_111 : f32 to vector<8x1xf32>
    %ge3A_113 = arith.cmpf oge, %broadcast_in_dim3A_110, %ge3A_112 : vector<8x1xf32>
    %select_n3A_114 = arith.select %ge3A_113, %broadcast_in_dim3A_46, %broadcast_in_dim3A_110 : vector<8x1xi1>, vector<8x1xf32>
    %eq3A_115 = vector.broadcast %select_n3A_114 : vector<8x1xf32> to vector<8x4096xf32>
    %eq3A_116 = arith.cmpf oeq, %convert_element_type3A, %eq3A_115 : vector<8x4096xf32>
    %convert_element_type3A_117 = arith.extui %eq3A_116 : vector<8x4096xi1> to vector<8x4096xi32>
    %convert_element_type3A_118 = arith.sitofp %convert_element_type3A_117 : vector<8x4096xi32> to vector<8x4096xf32>
    %swap3A_119 = arith.constant 3 : index
    %swap3A_120 = arith.constant 0 : index
    %swap3A_121 = arith.constant 0 : index
    %swap3A_122 = vector.load %arg13[%swap3A_119, %swap3A_120, %swap3A_121] : memref<32x8x4096xf32, #tpu.memory_space<vmem>>, vector<1x8x4096xf32>
    %swap3A_123 = vector.shape_cast %swap3A_122 : vector<1x8x4096xf32> to vector<8x4096xf32>
    %swap3A_124 = vector.shape_cast %convert_element_type3A_118 : vector<8x4096xf32> to vector<1x8x4096xf32>
    tpu.vector_store %arg13[%swap3A_119, %swap3A_120, %swap3A_121], %swap3A_124 {strides = array<i32>} : memref<32x8x4096xf32, #tpu.memory_space<vmem>>, vector<1x8x4096xf32>,
    %not3A_125 = arith.constant dense<true> : vector<8x4096xi1>
    %not3A_126 = arith.xori %eq3A_116, %not3A_125 : vector<8x4096xi1>
    %and3A_127 = arith.andi %and3A_104, %not3A_126 : vector<8x4096xi1>
    %jit3A_128 = arith.constant 4.096000e+03 : f32
    %broadcast_in_dim3A_129 = vector.broadcast %jit3A_128 : f32 to vector<8x4096xf32>
    %select_n3A_130 = arith.select %and3A_127, %convert_element_type3A, %broadcast_in_dim3A_129 : vector<8x4096xi1>, vector<8x4096xf32>
    %reduce_min3A_131 = arith.constant dense<0x7F800000> : vector<8xf32>
    %reduce_min3A_132 = vector.multi_reduction <minimumf>, %select_n3A_130, %reduce_min3A_131 [1] : vector<8x4096xf32> to vector<8xf32>
    %broadcast_in_dim3A_133 = vector.shape_cast %reduce_min3A_132 : vector<8xf32> to vector<8x1xf32>
    %ge3A_134 = arith.constant 4.096000e+03 : f32
    %ge3A_135 = vector.broadcast %ge3A_134 : f32 to vector<8x1xf32>
    %ge3A_136 = arith.cmpf oge, %broadcast_in_dim3A_133, %ge3A_135 : vector<8x1xf32>
    %select_n3A_137 = arith.select %ge3A_136, %broadcast_in_dim3A_46, %broadcast_in_dim3A_133 : vector<8x1xi1>, vector<8x1xf32>
    %eq3A_138 = vector.broadcast %select_n3A_137 : vector<8x1xf32> to vector<8x4096xf32>
    %eq3A_139 = arith.cmpf oeq, %convert_element_type3A, %eq3A_138 : vector<8x4096xf32>
    %convert_element_type3A_140 = arith.extui %eq3A_139 : vector<8x4096xi1> to vector<8x4096xi32>
    %convert_element_type3A_141 = arith.sitofp %convert_element_type3A_140 : vector<8x4096xi32> to vector<8x4096xf32>
    %swap3A_142 = arith.constant 4 : index
    %swap3A_143 = arith.constant 0 : index
    %swap3A_144 = arith.constant 0 : index
    %swap3A_145 = vector.load %arg13[%swap3A_142, %swap3A_143, %swap3A_144] : memref<32x8x4096xf32, #tpu.memory_space<vmem>>, vector<1x8x4096xf32>
    %swap3A_146 = vector.shape_cast %swap3A_145 : vector<1x8x4096xf32> to vector<8x4096xf32>
    %swap3A_147 = vector.shape_cast %convert_element_type3A_141 : vector<8x4096xf32> to vector<1x8x4096xf32>
    tpu.vector_store %arg13[%swap3A_142, %swap3A_143, %swap3A_144], %swap3A_147 {strides = array<i32>} : memref<32x8x4096xf32, #tpu.memory_space<vmem>>, vector<1x8x4096xf32>,
    %not3A_148 = arith.constant dense<true> : vector<8x4096xi1>
    %not3A_149 = arith.xori %eq3A_139, %not3A_148 : vector<8x4096xi1>
    %and3A_150 = arith.andi %and3A_127, %not3A_149 : vector<8x4096xi1>
    %jit3A_151 = arith.constant 4.096000e+03 : f32
    %broadcast_in_dim3A_152 = vector.broadcast %jit3A_151 : f32 to vector<8x4096xf32>
    %select_n3A_153 = arith.select %and3A_150, %convert_element_type3A, %broadcast_in_dim3A_152 : vector<8x4096xi1>, vector<8x4096xf32>
    %reduce_min3A_154 = arith.constant dense<0x7F800000> : vector<8xf32>
    %reduce_min3A_155 = vector.multi_reduction <minimumf>, %select_n3A_153, %reduce_min3A_154 [1] : vector<8x4096xf32> to vector<8xf32>
    %broadcast_in_dim3A_156 = vector.shape_cast %reduce_min3A_155 : vector<8xf32> to vector<8x1xf32>
    %ge3A_157 = arith.constant 4.096000e+03 : f32
    %ge3A_158 = vector.broadcast %ge3A_157 : f32 to vector<8x1xf32>
    %ge3A_159 = arith.cmpf oge, %broadcast_in_dim3A_156, %ge3A_158 : vector<8x1xf32>
    %select_n3A_160 = arith.select %ge3A_159, %broadcast_in_dim3A_46, %broadcast_in_dim3A_156 : vector<8x1xi1>, vector<8x1xf32>
    %eq3A_161 = vector.broadcast %select_n3A_160 : vector<8x1xf32> to vector<8x4096xf32>
    %eq3A_162 = arith.cmpf oeq, %convert_element_type3A, %eq3A_161 : vector<8x4096xf32>
    %convert_element_type3A_163 = arith.extui %eq3A_162 : vector<8x4096xi1> to vector<8x4096xi32>
    %convert_element_type3A_164 = arith.sitofp %convert_element_type3A_163 : vector<8x4096xi32> to vector<8x4096xf32>
    %swap3A_165 = arith.constant 5 : index
    %swap3A_166 = arith.constant 0 : index
    %swap3A_167 = arith.constant 0 : index
    %swap3A_168 = vector.load %arg13[%swap3A_165, %swap3A_166, %swap3A_167] : memref<32x8x4096xf32, #tpu.memory_space<vmem>>, vector<1x8x4096xf32>
    %swap3A_169 = vector.shape_cast %swap3A_168 : vector<1x8x4096xf32> to vector<8x4096xf32>
    %swap3A_170 = vector.shape_cast %convert_element_type3A_164 : vector<8x4096xf32> to vector<1x8x4096xf32>
    tpu.vector_store %arg13[%swap3A_165, %swap3A_166, %swap3A_167], %swap3A_170 {strides = array<i32>} : memref<32x8x4096xf32, #tpu.memory_space<vmem>>, vector<1x8x4096xf32>,
    %not3A_171 = arith.constant dense<true> : vector<8x4096xi1>
    %not3A_172 = arith.xori %eq3A_162, %not3A_171 : vector<8x4096xi1>
    %and3A_173 = arith.andi %and3A_150, %not3A_172 : vector<8x4096xi1>
    %jit3A_174 = arith.constant 4.096000e+03 : f32
    %broadcast_in_dim3A_175 = vector.broadcast %jit3A_174 : f32 to vector<8x4096xf32>
    %select_n3A_176 = arith.select %and3A_173, %convert_element_type3A, %broadcast_in_dim3A_175 : vector<8x4096xi1>, vector<8x4096xf32>
    %reduce_min3A_177 = arith.constant dense<0x7F800000> : vector<8xf32>
    %reduce_min3A_178 = vector.multi_reduction <minimumf>, %select_n3A_176, %reduce_min3A_177 [1] : vector<8x4096xf32> to vector<8xf32>
    %broadcast_in_dim3A_179 = vector.shape_cast %reduce_min3A_178 : vector<8xf32> to vector<8x1xf32>
    %ge3A_180 = arith.constant 4.096000e+03 : f32
    %ge3A_181 = vector.broadcast %ge3A_180 : f32 to vector<8x1xf32>
    %ge3A_182 = arith.cmpf oge, %broadcast_in_dim3A_179, %ge3A_181 : vector<8x1xf32>
    %select_n3A_183 = arith.select %ge3A_182, %broadcast_in_dim3A_46, %broadcast_in_dim3A_179 : vector<8x1xi1>, vector<8x1xf32>
    %eq3A_184 = vector.broadcast %select_n3A_183 : vector<8x1xf32> to vector<8x4096xf32>
    %eq3A_185 = arith.cmpf oeq, %convert_element_type3A, %eq3A_184 : vector<8x4096xf32>
    %convert_element_type3A_186 = arith.extui %eq3A_185 : vector<8x4096xi1> to vector<8x4096xi32>
    %convert_element_type3A_187 = arith.sitofp %convert_element_type3A_186 : vector<8x4096xi32> to vector<8x4096xf32>
    %swap3A_188 = arith.constant 6 : index
    %swap3A_189 = arith.constant 0 : index
    %swap3A_190 = arith.constant 0 : index
    %swap3A_191 = vector.load %arg13[%swap3A_188, %swap3A_189, %swap3A_190] : memref<32x8x4096xf32, #tpu.memory_space<vmem>>, vector<1x8x4096xf32>
    %swap3A_192 = vector.shape_cast %swap3A_191 : vector<1x8x4096xf32> to vector<8x4096xf32>
    %swap3A_193 = vector.shape_cast %convert_element_type3A_187 : vector<8x4096xf32> to vector<1x8x4096xf32>
    tpu.vector_store %arg13[%swap3A_188, %swap3A_189, %swap3A_190], %swap3A_193 {strides = array<i32>} : memref<32x8x4096xf32, #tpu.memory_space<vmem>>, vector<1x8x4096xf32>,
    %not3A_194 = arith.constant dense<true> : vector<8x4096xi1>
    %not3A_195 = arith.xori %eq3A_185, %not3A_194 : vector<8x4096xi1>
    %and3A_196 = arith.andi %and3A_173, %not3A_195 : vector<8x4096xi1>
    %jit3A_197 = arith.constant 4.096000e+03 : f32
    %broadcast_in_dim3A_198 = vector.broadcast %jit3A_197 : f32 to vector<8x4096xf32>
    %select_n3A_199 = arith.select %and3A_196, %convert_element_type3A, %broadcast_in_dim3A_198 : vector<8x4096xi1>, vector<8x4096xf32>
    %reduce_min3A_200 = arith.constant dense<0x7F800000> : vector<8xf32>
    %reduce_min3A_201 = vector.multi_reduction <minimumf>, %select_n3A_199, %reduce_min3A_200 [1] : vector<8x4096xf32> to vector<8xf32>
    %broadcast_in_dim3A_202 = vector.shape_cast %reduce_min3A_201 : vector<8xf32> to vector<8x1xf32>
    %ge3A_203 = arith.constant 4.096000e+03 : f32
    %ge3A_204 = vector.broadcast %ge3A_203 : f32 to vector<8x1xf32>
    %ge3A_205 = arith.cmpf oge, %broadcast_in_dim3A_202, %ge3A_204 : vector<8x1xf32>
    %select_n3A_206 = arith.select %ge3A_205, %broadcast_in_dim3A_46, %broadcast_in_dim3A_202 : vector<8x1xi1>, vector<8x1xf32>
    %eq3A_207 = vector.broadcast %select_n3A_206 : vector<8x1xf32> to vector<8x4096xf32>
    %eq3A_208 = arith.cmpf oeq, %convert_element_type3A, %eq3A_207 : vector<8x4096xf32>
    %convert_element_type3A_209 = arith.extui %eq3A_208 : vector<8x4096xi1> to vector<8x4096xi32>
    %convert_element_type3A_210 = arith.sitofp %convert_element_type3A_209 : vector<8x4096xi32> to vector<8x4096xf32>
    %swap3A_211 = arith.constant 7 : index
    %swap3A_212 = arith.constant 0 : index
    %swap3A_213 = arith.constant 0 : index
    %swap3A_214 = vector.load %arg13[%swap3A_211, %swap3A_212, %swap3A_213] : memref<32x8x4096xf32, #tpu.memory_space<vmem>>, vector<1x8x4096xf32>
    %swap3A_215 = vector.shape_cast %swap3A_214 : vector<1x8x4096xf32> to vector<8x4096xf32>
    %swap3A_216 = vector.shape_cast %convert_element_type3A_210 : vector<8x4096xf32> to vector<1x8x4096xf32>
    tpu.vector_store %arg13[%swap3A_211, %swap3A_212, %swap3A_213], %swap3A_216 {strides = array<i32>} : memref<32x8x4096xf32, #tpu.memory_space<vmem>>, vector<1x8x4096xf32>,
    %not3A_217 = arith.constant dense<true> : vector<8x4096xi1>
    %not3A_218 = arith.xori %eq3A_208, %not3A_217 : vector<8x4096xi1>
    %and3A_219 = arith.andi %and3A_196, %not3A_218 : vector<8x4096xi1>
    %jit3A_220 = arith.constant 4.096000e+03 : f32
    %broadcast_in_dim3A_221 = vector.broadcast %jit3A_220 : f32 to vector<8x4096xf32>
    %select_n3A_222 = arith.select %and3A_219, %convert_element_type3A, %broadcast_in_dim3A_221 : vector<8x4096xi1>, vector<8x4096xf32>
    %reduce_min3A_223 = arith.constant dense<0x7F800000> : vector<8xf32>
    %reduce_min3A_224 = vector.multi_reduction <minimumf>, %select_n3A_222, %reduce_min3A_223 [1] : vector<8x4096xf32> to vector<8xf32>
    %broadcast_in_dim3A_225 = vector.shape_cast %reduce_min3A_224 : vector<8xf32> to vector<8x1xf32>
    %ge3A_226 = arith.constant 4.096000e+03 : f32
    %ge3A_227 = vector.broadcast %ge3A_226 : f32 to vector<8x1xf32>
    %ge3A_228 = arith.cmpf oge, %broadcast_in_dim3A_225, %ge3A_227 : vector<8x1xf32>
    %select_n3A_229 = arith.select %ge3A_228, %broadcast_in_dim3A_46, %broadcast_in_dim3A_225 : vector<8x1xi1>, vector<8x1xf32>
    %eq3A_230 = vector.broadcast %select_n3A_229 : vector<8x1xf32> to vector<8x4096xf32>
    %eq3A_231 = arith.cmpf oeq, %convert_element_type3A, %eq3A_230 : vector<8x4096xf32>
    %convert_element_type3A_232 = arith.extui %eq3A_231 : vector<8x4096xi1> to vector<8x4096xi32>
    %convert_element_type3A_233 = arith.sitofp %convert_element_type3A_232 : vector<8x4096xi32> to vector<8x4096xf32>
    %swap3A_234 = arith.constant 8 : index
    %swap3A_235 = arith.constant 0 : index
    %swap3A_236 = arith.constant 0 : index
    %swap3A_237 = vector.load %arg13[%swap3A_234, %swap3A_235, %swap3A_236] : memref<32x8x4096xf32, #tpu.memory_space<vmem>>, vector<1x8x4096xf32>
    %swap3A_238 = vector.shape_cast %swap3A_237 : vector<1x8x4096xf32> to vector<8x4096xf32>
    %swap3A_239 = vector.shape_cast %convert_element_type3A_233 : vector<8x4096xf32> to vector<1x8x4096xf32>
    tpu.vector_store %arg13[%swap3A_234, %swap3A_235, %swap3A_236], %swap3A_239 {strides = array<i32>} : memref<32x8x4096xf32, #tpu.memory_space<vmem>>, vector<1x8x4096xf32>,
    %not3A_240 = arith.constant dense<true> : vector<8x4096xi1>
    %not3A_241 = arith.xori %eq3A_231, %not3A_240 : vector<8x4096xi1>
    %and3A_242 = arith.andi %and3A_219, %not3A_241 : vector<8x4096xi1>
    %jit3A_243 = arith.constant 4.096000e+03 : f32
    %broadcast_in_dim3A_244 = vector.broadcast %jit3A_243 : f32 to vector<8x4096xf32>
    %select_n3A_245 = arith.select %and3A_242, %convert_element_type3A, %broadcast_in_dim3A_244 : vector<8x4096xi1>, vector<8x4096xf32>
    %reduce_min3A_246 = arith.constant dense<0x7F800000> : vector<8xf32>
    %reduce_min3A_247 = vector.multi_reduction <minimumf>, %select_n3A_245, %reduce_min3A_246 [1] : vector<8x4096xf32> to vector<8xf32>
    %broadcast_in_dim3A_248 = vector.shape_cast %reduce_min3A_247 : vector<8xf32> to vector<8x1xf32>
    %ge3A_249 = arith.constant 4.096000e+03 : f32
    %ge3A_250 = vector.broadcast %ge3A_249 : f32 to vector<8x1xf32>
    %ge3A_251 = arith.cmpf oge, %broadcast_in_dim3A_248, %ge3A_250 : vector<8x1xf32>
    %select_n3A_252 = arith.select %ge3A_251, %broadcast_in_dim3A_46, %broadcast_in_dim3A_248 : vector<8x1xi1>, vector<8x1xf32>
    %eq3A_253 = vector.broadcast %select_n3A_252 : vector<8x1xf32> to vector<8x4096xf32>
    %eq3A_254 = arith.cmpf oeq, %convert_element_type3A, %eq3A_253 : vector<8x4096xf32>
    %convert_element_type3A_255 = arith.extui %eq3A_254 : vector<8x4096xi1> to vector<8x4096xi32>
    %convert_element_type3A_256 = arith.sitofp %convert_element_type3A_255 : vector<8x4096xi32> to vector<8x4096xf32>
    %swap3A_257 = arith.constant 9 : index
    %swap3A_258 = arith.constant 0 : index
    %swap3A_259 = arith.constant 0 : index
    %swap3A_260 = vector.load %arg13[%swap3A_257, %swap3A_258, %swap3A_259] : memref<32x8x4096xf32, #tpu.memory_space<vmem>>, vector<1x8x4096xf32>
    %swap3A_261 = vector.shape_cast %swap3A_260 : vector<1x8x4096xf32> to vector<8x4096xf32>
    %swap3A_262 = vector.shape_cast %convert_element_type3A_256 : vector<8x4096xf32> to vector<1x8x4096xf32>
    tpu.vector_store %arg13[%swap3A_257, %swap3A_258, %swap3A_259], %swap3A_262 {strides = array<i32>} : memref<32x8x4096xf32, #tpu.memory_space<vmem>>, vector<1x8x4096xf32>,
    %not3A_263 = arith.constant dense<true> : vector<8x4096xi1>
    %not3A_264 = arith.xori %eq3A_254, %not3A_263 : vector<8x4096xi1>
    %and3A_265 = arith.andi %and3A_242, %not3A_264 : vector<8x4096xi1>
    %jit3A_266 = arith.constant 4.096000e+03 : f32
    %broadcast_in_dim3A_267 = vector.broadcast %jit3A_266 : f32 to vector<8x4096xf32>
    %select_n3A_268 = arith.select %and3A_265, %convert_element_type3A, %broadcast_in_dim3A_267 : vector<8x4096xi1>, vector<8x4096xf32>
    %reduce_min3A_269 = arith.constant dense<0x7F800000> : vector<8xf32>
    %reduce_min3A_270 = vector.multi_reduction <minimumf>, %select_n3A_268, %reduce_min3A_269 [1] : vector<8x4096xf32> to vector<8xf32>
    %broadcast_in_dim3A_271 = vector.shape_cast %reduce_min3A_270 : vector<8xf32> to vector<8x1xf32>
    %ge3A_272 = arith.constant 4.096000e+03 : f32
    %ge3A_273 = vector.broadcast %ge3A_272 : f32 to vector<8x1xf32>
    %ge3A_274 = arith.cmpf oge, %broadcast_in_dim3A_271, %ge3A_273 : vector<8x1xf32>
    %select_n3A_275 = arith.select %ge3A_274, %broadcast_in_dim3A_46, %broadcast_in_dim3A_271 : vector<8x1xi1>, vector<8x1xf32>
    %eq3A_276 = vector.broadcast %select_n3A_275 : vector<8x1xf32> to vector<8x4096xf32>
    %eq3A_277 = arith.cmpf oeq, %convert_element_type3A, %eq3A_276 : vector<8x4096xf32>
    %convert_element_type3A_278 = arith.extui %eq3A_277 : vector<8x4096xi1> to vector<8x4096xi32>
    %convert_element_type3A_279 = arith.sitofp %convert_element_type3A_278 : vector<8x4096xi32> to vector<8x4096xf32>
    %swap3A_280 = arith.constant 10 : index
    %swap3A_281 = arith.constant 0 : index
    %swap3A_282 = arith.constant 0 : index
    %swap3A_283 = vector.load %arg13[%swap3A_280, %swap3A_281, %swap3A_282] : memref<32x8x4096xf32, #tpu.memory_space<vmem>>, vector<1x8x4096xf32>
    %swap3A_284 = vector.shape_cast %swap3A_283 : vector<1x8x4096xf32> to vector<8x4096xf32>
    %swap3A_285 = vector.shape_cast %convert_element_type3A_279 : vector<8x4096xf32> to vector<1x8x4096xf32>
    tpu.vector_store %arg13[%swap3A_280, %swap3A_281, %swap3A_282], %swap3A_285 {strides = array<i32>} : memref<32x8x4096xf32, #tpu.memory_space<vmem>>, vector<1x8x4096xf32>,
    %not3A_286 = arith.constant dense<true> : vector<8x4096xi1>
    %not3A_287 = arith.xori %eq3A_277, %not3A_286 : vector<8x4096xi1>
    %and3A_288 = arith.andi %and3A_265, %not3A_287 : vector<8x4096xi1>
    %jit3A_289 = arith.constant 4.096000e+03 : f32
    %broadcast_in_dim3A_290 = vector.broadcast %jit3A_289 : f32 to vector<8x4096xf32>
    %select_n3A_291 = arith.select %and3A_288, %convert_element_type3A, %broadcast_in_dim3A_290 : vector<8x4096xi1>, vector<8x4096xf32>
    %reduce_min3A_292 = arith.constant dense<0x7F800000> : vector<8xf32>
    %reduce_min3A_293 = vector.multi_reduction <minimumf>, %select_n3A_291, %reduce_min3A_292 [1] : vector<8x4096xf32> to vector<8xf32>
    %broadcast_in_dim3A_294 = vector.shape_cast %reduce_min3A_293 : vector<8xf32> to vector<8x1xf32>
    %ge3A_295 = arith.constant 4.096000e+03 : f32
    %ge3A_296 = vector.broadcast %ge3A_295 : f32 to vector<8x1xf32>
    %ge3A_297 = arith.cmpf oge, %broadcast_in_dim3A_294, %ge3A_296 : vector<8x1xf32>
    %select_n3A_298 = arith.select %ge3A_297, %broadcast_in_dim3A_46, %broadcast_in_dim3A_294 : vector<8x1xi1>, vector<8x1xf32>
    %eq3A_299 = vector.broadcast %select_n3A_298 : vector<8x1xf32> to vector<8x4096xf32>
    %eq3A_300 = arith.cmpf oeq, %convert_element_type3A, %eq3A_299 : vector<8x4096xf32>
    %convert_element_type3A_301 = arith.extui %eq3A_300 : vector<8x4096xi1> to vector<8x4096xi32>
    %convert_element_type3A_302 = arith.sitofp %convert_element_type3A_301 : vector<8x4096xi32> to vector<8x4096xf32>
    %swap3A_303 = arith.constant 11 : index
    %swap3A_304 = arith.constant 0 : index
    %swap3A_305 = arith.constant 0 : index
    %swap3A_306 = vector.load %arg13[%swap3A_303, %swap3A_304, %swap3A_305] : memref<32x8x4096xf32, #tpu.memory_space<vmem>>, vector<1x8x4096xf32>
    %swap3A_307 = vector.shape_cast %swap3A_306 : vector<1x8x4096xf32> to vector<8x4096xf32>
    %swap3A_308 = vector.shape_cast %convert_element_type3A_302 : vector<8x4096xf32> to vector<1x8x4096xf32>
    tpu.vector_store %arg13[%swap3A_303, %swap3A_304, %swap3A_305], %swap3A_308 {strides = array<i32>} : memref<32x8x4096xf32, #tpu.memory_space<vmem>>, vector<1x8x4096xf32>,
    %not3A_309 = arith.constant dense<true> : vector<8x4096xi1>
    %not3A_310 = arith.xori %eq3A_300, %not3A_309 : vector<8x4096xi1>
    %and3A_311 = arith.andi %and3A_288, %not3A_310 : vector<8x4096xi1>
    %jit3A_312 = arith.constant 4.096000e+03 : f32
    %broadcast_in_dim3A_313 = vector.broadcast %jit3A_312 : f32 to vector<8x4096xf32>
    %select_n3A_314 = arith.select %and3A_311, %convert_element_type3A, %broadcast_in_dim3A_313 : vector<8x4096xi1>, vector<8x4096xf32>
    %reduce_min3A_315 = arith.constant dense<0x7F800000> : vector<8xf32>
    %reduce_min3A_316 = vector.multi_reduction <minimumf>, %select_n3A_314, %reduce_min3A_315 [1] : vector<8x4096xf32> to vector<8xf32>
    %broadcast_in_dim3A_317 = vector.shape_cast %reduce_min3A_316 : vector<8xf32> to vector<8x1xf32>
    %ge3A_318 = arith.constant 4.096000e+03 : f32
    %ge3A_319 = vector.broadcast %ge3A_318 : f32 to vector<8x1xf32>
    %ge3A_320 = arith.cmpf oge, %broadcast_in_dim3A_317, %ge3A_319 : vector<8x1xf32>
    %select_n3A_321 = arith.select %ge3A_320, %broadcast_in_dim3A_46, %broadcast_in_dim3A_317 : vector<8x1xi1>, vector<8x1xf32>
    %eq3A_322 = vector.broadcast %select_n3A_321 : vector<8x1xf32> to vector<8x4096xf32>
    %eq3A_323 = arith.cmpf oeq, %convert_element_type3A, %eq3A_322 : vector<8x4096xf32>
    %convert_element_type3A_324 = arith.extui %eq3A_323 : vector<8x4096xi1> to vector<8x4096xi32>
    %convert_element_type3A_325 = arith.sitofp %convert_element_type3A_324 : vector<8x4096xi32> to vector<8x4096xf32>
    %swap3A_326 = arith.constant 12 : index
    %swap3A_327 = arith.constant 0 : index
    %swap3A_328 = arith.constant 0 : index
    %swap3A_329 = vector.load %arg13[%swap3A_326, %swap3A_327, %swap3A_328] : memref<32x8x4096xf32, #tpu.memory_space<vmem>>, vector<1x8x4096xf32>
    %swap3A_330 = vector.shape_cast %swap3A_329 : vector<1x8x4096xf32> to vector<8x4096xf32>
    %swap3A_331 = vector.shape_cast %convert_element_type3A_325 : vector<8x4096xf32> to vector<1x8x4096xf32>
    tpu.vector_store %arg13[%swap3A_326, %swap3A_327, %swap3A_328], %swap3A_331 {strides = array<i32>} : memref<32x8x4096xf32, #tpu.memory_space<vmem>>, vector<1x8x4096xf32>,
    %not3A_332 = arith.constant dense<true> : vector<8x4096xi1>
    %not3A_333 = arith.xori %eq3A_323, %not3A_332 : vector<8x4096xi1>
    %and3A_334 = arith.andi %and3A_311, %not3A_333 : vector<8x4096xi1>
    %jit3A_335 = arith.constant 4.096000e+03 : f32
    %broadcast_in_dim3A_336 = vector.broadcast %jit3A_335 : f32 to vector<8x4096xf32>
    %select_n3A_337 = arith.select %and3A_334, %convert_element_type3A, %broadcast_in_dim3A_336 : vector<8x4096xi1>, vector<8x4096xf32>
    %reduce_min3A_338 = arith.constant dense<0x7F800000> : vector<8xf32>
    %reduce_min3A_339 = vector.multi_reduction <minimumf>, %select_n3A_337, %reduce_min3A_338 [1] : vector<8x4096xf32> to vector<8xf32>
    %broadcast_in_dim3A_340 = vector.shape_cast %reduce_min3A_339 : vector<8xf32> to vector<8x1xf32>
    %ge3A_341 = arith.constant 4.096000e+03 : f32
    %ge3A_342 = vector.broadcast %ge3A_341 : f32 to vector<8x1xf32>
    %ge3A_343 = arith.cmpf oge, %broadcast_in_dim3A_340, %ge3A_342 : vector<8x1xf32>
    %select_n3A_344 = arith.select %ge3A_343, %broadcast_in_dim3A_46, %broadcast_in_dim3A_340 : vector<8x1xi1>, vector<8x1xf32>
    %eq3A_345 = vector.broadcast %select_n3A_344 : vector<8x1xf32> to vector<8x4096xf32>
    %eq3A_346 = arith.cmpf oeq, %convert_element_type3A, %eq3A_345 : vector<8x4096xf32>
    %convert_element_type3A_347 = arith.extui %eq3A_346 : vector<8x4096xi1> to vector<8x4096xi32>
    %convert_element_type3A_348 = arith.sitofp %convert_element_type3A_347 : vector<8x4096xi32> to vector<8x4096xf32>
    %swap3A_349 = arith.constant 13 : index
    %swap3A_350 = arith.constant 0 : index
    %swap3A_351 = arith.constant 0 : index
    %swap3A_352 = vector.load %arg13[%swap3A_349, %swap3A_350, %swap3A_351] : memref<32x8x4096xf32, #tpu.memory_space<vmem>>, vector<1x8x4096xf32>
    %swap3A_353 = vector.shape_cast %swap3A_352 : vector<1x8x4096xf32> to vector<8x4096xf32>
    %swap3A_354 = vector.shape_cast %convert_element_type3A_348 : vector<8x4096xf32> to vector<1x8x4096xf32>
    tpu.vector_store %arg13[%swap3A_349, %swap3A_350, %swap3A_351], %swap3A_354 {strides = array<i32>} : memref<32x8x4096xf32, #tpu.memory_space<vmem>>, vector<1x8x4096xf32>,
    %not3A_355 = arith.constant dense<true> : vector<8x4096xi1>
    %not3A_356 = arith.xori %eq3A_346, %not3A_355 : vector<8x4096xi1>
    %and3A_357 = arith.andi %and3A_334, %not3A_356 : vector<8x4096xi1>
    %jit3A_358 = arith.constant 4.096000e+03 : f32
    %broadcast_in_dim3A_359 = vector.broadcast %jit3A_358 : f32 to vector<8x4096xf32>
    %select_n3A_360 = arith.select %and3A_357, %convert_element_type3A, %broadcast_in_dim3A_359 : vector<8x4096xi1>, vector<8x4096xf32>
    %reduce_min3A_361 = arith.constant dense<0x7F800000> : vector<8xf32>
    %reduce_min3A_362 = vector.multi_reduction <minimumf>, %select_n3A_360, %reduce_min3A_361 [1] : vector<8x4096xf32> to vector<8xf32>
    %broadcast_in_dim3A_363 = vector.shape_cast %reduce_min3A_362 : vector<8xf32> to vector<8x1xf32>
    %ge3A_364 = arith.constant 4.096000e+03 : f32
    %ge3A_365 = vector.broadcast %ge3A_364 : f32 to vector<8x1xf32>
    %ge3A_366 = arith.cmpf oge, %broadcast_in_dim3A_363, %ge3A_365 : vector<8x1xf32>
    %select_n3A_367 = arith.select %ge3A_366, %broadcast_in_dim3A_46, %broadcast_in_dim3A_363 : vector<8x1xi1>, vector<8x1xf32>
    %eq3A_368 = vector.broadcast %select_n3A_367 : vector<8x1xf32> to vector<8x4096xf32>
    %eq3A_369 = arith.cmpf oeq, %convert_element_type3A, %eq3A_368 : vector<8x4096xf32>
    %convert_element_type3A_370 = arith.extui %eq3A_369 : vector<8x4096xi1> to vector<8x4096xi32>
    %convert_element_type3A_371 = arith.sitofp %convert_element_type3A_370 : vector<8x4096xi32> to vector<8x4096xf32>
    %swap3A_372 = arith.constant 14 : index
    %swap3A_373 = arith.constant 0 : index
    %swap3A_374 = arith.constant 0 : index
    %swap3A_375 = vector.load %arg13[%swap3A_372, %swap3A_373, %swap3A_374] : memref<32x8x4096xf32, #tpu.memory_space<vmem>>, vector<1x8x4096xf32>
    %swap3A_376 = vector.shape_cast %swap3A_375 : vector<1x8x4096xf32> to vector<8x4096xf32>
    %swap3A_377 = vector.shape_cast %convert_element_type3A_371 : vector<8x4096xf32> to vector<1x8x4096xf32>
    tpu.vector_store %arg13[%swap3A_372, %swap3A_373, %swap3A_374], %swap3A_377 {strides = array<i32>} : memref<32x8x4096xf32, #tpu.memory_space<vmem>>, vector<1x8x4096xf32>,
    %not3A_378 = arith.constant dense<true> : vector<8x4096xi1>
    %not3A_379 = arith.xori %eq3A_369, %not3A_378 : vector<8x4096xi1>
    %and3A_380 = arith.andi %and3A_357, %not3A_379 : vector<8x4096xi1>
    %jit3A_381 = arith.constant 4.096000e+03 : f32
    %broadcast_in_dim3A_382 = vector.broadcast %jit3A_381 : f32 to vector<8x4096xf32>
    %select_n3A_383 = arith.select %and3A_380, %convert_element_type3A, %broadcast_in_dim3A_382 : vector<8x4096xi1>, vector<8x4096xf32>
    %reduce_min3A_384 = arith.constant dense<0x7F800000> : vector<8xf32>
    %reduce_min3A_385 = vector.multi_reduction <minimumf>, %select_n3A_383, %reduce_min3A_384 [1] : vector<8x4096xf32> to vector<8xf32>
    %broadcast_in_dim3A_386 = vector.shape_cast %reduce_min3A_385 : vector<8xf32> to vector<8x1xf32>
    %ge3A_387 = arith.constant 4.096000e+03 : f32
    %ge3A_388 = vector.broadcast %ge3A_387 : f32 to vector<8x1xf32>
    %ge3A_389 = arith.cmpf oge, %broadcast_in_dim3A_386, %ge3A_388 : vector<8x1xf32>
    %select_n3A_390 = arith.select %ge3A_389, %broadcast_in_dim3A_46, %broadcast_in_dim3A_386 : vector<8x1xi1>, vector<8x1xf32>
    %eq3A_391 = vector.broadcast %select_n3A_390 : vector<8x1xf32> to vector<8x4096xf32>
    %eq3A_392 = arith.cmpf oeq, %convert_element_type3A, %eq3A_391 : vector<8x4096xf32>
    %convert_element_type3A_393 = arith.extui %eq3A_392 : vector<8x4096xi1> to vector<8x4096xi32>
    %convert_element_type3A_394 = arith.sitofp %convert_element_type3A_393 : vector<8x4096xi32> to vector<8x4096xf32>
    %swap3A_395 = arith.constant 15 : index
    %swap3A_396 = arith.constant 0 : index
    %swap3A_397 = arith.constant 0 : index
    %swap3A_398 = vector.load %arg13[%swap3A_395, %swap3A_396, %swap3A_397] : memref<32x8x4096xf32, #tpu.memory_space<vmem>>, vector<1x8x4096xf32>
    %swap3A_399 = vector.shape_cast %swap3A_398 : vector<1x8x4096xf32> to vector<8x4096xf32>
    %swap3A_400 = vector.shape_cast %convert_element_type3A_394 : vector<8x4096xf32> to vector<1x8x4096xf32>
    tpu.vector_store %arg13[%swap3A_395, %swap3A_396, %swap3A_397], %swap3A_400 {strides = array<i32>} : memref<32x8x4096xf32, #tpu.memory_space<vmem>>, vector<1x8x4096xf32>,
    %not3A_401 = arith.constant dense<true> : vector<8x4096xi1>
    %not3A_402 = arith.xori %eq3A_392, %not3A_401 : vector<8x4096xi1>
    %and3A_403 = arith.andi %and3A_380, %not3A_402 : vector<8x4096xi1>
    %jit3A_404 = arith.constant 4.096000e+03 : f32
    %broadcast_in_dim3A_405 = vector.broadcast %jit3A_404 : f32 to vector<8x4096xf32>
    %select_n3A_406 = arith.select %and3A_403, %convert_element_type3A, %broadcast_in_dim3A_405 : vector<8x4096xi1>, vector<8x4096xf32>
    %reduce_min3A_407 = arith.constant dense<0x7F800000> : vector<8xf32>
    %reduce_min3A_408 = vector.multi_reduction <minimumf>, %select_n3A_406, %reduce_min3A_407 [1] : vector<8x4096xf32> to vector<8xf32>
    %broadcast_in_dim3A_409 = vector.shape_cast %reduce_min3A_408 : vector<8xf32> to vector<8x1xf32>
    %ge3A_410 = arith.constant 4.096000e+03 : f32
    %ge3A_411 = vector.broadcast %ge3A_410 : f32 to vector<8x1xf32>
    %ge3A_412 = arith.cmpf oge, %broadcast_in_dim3A_409, %ge3A_411 : vector<8x1xf32>
    %select_n3A_413 = arith.select %ge3A_412, %broadcast_in_dim3A_46, %broadcast_in_dim3A_409 : vector<8x1xi1>, vector<8x1xf32>
    %eq3A_414 = vector.broadcast %select_n3A_413 : vector<8x1xf32> to vector<8x4096xf32>
    %eq3A_415 = arith.cmpf oeq, %convert_element_type3A, %eq3A_414 : vector<8x4096xf32>
    %convert_element_type3A_416 = arith.extui %eq3A_415 : vector<8x4096xi1> to vector<8x4096xi32>
    %convert_element_type3A_417 = arith.sitofp %convert_element_type3A_416 : vector<8x4096xi32> to vector<8x4096xf32>
    %swap3A_418 = arith.constant 16 : index
    %swap3A_419 = arith.constant 0 : index
    %swap3A_420 = arith.constant 0 : index
    %swap3A_421 = vector.load %arg13[%swap3A_418, %swap3A_419, %swap3A_420] : memref<32x8x4096xf32, #tpu.memory_space<vmem>>, vector<1x8x4096xf32>
    %swap3A_422 = vector.shape_cast %swap3A_421 : vector<1x8x4096xf32> to vector<8x4096xf32>
    %swap3A_423 = vector.shape_cast %convert_element_type3A_417 : vector<8x4096xf32> to vector<1x8x4096xf32>
    tpu.vector_store %arg13[%swap3A_418, %swap3A_419, %swap3A_420], %swap3A_423 {strides = array<i32>} : memref<32x8x4096xf32, #tpu.memory_space<vmem>>, vector<1x8x4096xf32>,
    %not3A_424 = arith.constant dense<true> : vector<8x4096xi1>
    %not3A_425 = arith.xori %eq3A_415, %not3A_424 : vector<8x4096xi1>
    %and3A_426 = arith.andi %and3A_403, %not3A_425 : vector<8x4096xi1>
    %jit3A_427 = arith.constant 4.096000e+03 : f32
    %broadcast_in_dim3A_428 = vector.broadcast %jit3A_427 : f32 to vector<8x4096xf32>
    %select_n3A_429 = arith.select %and3A_426, %convert_element_type3A, %broadcast_in_dim3A_428 : vector<8x4096xi1>, vector<8x4096xf32>
    %reduce_min3A_430 = arith.constant dense<0x7F800000> : vector<8xf32>
    %reduce_min3A_431 = vector.multi_reduction <minimumf>, %select_n3A_429, %reduce_min3A_430 [1] : vector<8x4096xf32> to vector<8xf32>
    %broadcast_in_dim3A_432 = vector.shape_cast %reduce_min3A_431 : vector<8xf32> to vector<8x1xf32>
    %ge3A_433 = arith.constant 4.096000e+03 : f32
    %ge3A_434 = vector.broadcast %ge3A_433 : f32 to vector<8x1xf32>
    %ge3A_435 = arith.cmpf oge, %broadcast_in_dim3A_432, %ge3A_434 : vector<8x1xf32>
    %select_n3A_436 = arith.select %ge3A_435, %broadcast_in_dim3A_46, %broadcast_in_dim3A_432 : vector<8x1xi1>, vector<8x1xf32>
    %eq3A_437 = vector.broadcast %select_n3A_436 : vector<8x1xf32> to vector<8x4096xf32>
    %eq3A_438 = arith.cmpf oeq, %convert_element_type3A, %eq3A_437 : vector<8x4096xf32>
    %convert_element_type3A_439 = arith.extui %eq3A_438 : vector<8x4096xi1> to vector<8x4096xi32>
    %convert_element_type3A_440 = arith.sitofp %convert_element_type3A_439 : vector<8x4096xi32> to vector<8x4096xf32>
    %swap3A_441 = arith.constant 17 : index
    %swap3A_442 = arith.constant 0 : index
    %swap3A_443 = arith.constant 0 : index
    %swap3A_444 = vector.load %arg13[%swap3A_441, %swap3A_442, %swap3A_443] : memref<32x8x4096xf32, #tpu.memory_space<vmem>>, vector<1x8x4096xf32>
    %swap3A_445 = vector.shape_cast %swap3A_444 : vector<1x8x4096xf32> to vector<8x4096xf32>
    %swap3A_446 = vector.shape_cast %convert_element_type3A_440 : vector<8x4096xf32> to vector<1x8x4096xf32>
    tpu.vector_store %arg13[%swap3A_441, %swap3A_442, %swap3A_443], %swap3A_446 {strides = array<i32>} : memref<32x8x4096xf32, #tpu.memory_space<vmem>>, vector<1x8x4096xf32>,
    %not3A_447 = arith.constant dense<true> : vector<8x4096xi1>
    %not3A_448 = arith.xori %eq3A_438, %not3A_447 : vector<8x4096xi1>
    %and3A_449 = arith.andi %and3A_426, %not3A_448 : vector<8x4096xi1>
    %jit3A_450 = arith.constant 4.096000e+03 : f32
    %broadcast_in_dim3A_451 = vector.broadcast %jit3A_450 : f32 to vector<8x4096xf32>
    %select_n3A_452 = arith.select %and3A_449, %convert_element_type3A, %broadcast_in_dim3A_451 : vector<8x4096xi1>, vector<8x4096xf32>
    %reduce_min3A_453 = arith.constant dense<0x7F800000> : vector<8xf32>
    %reduce_min3A_454 = vector.multi_reduction <minimumf>, %select_n3A_452, %reduce_min3A_453 [1] : vector<8x4096xf32> to vector<8xf32>
    %broadcast_in_dim3A_455 = vector.shape_cast %reduce_min3A_454 : vector<8xf32> to vector<8x1xf32>
    %ge3A_456 = arith.constant 4.096000e+03 : f32
    %ge3A_457 = vector.broadcast %ge3A_456 : f32 to vector<8x1xf32>
    %ge3A_458 = arith.cmpf oge, %broadcast_in_dim3A_455, %ge3A_457 : vector<8x1xf32>
    %select_n3A_459 = arith.select %ge3A_458, %broadcast_in_dim3A_46, %broadcast_in_dim3A_455 : vector<8x1xi1>, vector<8x1xf32>
    %eq3A_460 = vector.broadcast %select_n3A_459 : vector<8x1xf32> to vector<8x4096xf32>
    %eq3A_461 = arith.cmpf oeq, %convert_element_type3A, %eq3A_460 : vector<8x4096xf32>
    %convert_element_type3A_462 = arith.extui %eq3A_461 : vector<8x4096xi1> to vector<8x4096xi32>
    %convert_element_type3A_463 = arith.sitofp %convert_element_type3A_462 : vector<8x4096xi32> to vector<8x4096xf32>
    %swap3A_464 = arith.constant 18 : index
    %swap3A_465 = arith.constant 0 : index
    %swap3A_466 = arith.constant 0 : index
    %swap3A_467 = vector.load %arg13[%swap3A_464, %swap3A_465, %swap3A_466] : memref<32x8x4096xf32, #tpu.memory_space<vmem>>, vector<1x8x4096xf32>
    %swap3A_468 = vector.shape_cast %swap3A_467 : vector<1x8x4096xf32> to vector<8x4096xf32>
    %swap3A_469 = vector.shape_cast %convert_element_type3A_463 : vector<8x4096xf32> to vector<1x8x4096xf32>
    tpu.vector_store %arg13[%swap3A_464, %swap3A_465, %swap3A_466], %swap3A_469 {strides = array<i32>} : memref<32x8x4096xf32, #tpu.memory_space<vmem>>, vector<1x8x4096xf32>,
    %not3A_470 = arith.constant dense<true> : vector<8x4096xi1>
    %not3A_471 = arith.xori %eq3A_461, %not3A_470 : vector<8x4096xi1>
    %and3A_472 = arith.andi %and3A_449, %not3A_471 : vector<8x4096xi1>
    %jit3A_473 = arith.constant 4.096000e+03 : f32
    %broadcast_in_dim3A_474 = vector.broadcast %jit3A_473 : f32 to vector<8x4096xf32>
    %select_n3A_475 = arith.select %and3A_472, %convert_element_type3A, %broadcast_in_dim3A_474 : vector<8x4096xi1>, vector<8x4096xf32>
    %reduce_min3A_476 = arith.constant dense<0x7F800000> : vector<8xf32>
    %reduce_min3A_477 = vector.multi_reduction <minimumf>, %select_n3A_475, %reduce_min3A_476 [1] : vector<8x4096xf32> to vector<8xf32>
    %broadcast_in_dim3A_478 = vector.shape_cast %reduce_min3A_477 : vector<8xf32> to vector<8x1xf32>
    %ge3A_479 = arith.constant 4.096000e+03 : f32
    %ge3A_480 = vector.broadcast %ge3A_479 : f32 to vector<8x1xf32>
    %ge3A_481 = arith.cmpf oge, %broadcast_in_dim3A_478, %ge3A_480 : vector<8x1xf32>
    %select_n3A_482 = arith.select %ge3A_481, %broadcast_in_dim3A_46, %broadcast_in_dim3A_478 : vector<8x1xi1>, vector<8x1xf32>
    %eq3A_483 = vector.broadcast %select_n3A_482 : vector<8x1xf32> to vector<8x4096xf32>
    %eq3A_484 = arith.cmpf oeq, %convert_element_type3A, %eq3A_483 : vector<8x4096xf32>
    %convert_element_type3A_485 = arith.extui %eq3A_484 : vector<8x4096xi1> to vector<8x4096xi32>
    %convert_element_type3A_486 = arith.sitofp %convert_element_type3A_485 : vector<8x4096xi32> to vector<8x4096xf32>
    %swap3A_487 = arith.constant 19 : index
    %swap3A_488 = arith.constant 0 : index
    %swap3A_489 = arith.constant 0 : index
    %swap3A_490 = vector.load %arg13[%swap3A_487, %swap3A_488, %swap3A_489] : memref<32x8x4096xf32, #tpu.memory_space<vmem>>, vector<1x8x4096xf32>
    %swap3A_491 = vector.shape_cast %swap3A_490 : vector<1x8x4096xf32> to vector<8x4096xf32>
    %swap3A_492 = vector.shape_cast %convert_element_type3A_486 : vector<8x4096xf32> to vector<1x8x4096xf32>
    tpu.vector_store %arg13[%swap3A_487, %swap3A_488, %swap3A_489], %swap3A_492 {strides = array<i32>} : memref<32x8x4096xf32, #tpu.memory_space<vmem>>, vector<1x8x4096xf32>,
    %not3A_493 = arith.constant dense<true> : vector<8x4096xi1>
    %not3A_494 = arith.xori %eq3A_484, %not3A_493 : vector<8x4096xi1>
    %and3A_495 = arith.andi %and3A_472, %not3A_494 : vector<8x4096xi1>
    %jit3A_496 = arith.constant 4.096000e+03 : f32
    %broadcast_in_dim3A_497 = vector.broadcast %jit3A_496 : f32 to vector<8x4096xf32>
    %select_n3A_498 = arith.select %and3A_495, %convert_element_type3A, %broadcast_in_dim3A_497 : vector<8x4096xi1>, vector<8x4096xf32>
    %reduce_min3A_499 = arith.constant dense<0x7F800000> : vector<8xf32>
    %reduce_min3A_500 = vector.multi_reduction <minimumf>, %select_n3A_498, %reduce_min3A_499 [1] : vector<8x4096xf32> to vector<8xf32>
    %broadcast_in_dim3A_501 = vector.shape_cast %reduce_min3A_500 : vector<8xf32> to vector<8x1xf32>
    %ge3A_502 = arith.constant 4.096000e+03 : f32
    %ge3A_503 = vector.broadcast %ge3A_502 : f32 to vector<8x1xf32>
    %ge3A_504 = arith.cmpf oge, %broadcast_in_dim3A_501, %ge3A_503 : vector<8x1xf32>
    %select_n3A_505 = arith.select %ge3A_504, %broadcast_in_dim3A_46, %broadcast_in_dim3A_501 : vector<8x1xi1>, vector<8x1xf32>
    %eq3A_506 = vector.broadcast %select_n3A_505 : vector<8x1xf32> to vector<8x4096xf32>
    %eq3A_507 = arith.cmpf oeq, %convert_element_type3A, %eq3A_506 : vector<8x4096xf32>
    %convert_element_type3A_508 = arith.extui %eq3A_507 : vector<8x4096xi1> to vector<8x4096xi32>
    %convert_element_type3A_509 = arith.sitofp %convert_element_type3A_508 : vector<8x4096xi32> to vector<8x4096xf32>
    %swap3A_510 = arith.constant 20 : index
    %swap3A_511 = arith.constant 0 : index
    %swap3A_512 = arith.constant 0 : index
    %swap3A_513 = vector.load %arg13[%swap3A_510, %swap3A_511, %swap3A_512] : memref<32x8x4096xf32, #tpu.memory_space<vmem>>, vector<1x8x4096xf32>
    %swap3A_514 = vector.shape_cast %swap3A_513 : vector<1x8x4096xf32> to vector<8x4096xf32>
    %swap3A_515 = vector.shape_cast %convert_element_type3A_509 : vector<8x4096xf32> to vector<1x8x4096xf32>
    tpu.vector_store %arg13[%swap3A_510, %swap3A_511, %swap3A_512], %swap3A_515 {strides = array<i32>} : memref<32x8x4096xf32, #tpu.memory_space<vmem>>, vector<1x8x4096xf32>,
    %not3A_516 = arith.constant dense<true> : vector<8x4096xi1>
    %not3A_517 = arith.xori %eq3A_507, %not3A_516 : vector<8x4096xi1>
    %and3A_518 = arith.andi %and3A_495, %not3A_517 : vector<8x4096xi1>
    %jit3A_519 = arith.constant 4.096000e+03 : f32
    %broadcast_in_dim3A_520 = vector.broadcast %jit3A_519 : f32 to vector<8x4096xf32>
    %select_n3A_521 = arith.select %and3A_518, %convert_element_type3A, %broadcast_in_dim3A_520 : vector<8x4096xi1>, vector<8x4096xf32>
    %reduce_min3A_522 = arith.constant dense<0x7F800000> : vector<8xf32>
    %reduce_min3A_523 = vector.multi_reduction <minimumf>, %select_n3A_521, %reduce_min3A_522 [1] : vector<8x4096xf32> to vector<8xf32>
    %broadcast_in_dim3A_524 = vector.shape_cast %reduce_min3A_523 : vector<8xf32> to vector<8x1xf32>
    %ge3A_525 = arith.constant 4.096000e+03 : f32
    %ge3A_526 = vector.broadcast %ge3A_525 : f32 to vector<8x1xf32>
    %ge3A_527 = arith.cmpf oge, %broadcast_in_dim3A_524, %ge3A_526 : vector<8x1xf32>
    %select_n3A_528 = arith.select %ge3A_527, %broadcast_in_dim3A_46, %broadcast_in_dim3A_524 : vector<8x1xi1>, vector<8x1xf32>
    %eq3A_529 = vector.broadcast %select_n3A_528 : vector<8x1xf32> to vector<8x4096xf32>
    %eq3A_530 = arith.cmpf oeq, %convert_element_type3A, %eq3A_529 : vector<8x4096xf32>
    %convert_element_type3A_531 = arith.extui %eq3A_530 : vector<8x4096xi1> to vector<8x4096xi32>
    %convert_element_type3A_532 = arith.sitofp %convert_element_type3A_531 : vector<8x4096xi32> to vector<8x4096xf32>
    %swap3A_533 = arith.constant 21 : index
    %swap3A_534 = arith.constant 0 : index
    %swap3A_535 = arith.constant 0 : index
    %swap3A_536 = vector.load %arg13[%swap3A_533, %swap3A_534, %swap3A_535] : memref<32x8x4096xf32, #tpu.memory_space<vmem>>, vector<1x8x4096xf32>
    %swap3A_537 = vector.shape_cast %swap3A_536 : vector<1x8x4096xf32> to vector<8x4096xf32>
    %swap3A_538 = vector.shape_cast %convert_element_type3A_532 : vector<8x4096xf32> to vector<1x8x4096xf32>
    tpu.vector_store %arg13[%swap3A_533, %swap3A_534, %swap3A_535], %swap3A_538 {strides = array<i32>} : memref<32x8x4096xf32, #tpu.memory_space<vmem>>, vector<1x8x4096xf32>,
    %not3A_539 = arith.constant dense<true> : vector<8x4096xi1>
    %not3A_540 = arith.xori %eq3A_530, %not3A_539 : vector<8x4096xi1>
    %and3A_541 = arith.andi %and3A_518, %not3A_540 : vector<8x4096xi1>
    %jit3A_542 = arith.constant 4.096000e+03 : f32
    %broadcast_in_dim3A_543 = vector.broadcast %jit3A_542 : f32 to vector<8x4096xf32>
    %select_n3A_544 = arith.select %and3A_541, %convert_element_type3A, %broadcast_in_dim3A_543 : vector<8x4096xi1>, vector<8x4096xf32>
    %reduce_min3A_545 = arith.constant dense<0x7F800000> : vector<8xf32>
    %reduce_min3A_546 = vector.multi_reduction <minimumf>, %select_n3A_544, %reduce_min3A_545 [1] : vector<8x4096xf32> to vector<8xf32>
    %broadcast_in_dim3A_547 = vector.shape_cast %reduce_min3A_546 : vector<8xf32> to vector<8x1xf32>
    %ge3A_548 = arith.constant 4.096000e+03 : f32
    %ge3A_549 = vector.broadcast %ge3A_548 : f32 to vector<8x1xf32>
    %ge3A_550 = arith.cmpf oge, %broadcast_in_dim3A_547, %ge3A_549 : vector<8x1xf32>
    %select_n3A_551 = arith.select %ge3A_550, %broadcast_in_dim3A_46, %broadcast_in_dim3A_547 : vector<8x1xi1>, vector<8x1xf32>
    %eq3A_552 = vector.broadcast %select_n3A_551 : vector<8x1xf32> to vector<8x4096xf32>
    %eq3A_553 = arith.cmpf oeq, %convert_element_type3A, %eq3A_552 : vector<8x4096xf32>
    %convert_element_type3A_554 = arith.extui %eq3A_553 : vector<8x4096xi1> to vector<8x4096xi32>
    %convert_element_type3A_555 = arith.sitofp %convert_element_type3A_554 : vector<8x4096xi32> to vector<8x4096xf32>
    %swap3A_556 = arith.constant 22 : index
    %swap3A_557 = arith.constant 0 : index
    %swap3A_558 = arith.constant 0 : index
    %swap3A_559 = vector.load %arg13[%swap3A_556, %swap3A_557, %swap3A_558] : memref<32x8x4096xf32, #tpu.memory_space<vmem>>, vector<1x8x4096xf32>
    %swap3A_560 = vector.shape_cast %swap3A_559 : vector<1x8x4096xf32> to vector<8x4096xf32>
    %swap3A_561 = vector.shape_cast %convert_element_type3A_555 : vector<8x4096xf32> to vector<1x8x4096xf32>
    tpu.vector_store %arg13[%swap3A_556, %swap3A_557, %swap3A_558], %swap3A_561 {strides = array<i32>} : memref<32x8x4096xf32, #tpu.memory_space<vmem>>, vector<1x8x4096xf32>,
    %not3A_562 = arith.constant dense<true> : vector<8x4096xi1>
    %not3A_563 = arith.xori %eq3A_553, %not3A_562 : vector<8x4096xi1>
    %and3A_564 = arith.andi %and3A_541, %not3A_563 : vector<8x4096xi1>
    %jit3A_565 = arith.constant 4.096000e+03 : f32
    %broadcast_in_dim3A_566 = vector.broadcast %jit3A_565 : f32 to vector<8x4096xf32>
    %select_n3A_567 = arith.select %and3A_564, %convert_element_type3A, %broadcast_in_dim3A_566 : vector<8x4096xi1>, vector<8x4096xf32>
    %reduce_min3A_568 = arith.constant dense<0x7F800000> : vector<8xf32>
    %reduce_min3A_569 = vector.multi_reduction <minimumf>, %select_n3A_567, %reduce_min3A_568 [1] : vector<8x4096xf32> to vector<8xf32>
    %broadcast_in_dim3A_570 = vector.shape_cast %reduce_min3A_569 : vector<8xf32> to vector<8x1xf32>
    %ge3A_571 = arith.constant 4.096000e+03 : f32
    %ge3A_572 = vector.broadcast %ge3A_571 : f32 to vector<8x1xf32>
    %ge3A_573 = arith.cmpf oge, %broadcast_in_dim3A_570, %ge3A_572 : vector<8x1xf32>
    %select_n3A_574 = arith.select %ge3A_573, %broadcast_in_dim3A_46, %broadcast_in_dim3A_570 : vector<8x1xi1>, vector<8x1xf32>
    %eq3A_575 = vector.broadcast %select_n3A_574 : vector<8x1xf32> to vector<8x4096xf32>
    %eq3A_576 = arith.cmpf oeq, %convert_element_type3A, %eq3A_575 : vector<8x4096xf32>
    %convert_element_type3A_577 = arith.extui %eq3A_576 : vector<8x4096xi1> to vector<8x4096xi32>
    %convert_element_type3A_578 = arith.sitofp %convert_element_type3A_577 : vector<8x4096xi32> to vector<8x4096xf32>
    %swap3A_579 = arith.constant 23 : index
    %swap3A_580 = arith.constant 0 : index
    %swap3A_581 = arith.constant 0 : index
    %swap3A_582 = vector.load %arg13[%swap3A_579, %swap3A_580, %swap3A_581] : memref<32x8x4096xf32, #tpu.memory_space<vmem>>, vector<1x8x4096xf32>
    %swap3A_583 = vector.shape_cast %swap3A_582 : vector<1x8x4096xf32> to vector<8x4096xf32>
    %swap3A_584 = vector.shape_cast %convert_element_type3A_578 : vector<8x4096xf32> to vector<1x8x4096xf32>
    tpu.vector_store %arg13[%swap3A_579, %swap3A_580, %swap3A_581], %swap3A_584 {strides = array<i32>} : memref<32x8x4096xf32, #tpu.memory_space<vmem>>, vector<1x8x4096xf32>,
    %not3A_585 = arith.constant dense<true> : vector<8x4096xi1>
    %not3A_586 = arith.xori %eq3A_576, %not3A_585 : vector<8x4096xi1>
    %and3A_587 = arith.andi %and3A_564, %not3A_586 : vector<8x4096xi1>
    %jit3A_588 = arith.constant 4.096000e+03 : f32
    %broadcast_in_dim3A_589 = vector.broadcast %jit3A_588 : f32 to vector<8x4096xf32>
    %select_n3A_590 = arith.select %and3A_587, %convert_element_type3A, %broadcast_in_dim3A_589 : vector<8x4096xi1>, vector<8x4096xf32>
    %reduce_min3A_591 = arith.constant dense<0x7F800000> : vector<8xf32>
    %reduce_min3A_592 = vector.multi_reduction <minimumf>, %select_n3A_590, %reduce_min3A_591 [1] : vector<8x4096xf32> to vector<8xf32>
    %broadcast_in_dim3A_593 = vector.shape_cast %reduce_min3A_592 : vector<8xf32> to vector<8x1xf32>
    %ge3A_594 = arith.constant 4.096000e+03 : f32
    %ge3A_595 = vector.broadcast %ge3A_594 : f32 to vector<8x1xf32>
    %ge3A_596 = arith.cmpf oge, %broadcast_in_dim3A_593, %ge3A_595 : vector<8x1xf32>
    %select_n3A_597 = arith.select %ge3A_596, %broadcast_in_dim3A_46, %broadcast_in_dim3A_593 : vector<8x1xi1>, vector<8x1xf32>
    %eq3A_598 = vector.broadcast %select_n3A_597 : vector<8x1xf32> to vector<8x4096xf32>
    %eq3A_599 = arith.cmpf oeq, %convert_element_type3A, %eq3A_598 : vector<8x4096xf32>
    %convert_element_type3A_600 = arith.extui %eq3A_599 : vector<8x4096xi1> to vector<8x4096xi32>
    %convert_element_type3A_601 = arith.sitofp %convert_element_type3A_600 : vector<8x4096xi32> to vector<8x4096xf32>
    %swap3A_602 = arith.constant 24 : index
    %swap3A_603 = arith.constant 0 : index
    %swap3A_604 = arith.constant 0 : index
    %swap3A_605 = vector.load %arg13[%swap3A_602, %swap3A_603, %swap3A_604] : memref<32x8x4096xf32, #tpu.memory_space<vmem>>, vector<1x8x4096xf32>
    %swap3A_606 = vector.shape_cast %swap3A_605 : vector<1x8x4096xf32> to vector<8x4096xf32>
    %swap3A_607 = vector.shape_cast %convert_element_type3A_601 : vector<8x4096xf32> to vector<1x8x4096xf32>
    tpu.vector_store %arg13[%swap3A_602, %swap3A_603, %swap3A_604], %swap3A_607 {strides = array<i32>} : memref<32x8x4096xf32, #tpu.memory_space<vmem>>, vector<1x8x4096xf32>,
    %not3A_608 = arith.constant dense<true> : vector<8x4096xi1>
    %not3A_609 = arith.xori %eq3A_599, %not3A_608 : vector<8x4096xi1>
    %and3A_610 = arith.andi %and3A_587, %not3A_609 : vector<8x4096xi1>
    %jit3A_611 = arith.constant 4.096000e+03 : f32
    %broadcast_in_dim3A_612 = vector.broadcast %jit3A_611 : f32 to vector<8x4096xf32>
    %select_n3A_613 = arith.select %and3A_610, %convert_element_type3A, %broadcast_in_dim3A_612 : vector<8x4096xi1>, vector<8x4096xf32>
    %reduce_min3A_614 = arith.constant dense<0x7F800000> : vector<8xf32>
    %reduce_min3A_615 = vector.multi_reduction <minimumf>, %select_n3A_613, %reduce_min3A_614 [1] : vector<8x4096xf32> to vector<8xf32>
    %broadcast_in_dim3A_616 = vector.shape_cast %reduce_min3A_615 : vector<8xf32> to vector<8x1xf32>
    %ge3A_617 = arith.constant 4.096000e+03 : f32
    %ge3A_618 = vector.broadcast %ge3A_617 : f32 to vector<8x1xf32>
    %ge3A_619 = arith.cmpf oge, %broadcast_in_dim3A_616, %ge3A_618 : vector<8x1xf32>
    %select_n3A_620 = arith.select %ge3A_619, %broadcast_in_dim3A_46, %broadcast_in_dim3A_616 : vector<8x1xi1>, vector<8x1xf32>
    %eq3A_621 = vector.broadcast %select_n3A_620 : vector<8x1xf32> to vector<8x4096xf32>
    %eq3A_622 = arith.cmpf oeq, %convert_element_type3A, %eq3A_621 : vector<8x4096xf32>
    %convert_element_type3A_623 = arith.extui %eq3A_622 : vector<8x4096xi1> to vector<8x4096xi32>
    %convert_element_type3A_624 = arith.sitofp %convert_element_type3A_623 : vector<8x4096xi32> to vector<8x4096xf32>
    %swap3A_625 = arith.constant 25 : index
    %swap3A_626 = arith.constant 0 : index
    %swap3A_627 = arith.constant 0 : index
    %swap3A_628 = vector.load %arg13[%swap3A_625, %swap3A_626, %swap3A_627] : memref<32x8x4096xf32, #tpu.memory_space<vmem>>, vector<1x8x4096xf32>
    %swap3A_629 = vector.shape_cast %swap3A_628 : vector<1x8x4096xf32> to vector<8x4096xf32>
    %swap3A_630 = vector.shape_cast %convert_element_type3A_624 : vector<8x4096xf32> to vector<1x8x4096xf32>
    tpu.vector_store %arg13[%swap3A_625, %swap3A_626, %swap3A_627], %swap3A_630 {strides = array<i32>} : memref<32x8x4096xf32, #tpu.memory_space<vmem>>, vector<1x8x4096xf32>,
    %not3A_631 = arith.constant dense<true> : vector<8x4096xi1>
    %not3A_632 = arith.xori %eq3A_622, %not3A_631 : vector<8x4096xi1>
    %and3A_633 = arith.andi %and3A_610, %not3A_632 : vector<8x4096xi1>
    %jit3A_634 = arith.constant 4.096000e+03 : f32
    %broadcast_in_dim3A_635 = vector.broadcast %jit3A_634 : f32 to vector<8x4096xf32>
    %select_n3A_636 = arith.select %and3A_633, %convert_element_type3A, %broadcast_in_dim3A_635 : vector<8x4096xi1>, vector<8x4096xf32>
    %reduce_min3A_637 = arith.constant dense<0x7F800000> : vector<8xf32>
    %reduce_min3A_638 = vector.multi_reduction <minimumf>, %select_n3A_636, %reduce_min3A_637 [1] : vector<8x4096xf32> to vector<8xf32>
    %broadcast_in_dim3A_639 = vector.shape_cast %reduce_min3A_638 : vector<8xf32> to vector<8x1xf32>
    %ge3A_640 = arith.constant 4.096000e+03 : f32
    %ge3A_641 = vector.broadcast %ge3A_640 : f32 to vector<8x1xf32>
    %ge3A_642 = arith.cmpf oge, %broadcast_in_dim3A_639, %ge3A_641 : vector<8x1xf32>
    %select_n3A_643 = arith.select %ge3A_642, %broadcast_in_dim3A_46, %broadcast_in_dim3A_639 : vector<8x1xi1>, vector<8x1xf32>
    %eq3A_644 = vector.broadcast %select_n3A_643 : vector<8x1xf32> to vector<8x4096xf32>
    %eq3A_645 = arith.cmpf oeq, %convert_element_type3A, %eq3A_644 : vector<8x4096xf32>
    %convert_element_type3A_646 = arith.extui %eq3A_645 : vector<8x4096xi1> to vector<8x4096xi32>
    %convert_element_type3A_647 = arith.sitofp %convert_element_type3A_646 : vector<8x4096xi32> to vector<8x4096xf32>
    %swap3A_648 = arith.constant 26 : index
    %swap3A_649 = arith.constant 0 : index
    %swap3A_650 = arith.constant 0 : index
    %swap3A_651 = vector.load %arg13[%swap3A_648, %swap3A_649, %swap3A_650] : memref<32x8x4096xf32, #tpu.memory_space<vmem>>, vector<1x8x4096xf32>
    %swap3A_652 = vector.shape_cast %swap3A_651 : vector<1x8x4096xf32> to vector<8x4096xf32>
    %swap3A_653 = vector.shape_cast %convert_element_type3A_647 : vector<8x4096xf32> to vector<1x8x4096xf32>
    tpu.vector_store %arg13[%swap3A_648, %swap3A_649, %swap3A_650], %swap3A_653 {strides = array<i32>} : memref<32x8x4096xf32, #tpu.memory_space<vmem>>, vector<1x8x4096xf32>,
    %not3A_654 = arith.constant dense<true> : vector<8x4096xi1>
    %not3A_655 = arith.xori %eq3A_645, %not3A_654 : vector<8x4096xi1>
    %and3A_656 = arith.andi %and3A_633, %not3A_655 : vector<8x4096xi1>
    %jit3A_657 = arith.constant 4.096000e+03 : f32
    %broadcast_in_dim3A_658 = vector.broadcast %jit3A_657 : f32 to vector<8x4096xf32>
    %select_n3A_659 = arith.select %and3A_656, %convert_element_type3A, %broadcast_in_dim3A_658 : vector<8x4096xi1>, vector<8x4096xf32>
    %reduce_min3A_660 = arith.constant dense<0x7F800000> : vector<8xf32>
    %reduce_min3A_661 = vector.multi_reduction <minimumf>, %select_n3A_659, %reduce_min3A_660 [1] : vector<8x4096xf32> to vector<8xf32>
    %broadcast_in_dim3A_662 = vector.shape_cast %reduce_min3A_661 : vector<8xf32> to vector<8x1xf32>
    %ge3A_663 = arith.constant 4.096000e+03 : f32
    %ge3A_664 = vector.broadcast %ge3A_663 : f32 to vector<8x1xf32>
    %ge3A_665 = arith.cmpf oge, %broadcast_in_dim3A_662, %ge3A_664 : vector<8x1xf32>
    %select_n3A_666 = arith.select %ge3A_665, %broadcast_in_dim3A_46, %broadcast_in_dim3A_662 : vector<8x1xi1>, vector<8x1xf32>
    %eq3A_667 = vector.broadcast %select_n3A_666 : vector<8x1xf32> to vector<8x4096xf32>
    %eq3A_668 = arith.cmpf oeq, %convert_element_type3A, %eq3A_667 : vector<8x4096xf32>
    %convert_element_type3A_669 = arith.extui %eq3A_668 : vector<8x4096xi1> to vector<8x4096xi32>
    %convert_element_type3A_670 = arith.sitofp %convert_element_type3A_669 : vector<8x4096xi32> to vector<8x4096xf32>
    %swap3A_671 = arith.constant 27 : index
    %swap3A_672 = arith.constant 0 : index
    %swap3A_673 = arith.constant 0 : index
    %swap3A_674 = vector.load %arg13[%swap3A_671, %swap3A_672, %swap3A_673] : memref<32x8x4096xf32, #tpu.memory_space<vmem>>, vector<1x8x4096xf32>
    %swap3A_675 = vector.shape_cast %swap3A_674 : vector<1x8x4096xf32> to vector<8x4096xf32>
    %swap3A_676 = vector.shape_cast %convert_element_type3A_670 : vector<8x4096xf32> to vector<1x8x4096xf32>
    tpu.vector_store %arg13[%swap3A_671, %swap3A_672, %swap3A_673], %swap3A_676 {strides = array<i32>} : memref<32x8x4096xf32, #tpu.memory_space<vmem>>, vector<1x8x4096xf32>,
    %not3A_677 = arith.constant dense<true> : vector<8x4096xi1>
    %not3A_678 = arith.xori %eq3A_668, %not3A_677 : vector<8x4096xi1>
    %and3A_679 = arith.andi %and3A_656, %not3A_678 : vector<8x4096xi1>
    %jit3A_680 = arith.constant 4.096000e+03 : f32
    %broadcast_in_dim3A_681 = vector.broadcast %jit3A_680 : f32 to vector<8x4096xf32>
    %select_n3A_682 = arith.select %and3A_679, %convert_element_type3A, %broadcast_in_dim3A_681 : vector<8x4096xi1>, vector<8x4096xf32>
    %reduce_min3A_683 = arith.constant dense<0x7F800000> : vector<8xf32>
    %reduce_min3A_684 = vector.multi_reduction <minimumf>, %select_n3A_682, %reduce_min3A_683 [1] : vector<8x4096xf32> to vector<8xf32>
    %broadcast_in_dim3A_685 = vector.shape_cast %reduce_min3A_684 : vector<8xf32> to vector<8x1xf32>
    %ge3A_686 = arith.constant 4.096000e+03 : f32
    %ge3A_687 = vector.broadcast %ge3A_686 : f32 to vector<8x1xf32>
    %ge3A_688 = arith.cmpf oge, %broadcast_in_dim3A_685, %ge3A_687 : vector<8x1xf32>
    %select_n3A_689 = arith.select %ge3A_688, %broadcast_in_dim3A_46, %broadcast_in_dim3A_685 : vector<8x1xi1>, vector<8x1xf32>
    %eq3A_690 = vector.broadcast %select_n3A_689 : vector<8x1xf32> to vector<8x4096xf32>
    %eq3A_691 = arith.cmpf oeq, %convert_element_type3A, %eq3A_690 : vector<8x4096xf32>
    %convert_element_type3A_692 = arith.extui %eq3A_691 : vector<8x4096xi1> to vector<8x4096xi32>
    %convert_element_type3A_693 = arith.sitofp %convert_element_type3A_692 : vector<8x4096xi32> to vector<8x4096xf32>
    %swap3A_694 = arith.constant 28 : index
    %swap3A_695 = arith.constant 0 : index
    %swap3A_696 = arith.constant 0 : index
    %swap3A_697 = vector.load %arg13[%swap3A_694, %swap3A_695, %swap3A_696] : memref<32x8x4096xf32, #tpu.memory_space<vmem>>, vector<1x8x4096xf32>
    %swap3A_698 = vector.shape_cast %swap3A_697 : vector<1x8x4096xf32> to vector<8x4096xf32>
    %swap3A_699 = vector.shape_cast %convert_element_type3A_693 : vector<8x4096xf32> to vector<1x8x4096xf32>
    tpu.vector_store %arg13[%swap3A_694, %swap3A_695, %swap3A_696], %swap3A_699 {strides = array<i32>} : memref<32x8x4096xf32, #tpu.memory_space<vmem>>, vector<1x8x4096xf32>,
    %not3A_700 = arith.constant dense<true> : vector<8x4096xi1>
    %not3A_701 = arith.xori %eq3A_691, %not3A_700 : vector<8x4096xi1>
    %and3A_702 = arith.andi %and3A_679, %not3A_701 : vector<8x4096xi1>
    %jit3A_703 = arith.constant 4.096000e+03 : f32
    %broadcast_in_dim3A_704 = vector.broadcast %jit3A_703 : f32 to vector<8x4096xf32>
    %select_n3A_705 = arith.select %and3A_702, %convert_element_type3A, %broadcast_in_dim3A_704 : vector<8x4096xi1>, vector<8x4096xf32>
    %reduce_min3A_706 = arith.constant dense<0x7F800000> : vector<8xf32>
    %reduce_min3A_707 = vector.multi_reduction <minimumf>, %select_n3A_705, %reduce_min3A_706 [1] : vector<8x4096xf32> to vector<8xf32>
    %broadcast_in_dim3A_708 = vector.shape_cast %reduce_min3A_707 : vector<8xf32> to vector<8x1xf32>
    %ge3A_709 = arith.constant 4.096000e+03 : f32
    %ge3A_710 = vector.broadcast %ge3A_709 : f32 to vector<8x1xf32>
    %ge3A_711 = arith.cmpf oge, %broadcast_in_dim3A_708, %ge3A_710 : vector<8x1xf32>
    %select_n3A_712 = arith.select %ge3A_711, %broadcast_in_dim3A_46, %broadcast_in_dim3A_708 : vector<8x1xi1>, vector<8x1xf32>
    %eq3A_713 = vector.broadcast %select_n3A_712 : vector<8x1xf32> to vector<8x4096xf32>
    %eq3A_714 = arith.cmpf oeq, %convert_element_type3A, %eq3A_713 : vector<8x4096xf32>
    %convert_element_type3A_715 = arith.extui %eq3A_714 : vector<8x4096xi1> to vector<8x4096xi32>
    %convert_element_type3A_716 = arith.sitofp %convert_element_type3A_715 : vector<8x4096xi32> to vector<8x4096xf32>
    %swap3A_717 = arith.constant 29 : index
    %swap3A_718 = arith.constant 0 : index
    %swap3A_719 = arith.constant 0 : index
    %swap3A_720 = vector.load %arg13[%swap3A_717, %swap3A_718, %swap3A_719] : memref<32x8x4096xf32, #tpu.memory_space<vmem>>, vector<1x8x4096xf32>
    %swap3A_721 = vector.shape_cast %swap3A_720 : vector<1x8x4096xf32> to vector<8x4096xf32>
    %swap3A_722 = vector.shape_cast %convert_element_type3A_716 : vector<8x4096xf32> to vector<1x8x4096xf32>
    tpu.vector_store %arg13[%swap3A_717, %swap3A_718, %swap3A_719], %swap3A_722 {strides = array<i32>} : memref<32x8x4096xf32, #tpu.memory_space<vmem>>, vector<1x8x4096xf32>,
    %not3A_723 = arith.constant dense<true> : vector<8x4096xi1>
    %not3A_724 = arith.xori %eq3A_714, %not3A_723 : vector<8x4096xi1>
    %and3A_725 = arith.andi %and3A_702, %not3A_724 : vector<8x4096xi1>
    %jit3A_726 = arith.constant 4.096000e+03 : f32
    %broadcast_in_dim3A_727 = vector.broadcast %jit3A_726 : f32 to vector<8x4096xf32>
    %select_n3A_728 = arith.select %and3A_725, %convert_element_type3A, %broadcast_in_dim3A_727 : vector<8x4096xi1>, vector<8x4096xf32>
    %reduce_min3A_729 = arith.constant dense<0x7F800000> : vector<8xf32>
    %reduce_min3A_730 = vector.multi_reduction <minimumf>, %select_n3A_728, %reduce_min3A_729 [1] : vector<8x4096xf32> to vector<8xf32>
    %broadcast_in_dim3A_731 = vector.shape_cast %reduce_min3A_730 : vector<8xf32> to vector<8x1xf32>
    %ge3A_732 = arith.constant 4.096000e+03 : f32
    %ge3A_733 = vector.broadcast %ge3A_732 : f32 to vector<8x1xf32>
    %ge3A_734 = arith.cmpf oge, %broadcast_in_dim3A_731, %ge3A_733 : vector<8x1xf32>
    %select_n3A_735 = arith.select %ge3A_734, %broadcast_in_dim3A_46, %broadcast_in_dim3A_731 : vector<8x1xi1>, vector<8x1xf32>
    %eq3A_736 = vector.broadcast %select_n3A_735 : vector<8x1xf32> to vector<8x4096xf32>
    %eq3A_737 = arith.cmpf oeq, %convert_element_type3A, %eq3A_736 : vector<8x4096xf32>
    %convert_element_type3A_738 = arith.extui %eq3A_737 : vector<8x4096xi1> to vector<8x4096xi32>
    %convert_element_type3A_739 = arith.sitofp %convert_element_type3A_738 : vector<8x4096xi32> to vector<8x4096xf32>
    %swap3A_740 = arith.constant 30 : index
    %swap3A_741 = arith.constant 0 : index
    %swap3A_742 = arith.constant 0 : index
    %swap3A_743 = vector.load %arg13[%swap3A_740, %swap3A_741, %swap3A_742] : memref<32x8x4096xf32, #tpu.memory_space<vmem>>, vector<1x8x4096xf32>
    %swap3A_744 = vector.shape_cast %swap3A_743 : vector<1x8x4096xf32> to vector<8x4096xf32>
    %swap3A_745 = vector.shape_cast %convert_element_type3A_739 : vector<8x4096xf32> to vector<1x8x4096xf32>
    tpu.vector_store %arg13[%swap3A_740, %swap3A_741, %swap3A_742], %swap3A_745 {strides = array<i32>} : memref<32x8x4096xf32, #tpu.memory_space<vmem>>, vector<1x8x4096xf32>,
    %not3A_746 = arith.constant dense<true> : vector<8x4096xi1>
    %not3A_747 = arith.xori %eq3A_737, %not3A_746 : vector<8x4096xi1>
    %and3A_748 = arith.andi %and3A_725, %not3A_747 : vector<8x4096xi1>
    %jit3A_749 = arith.constant 4.096000e+03 : f32
    %broadcast_in_dim3A_750 = vector.broadcast %jit3A_749 : f32 to vector<8x4096xf32>
    %select_n3A_751 = arith.select %and3A_748, %convert_element_type3A, %broadcast_in_dim3A_750 : vector<8x4096xi1>, vector<8x4096xf32>
    %reduce_min3A_752 = arith.constant dense<0x7F800000> : vector<8xf32>
    %reduce_min3A_753 = vector.multi_reduction <minimumf>, %select_n3A_751, %reduce_min3A_752 [1] : vector<8x4096xf32> to vector<8xf32>
    %broadcast_in_dim3A_754 = vector.shape_cast %reduce_min3A_753 : vector<8xf32> to vector<8x1xf32>
    %ge3A_755 = arith.constant 4.096000e+03 : f32
    %ge3A_756 = vector.broadcast %ge3A_755 : f32 to vector<8x1xf32>
    %ge3A_757 = arith.cmpf oge, %broadcast_in_dim3A_754, %ge3A_756 : vector<8x1xf32>
    %select_n3A_758 = arith.select %ge3A_757, %broadcast_in_dim3A_46, %broadcast_in_dim3A_754 : vector<8x1xi1>, vector<8x1xf32>
    %eq3A_759 = vector.broadcast %select_n3A_758 : vector<8x1xf32> to vector<8x4096xf32>
    %eq3A_760 = arith.cmpf oeq, %convert_element_type3A, %eq3A_759 : vector<8x4096xf32>
    %convert_element_type3A_761 = arith.extui %eq3A_760 : vector<8x4096xi1> to vector<8x4096xi32>
    %convert_element_type3A_762 = arith.sitofp %convert_element_type3A_761 : vector<8x4096xi32> to vector<8x4096xf32>
    %swap3A_763 = arith.constant 31 : index
    %swap3A_764 = arith.constant 0 : index
    %swap3A_765 = arith.constant 0 : index
    %swap3A_766 = vector.load %arg13[%swap3A_763, %swap3A_764, %swap3A_765] : memref<32x8x4096xf32, #tpu.memory_space<vmem>>, vector<1x8x4096xf32>
    %swap3A_767 = vector.shape_cast %swap3A_766 : vector<1x8x4096xf32> to vector<8x4096xf32>
    %swap3A_768 = vector.shape_cast %convert_element_type3A_762 : vector<8x4096xf32> to vector<1x8x4096xf32>
    tpu.vector_store %arg13[%swap3A_763, %swap3A_764, %swap3A_765], %swap3A_768 {strides = array<i32>} : memref<32x8x4096xf32, #tpu.memory_space<vmem>>, vector<1x8x4096xf32>,
    %concatenate3A = tpu.concatenate %select_n3A_49, %select_n3A_68, %select_n3A_91, %select_n3A_114, %select_n3A_137, %select_n3A_160, %select_n3A_183, %select_n3A_206, %select_n3A_229, %select_n3A_252, %select_n3A_275, %select_n3A_298, %select_n3A_321, %select_n3A_344, %select_n3A_367, %select_n3A_390, %select_n3A_413, %select_n3A_436, %select_n3A_459, %select_n3A_482, %select_n3A_505, %select_n3A_528, %select_n3A_551, %select_n3A_574, %select_n3A_597, %select_n3A_620, %select_n3A_643, %select_n3A_666, %select_n3A_689, %select_n3A_712, %select_n3A_735, %select_n3A_758 in 1 : vector<8x1xf32>, vector<8x1xf32>, vector<8x1xf32>, vector<8x1xf32>, vector<8x1xf32>, vector<8x1xf32>, vector<8x1xf32>, vector<8x1xf32>, vector<8x1xf32>, vector<8x1xf32>, vector<8x1xf32>, vector<8x1xf32>, vector<8x1xf32>, vector<8x1xf32>, vector<8x1xf32>, vector<8x1xf32>, vector<8x1xf32>, vector<8x1xf32>, vector<8x1xf32>, vector<8x1xf32>, vector<8x1xf32>, vector<8x1xf32>, vector<8x1xf32>, vector<8x1xf32>, vector<8x1xf32>, vector<8x1xf32>, vector<8x1xf32>, vector<8x1xf32>, vector<8x1xf32>, vector<8x1xf32>, vector<8x1xf32>, vector<8x1xf32> -> vector<8x32xf32>
    %convert_element_type3A_769 = arith.fptosi %concatenate3A : vector<8x32xf32> to vector<8x32xi32>
    %mul3A = arith.constant 4096 : i32
    %mul3A_770 = arith.muli %arg0, %mul3A : i32
    %add3A_771 = vector.broadcast %mul3A_770 : i32 to vector<8x32xi32>
    %add3A_772 = arith.addi %convert_element_type3A_769, %add3A_771 : vector<8x32xi32>
    %swap3A_773 = arith.constant 0 : index
    %swap3A_774 = arith.constant 0 : index
    %swap3A_775 = arith.constant 0 : index
    %swap3A_776 = vector.load %arg12[%swap3A_773, %swap3A_774, %swap3A_775] : memref<1x8x32xi32, #tpu.memory_space<vmem>>, vector<1x8x32xi32>
    %swap3A_777 = vector.shape_cast %swap3A_776 : vector<1x8x32xi32> to vector<8x32xi32>
    %swap3A_778 = vector.shape_cast %add3A_772 : vector<8x32xi32> to vector<1x8x32xi32>
    tpu.vector_store %arg12[%swap3A_773, %swap3A_774, %swap3A_775], %swap3A_778 {strides = array<i32>} : memref<1x8x32xi32, #tpu.memory_space<vmem>>, vector<1x8x32xi32>,
    %get3A_779 = arith.constant 0 : index
    %get3A_780 = arith.constant 0 : index
    %get3A_781 = arith.constant 0 : index
    %get3A_782 = vector.load %arg3[%get3A_779, %get3A_780, %get3A_781] : memref<1x4096x3xf32, #tpu.memory_space<vmem>>, vector<1x4096x3xf32>
    %get3A_783 = vector.shape_cast %get3A_782 : vector<1x4096x3xf32> to vector<4096x3xf32>
    %get3A_784 = arith.constant 0 : index
    %get3A_785 = arith.constant 0 : index
    %get3A_786 = arith.constant 0 : index
    %get3A_787 = vector.load %arg13[%get3A_784, %get3A_785, %get3A_786] : memref<32x8x4096xf32, #tpu.memory_space<vmem>>, vector<32x1x4096xf32>
    %get3A_788 = vector.shape_cast %get3A_787 : vector<32x1x4096xf32> to vector<32x4096xf32>
    %dot_general3A = arith.constant dense<0.000000e+00> : vector<32x3xf32>
    %dot_general3A_789 = tpu.matmul %get3A_788, %get3A_783, %dot_general3A {dimension_numbers = #tpu.dot_dimension_numbers<[1], [0], [0], [1], [0, 0, 1, 1], [], []>, transpose_lhs_hint = false} : vector<32x4096xf32>, vector<4096x3xf32>, vector<32x3xf32> -> vector<32x3xf32>
    %get3A_790 = arith.constant 0 : index
    %get3A_791 = arith.constant 0 : index
    %get3A_792 = arith.constant 0 : index
    %get3A_793 = vector.load %arg4[%get3A_790, %get3A_791, %get3A_792] : memref<1x8x3xf32, #tpu.memory_space<vmem>>, vector<1x1x3xf32>
    %get3A_794 = vector.shape_cast %get3A_793 : vector<1x1x3xf32> to vector<1x3xf32>
    %sub3A_795 = vector.broadcast %get3A_794 : vector<1x3xf32> to vector<32x3xf32>
    %sub3A_796 = arith.subf %dot_general3A_789, %sub3A_795 : vector<32x3xf32>
    %get3A_797 = arith.constant 0 : index
    %get3A_798 = arith.constant 1 : index
    %get3A_799 = arith.constant 0 : index
    %get3A_800 = vector.load %arg13[%get3A_797, %get3A_798, %get3A_799] : memref<32x8x4096xf32, #tpu.memory_space<vmem>>, vector<32x1x4096xf32>
    %get3A_801 = vector.shape_cast %get3A_800 : vector<32x1x4096xf32> to vector<32x4096xf32>
    %dot_general3A_802 = arith.constant dense<0.000000e+00> : vector<32x3xf32>
    %dot_general3A_803 = tpu.matmul %get3A_801, %get3A_783, %dot_general3A_802 {dimension_numbers = #tpu.dot_dimension_numbers<[1], [0], [0], [1], [0, 0, 1, 1], [], []>, transpose_lhs_hint = false} : vector<32x4096xf32>, vector<4096x3xf32>, vector<32x3xf32> -> vector<32x3xf32>
    %get3A_804 = arith.constant 0 : index
    %get3A_805 = arith.constant 1 : index
    %get3A_806 = arith.constant 0 : index
    %get3A_807 = vector.load %arg4[%get3A_804, %get3A_805, %get3A_806] : memref<1x8x3xf32, #tpu.memory_space<vmem>>, vector<1x1x3xf32>
    %get3A_808 = vector.shape_cast %get3A_807 : vector<1x1x3xf32> to vector<1x3xf32>
    %sub3A_809 = vector.broadcast %get3A_808 : vector<1x3xf32> to vector<32x3xf32>
    %sub3A_810 = arith.subf %dot_general3A_803, %sub3A_809 : vector<32x3xf32>
    %get3A_811 = arith.constant 0 : index
    %get3A_812 = arith.constant 2 : index
    %get3A_813 = arith.constant 0 : index
    %get3A_814 = vector.load %arg13[%get3A_811, %get3A_812, %get3A_813] : memref<32x8x4096xf32, #tpu.memory_space<vmem>>, vector<32x1x4096xf32>
    %get3A_815 = vector.shape_cast %get3A_814 : vector<32x1x4096xf32> to vector<32x4096xf32>
    %dot_general3A_816 = arith.constant dense<0.000000e+00> : vector<32x3xf32>
    %dot_general3A_817 = tpu.matmul %get3A_815, %get3A_783, %dot_general3A_816 {dimension_numbers = #tpu.dot_dimension_numbers<[1], [0], [0], [1], [0, 0, 1, 1], [], []>, transpose_lhs_hint = false} : vector<32x4096xf32>, vector<4096x3xf32>, vector<32x3xf32> -> vector<32x3xf32>
    %get3A_818 = arith.constant 0 : index
    %get3A_819 = arith.constant 2 : index
    %get3A_820 = arith.constant 0 : index
    %get3A_821 = vector.load %arg4[%get3A_818, %get3A_819, %get3A_820] : memref<1x8x3xf32, #tpu.memory_space<vmem>>, vector<1x1x3xf32>
    %get3A_822 = vector.shape_cast %get3A_821 : vector<1x1x3xf32> to vector<1x3xf32>
    %sub3A_823 = vector.broadcast %get3A_822 : vector<1x3xf32> to vector<32x3xf32>
    %sub3A_824 = arith.subf %dot_general3A_817, %sub3A_823 : vector<32x3xf32>
    %get3A_825 = arith.constant 0 : index
    %get3A_826 = arith.constant 3 : index
    %get3A_827 = arith.constant 0 : index
    %get3A_828 = vector.load %arg13[%get3A_825, %get3A_826, %get3A_827] : memref<32x8x4096xf32, #tpu.memory_space<vmem>>, vector<32x1x4096xf32>
    %get3A_829 = vector.shape_cast %get3A_828 : vector<32x1x4096xf32> to vector<32x4096xf32>
    %dot_general3A_830 = arith.constant dense<0.000000e+00> : vector<32x3xf32>
    %dot_general3A_831 = tpu.matmul %get3A_829, %get3A_783, %dot_general3A_830 {dimension_numbers = #tpu.dot_dimension_numbers<[1], [0], [0], [1], [0, 0, 1, 1], [], []>, transpose_lhs_hint = false} : vector<32x4096xf32>, vector<4096x3xf32>, vector<32x3xf32> -> vector<32x3xf32>
    %get3A_832 = arith.constant 0 : index
    %get3A_833 = arith.constant 3 : index
    %get3A_834 = arith.constant 0 : index
    %get3A_835 = vector.load %arg4[%get3A_832, %get3A_833, %get3A_834] : memref<1x8x3xf32, #tpu.memory_space<vmem>>, vector<1x1x3xf32>
    %get3A_836 = vector.shape_cast %get3A_835 : vector<1x1x3xf32> to vector<1x3xf32>
    %sub3A_837 = vector.broadcast %get3A_836 : vector<1x3xf32> to vector<32x3xf32>
    %sub3A_838 = arith.subf %dot_general3A_831, %sub3A_837 : vector<32x3xf32>
    %get3A_839 = arith.constant 0 : index
    %get3A_840 = arith.constant 4 : index
    %get3A_841 = arith.constant 0 : index
    %get3A_842 = vector.load %arg13[%get3A_839, %get3A_840, %get3A_841] : memref<32x8x4096xf32, #tpu.memory_space<vmem>>, vector<32x1x4096xf32>
    %get3A_843 = vector.shape_cast %get3A_842 : vector<32x1x4096xf32> to vector<32x4096xf32>
    %dot_general3A_844 = arith.constant dense<0.000000e+00> : vector<32x3xf32>
    %dot_general3A_845 = tpu.matmul %get3A_843, %get3A_783, %dot_general3A_844 {dimension_numbers = #tpu.dot_dimension_numbers<[1], [0], [0], [1], [0, 0, 1, 1], [], []>, transpose_lhs_hint = false} : vector<32x4096xf32>, vector<4096x3xf32>, vector<32x3xf32> -> vector<32x3xf32>
    %get3A_846 = arith.constant 0 : index
    %get3A_847 = arith.constant 4 : index
    %get3A_848 = arith.constant 0 : index
    %get3A_849 = vector.load %arg4[%get3A_846, %get3A_847, %get3A_848] : memref<1x8x3xf32, #tpu.memory_space<vmem>>, vector<1x1x3xf32>
    %get3A_850 = vector.shape_cast %get3A_849 : vector<1x1x3xf32> to vector<1x3xf32>
    %sub3A_851 = vector.broadcast %get3A_850 : vector<1x3xf32> to vector<32x3xf32>
    %sub3A_852 = arith.subf %dot_general3A_845, %sub3A_851 : vector<32x3xf32>
    %get3A_853 = arith.constant 0 : index
    %get3A_854 = arith.constant 5 : index
    %get3A_855 = arith.constant 0 : index
    %get3A_856 = vector.load %arg13[%get3A_853, %get3A_854, %get3A_855] : memref<32x8x4096xf32, #tpu.memory_space<vmem>>, vector<32x1x4096xf32>
    %get3A_857 = vector.shape_cast %get3A_856 : vector<32x1x4096xf32> to vector<32x4096xf32>
    %dot_general3A_858 = arith.constant dense<0.000000e+00> : vector<32x3xf32>
    %dot_general3A_859 = tpu.matmul %get3A_857, %get3A_783, %dot_general3A_858 {dimension_numbers = #tpu.dot_dimension_numbers<[1], [0], [0], [1], [0, 0, 1, 1], [], []>, transpose_lhs_hint = false} : vector<32x4096xf32>, vector<4096x3xf32>, vector<32x3xf32> -> vector<32x3xf32>
    %get3A_860 = arith.constant 0 : index
    %get3A_861 = arith.constant 5 : index
    %get3A_862 = arith.constant 0 : index
    %get3A_863 = vector.load %arg4[%get3A_860, %get3A_861, %get3A_862] : memref<1x8x3xf32, #tpu.memory_space<vmem>>, vector<1x1x3xf32>
    %get3A_864 = vector.shape_cast %get3A_863 : vector<1x1x3xf32> to vector<1x3xf32>
    %sub3A_865 = vector.broadcast %get3A_864 : vector<1x3xf32> to vector<32x3xf32>
    %sub3A_866 = arith.subf %dot_general3A_859, %sub3A_865 : vector<32x3xf32>
    %get3A_867 = arith.constant 0 : index
    %get3A_868 = arith.constant 6 : index
    %get3A_869 = arith.constant 0 : index
    %get3A_870 = vector.load %arg13[%get3A_867, %get3A_868, %get3A_869] : memref<32x8x4096xf32, #tpu.memory_space<vmem>>, vector<32x1x4096xf32>
    %get3A_871 = vector.shape_cast %get3A_870 : vector<32x1x4096xf32> to vector<32x4096xf32>
    %dot_general3A_872 = arith.constant dense<0.000000e+00> : vector<32x3xf32>
    %dot_general3A_873 = tpu.matmul %get3A_871, %get3A_783, %dot_general3A_872 {dimension_numbers = #tpu.dot_dimension_numbers<[1], [0], [0], [1], [0, 0, 1, 1], [], []>, transpose_lhs_hint = false} : vector<32x4096xf32>, vector<4096x3xf32>, vector<32x3xf32> -> vector<32x3xf32>
    %get3A_874 = arith.constant 0 : index
    %get3A_875 = arith.constant 6 : index
    %get3A_876 = arith.constant 0 : index
    %get3A_877 = vector.load %arg4[%get3A_874, %get3A_875, %get3A_876] : memref<1x8x3xf32, #tpu.memory_space<vmem>>, vector<1x1x3xf32>
    %get3A_878 = vector.shape_cast %get3A_877 : vector<1x1x3xf32> to vector<1x3xf32>
    %sub3A_879 = vector.broadcast %get3A_878 : vector<1x3xf32> to vector<32x3xf32>
    %sub3A_880 = arith.subf %dot_general3A_873, %sub3A_879 : vector<32x3xf32>
    %get3A_881 = arith.constant 0 : index
    %get3A_882 = arith.constant 7 : index
    %get3A_883 = arith.constant 0 : index
    %get3A_884 = vector.load %arg13[%get3A_881, %get3A_882, %get3A_883] : memref<32x8x4096xf32, #tpu.memory_space<vmem>>, vector<32x1x4096xf32>
    %get3A_885 = vector.shape_cast %get3A_884 : vector<32x1x4096xf32> to vector<32x4096xf32>
    %dot_general3A_886 = arith.constant dense<0.000000e+00> : vector<32x3xf32>
    %dot_general3A_887 = tpu.matmul %get3A_885, %get3A_783, %dot_general3A_886 {dimension_numbers = #tpu.dot_dimension_numbers<[1], [0], [0], [1], [0, 0, 1, 1], [], []>, transpose_lhs_hint = false} : vector<32x4096xf32>, vector<4096x3xf32>, vector<32x3xf32> -> vector<32x3xf32>
    %get3A_888 = arith.constant 0 : index
    %get3A_889 = arith.constant 7 : index
    %get3A_890 = arith.constant 0 : index
    %get3A_891 = vector.load %arg4[%get3A_888, %get3A_889, %get3A_890] : memref<1x8x3xf32, #tpu.memory_space<vmem>>, vector<1x1x3xf32>
    %get3A_892 = vector.shape_cast %get3A_891 : vector<1x1x3xf32> to vector<1x3xf32>
    %sub3A_893 = vector.broadcast %get3A_892 : vector<1x3xf32> to vector<32x3xf32>
    %sub3A_894 = arith.subf %dot_general3A_887, %sub3A_893 : vector<32x3xf32>
    %concatenate3A_895 = tpu.concatenate %sub3A_796, %sub3A_810, %sub3A_824, %sub3A_838, %sub3A_852, %sub3A_866, %sub3A_880, %sub3A_894 in 0 : vector<32x3xf32>, vector<32x3xf32>, vector<32x3xf32>, vector<32x3xf32>, vector<32x3xf32>, vector<32x3xf32>, vector<32x3xf32>, vector<32x3xf32> -> vector<256x3xf32>
    %get3A_896 = arith.constant 0 : index
    %get3A_897 = arith.constant 0 : index
    %get3A_898 = vector.load %arg5[%get3A_896, %get3A_897] : memref<3x64xf32, #tpu.memory_space<vmem>>, vector<3x64xf32>
    %dot_general3A_899 = arith.constant dense<0.000000e+00> : vector<256x64xf32>
    %dot_general3A_900 = tpu.matmul %concatenate3A_895, %get3A_898, %dot_general3A_899 {dimension_numbers = #tpu.dot_dimension_numbers<[1], [0], [0], [1], [0, 0, 1, 1], [], []>, transpose_lhs_hint = false} : vector<256x3xf32>, vector<3x64xf32>, vector<256x64xf32> -> vector<256x64xf32>
    %get3A_901 = arith.constant 0 : index
    %get3A_902 = arith.constant 0 : index
    %get3A_903 = vector.load %arg6[%get3A_901, %get3A_902] : memref<1x64xf32, #tpu.memory_space<vmem>>, vector<1x64xf32>
    %add3A_904 = vector.broadcast %get3A_903 : vector<1x64xf32> to vector<256x64xf32>
    %add3A_905 = arith.addf %dot_general3A_900, %add3A_904 : vector<256x64xf32>
    %max3A = arith.constant 0.000000e+00 : f32
    %max3A_906 = vector.broadcast %max3A : f32 to vector<256x64xf32>
    %max3A_907 = arith.maximumf %add3A_905, %max3A_906 : vector<256x64xf32>
    %get3A_908 = arith.constant 0 : index
    %get3A_909 = arith.constant 0 : index
    %get3A_910 = vector.load %arg7[%get3A_908, %get3A_909] : memref<64x64xf32, #tpu.memory_space<vmem>>, vector<64x64xf32>
    %dot_general3A_911 = arith.constant dense<0.000000e+00> : vector<256x64xf32>
    %dot_general3A_912 = tpu.matmul %max3A_907, %get3A_910, %dot_general3A_911 {dimension_numbers = #tpu.dot_dimension_numbers<[1], [0], [0], [1], [0, 0, 1, 1], [], []>, transpose_lhs_hint = false} : vector<256x64xf32>, vector<64x64xf32>, vector<256x64xf32> -> vector<256x64xf32>
    %get3A_913 = arith.constant 0 : index
    %get3A_914 = arith.constant 0 : index
    %get3A_915 = vector.load %arg8[%get3A_913, %get3A_914] : memref<1x64xf32, #tpu.memory_space<vmem>>, vector<1x64xf32>
    %add3A_916 = vector.broadcast %get3A_915 : vector<1x64xf32> to vector<256x64xf32>
    %add3A_917 = arith.addf %dot_general3A_912, %add3A_916 : vector<256x64xf32>
    %max3A_918 = arith.constant 0.000000e+00 : f32
    %max3A_919 = vector.broadcast %max3A_918 : f32 to vector<256x64xf32>
    %max3A_920 = arith.maximumf %add3A_917, %max3A_919 : vector<256x64xf32>
    %get3A_921 = arith.constant 0 : index
    %get3A_922 = arith.constant 0 : index
    %get3A_923 = vector.load %arg9[%get3A_921, %get3A_922] : memref<64x64xf32, #tpu.memory_space<vmem>>, vector<64x64xf32>
    %dot_general3A_924 = arith.constant dense<0.000000e+00> : vector<256x64xf32>
    %dot_general3A_925 = tpu.matmul %max3A_920, %get3A_923, %dot_general3A_924 {dimension_numbers = #tpu.dot_dimension_numbers<[1], [0], [0], [1], [0, 0, 1, 1], [], []>, transpose_lhs_hint = false} : vector<256x64xf32>, vector<64x64xf32>, vector<256x64xf32> -> vector<256x64xf32>
    %get3A_926 = arith.constant 0 : index
    %get3A_927 = arith.constant 0 : index
    %get3A_928 = vector.load %arg10[%get3A_926, %get3A_927] : memref<1x64xf32, #tpu.memory_space<vmem>>, vector<1x64xf32>
    %add3A_929 = vector.broadcast %get3A_928 : vector<1x64xf32> to vector<256x64xf32>
    %add3A_930 = arith.addf %dot_general3A_925, %add3A_929 : vector<256x64xf32>
    %reshape3A = vector.shape_cast %add3A_930 : vector<256x64xf32> to vector<8x32x64xf32>
    %swap3A_931 = arith.constant 0 : index
    %swap3A_932 = arith.constant 0 : index
    %swap3A_933 = arith.constant 0 : index
    %swap3A_934 = arith.constant 0 : index
    %swap3A_935 = vector.load %arg11[%swap3A_931, %swap3A_932, %swap3A_933, %swap3A_934] : memref<1x8x32x64xf32, #tpu.memory_space<vmem>>, vector<1x8x32x64xf32>
    %swap3A_936 = vector.shape_cast %swap3A_935 : vector<1x8x32x64xf32> to vector<8x32x64xf32>
    %swap3A_937 = vector.shape_cast %reshape3A : vector<8x32x64xf32> to vector<1x8x32x64xf32>
    tpu.vector_store %arg11[%swap3A_931, %swap3A_932, %swap3A_933, %swap3A_934], %swap3A_937 {strides = array<i32>} : memref<1x8x32x64xf32, #tpu.memory_space<vmem>>, vector<1x8x32x64xf32>,
    return
  }
  func.func @transform_0(%arg0: i32, %arg1: i32) -> (i32, i32, i32) {
    %c0_i32 = arith.constant 0 : i32
    %c0_i32_0 = arith.constant 0 : i32
    %c0_i32_1 = arith.constant 0 : i32
    return %arg0, %c0_i32, %c0_i32_0 : i32, i32, i32
  }
  func.func @transform_1(%arg0: i32, %arg1: i32) -> (i32, i32, i32) {
    %c0_i32 = arith.constant 0 : i32
    %c0_i32_0 = arith.constant 0 : i32
    %c0_i32_1 = arith.constant 0 : i32
    return %arg0, %c0_i32, %c0_i32_0 : i32, i32, i32
  }
  func.func @transform_2(%arg0: i32, %arg1: i32) -> (i32, i32, i32) {
    %c0_i32 = arith.constant 0 : i32
    %c0_i32_0 = arith.constant 0 : i32
    return %arg0, %arg1, %c0_i32 : i32, i32, i32
  }
  func.func @transform_3(%arg0: i32, %arg1: i32) -> (i32, i32) {
    %c0_i32 = arith.constant 0 : i32
    %c0_i32_0 = arith.constant 0 : i32
    %c0_i32_1 = arith.constant 0 : i32
    return %c0_i32, %c0_i32_0 : i32, i32
  }
  func.func @transform_4(%arg0: i32, %arg1: i32) -> (i32, i32) {
    %c0_i32 = arith.constant 0 : i32
    %c0_i32_0 = arith.constant 0 : i32
    %c0_i32_1 = arith.constant 0 : i32
    return %c0_i32, %c0_i32_0 : i32, i32
  }
  func.func @transform_5(%arg0: i32, %arg1: i32) -> (i32, i32) {
    %c0_i32 = arith.constant 0 : i32
    %c0_i32_0 = arith.constant 0 : i32
    %c0_i32_1 = arith.constant 0 : i32
    return %c0_i32, %c0_i32_0 : i32, i32
  }
  func.func @transform_6(%arg0: i32, %arg1: i32) -> (i32, i32) {
    %c0_i32 = arith.constant 0 : i32
    %c0_i32_0 = arith.constant 0 : i32
    %c0_i32_1 = arith.constant 0 : i32
    return %c0_i32, %c0_i32_0 : i32, i32
  }
  func.func @transform_7(%arg0: i32, %arg1: i32) -> (i32, i32) {
    %c0_i32 = arith.constant 0 : i32
    %c0_i32_0 = arith.constant 0 : i32
    %c0_i32_1 = arith.constant 0 : i32
    return %c0_i32, %c0_i32_0 : i32, i32
  }
  func.func @transform_8(%arg0: i32, %arg1: i32) -> (i32, i32) {
    %c0_i32 = arith.constant 0 : i32
    %c0_i32_0 = arith.constant 0 : i32
    %c0_i32_1 = arith.constant 0 : i32
    return %c0_i32, %c0_i32_0 : i32, i32
  }
  func.func @transform_9(%arg0: i32, %arg1: i32) -> (i32, i32, i32, i32) {
    %c0_i32 = arith.constant 0 : i32
    %c0_i32_0 = arith.constant 0 : i32
    %c0_i32_1 = arith.constant 0 : i32
    return %arg0, %arg1, %c0_i32, %c0_i32_0 : i32, i32, i32, i32
  }
  func.func @transform_10(%arg0: i32, %arg1: i32) -> (i32, i32, i32) {
    %c0_i32 = arith.constant 0 : i32
    %c0_i32_0 = arith.constant 0 : i32
    return %arg0, %arg1, %c0_i32 : i32, i32, i32
  }
}

module attributes {stable_mosaic.version = 14 : i64} {
  func.func @_fps_body(%arg0: memref<4x3x4096xf32, #tpu.memory_space<vmem>>, %arg1: memref<4x512x3xf32, #tpu.memory_space<vmem>>, %arg2: memref<4x4096xf32, #tpu.memory_space<vmem>>, %arg3: memref<4x1xf32, #tpu.memory_space<vmem>>) attributes {dimension_semantics = [], scalar_prefetch = 0 : i64, scratch_operands = 2 : i64, tpu.core_type = #tpu.core_type<tc>} {
    %get3A = arith.constant 0 : index
    %get3A_0 = arith.constant 0 : index
    %get3A_1 = arith.constant 0 : index
    %get3A_2 = vector.load %arg0[%get3A, %get3A_0, %get3A_1] : memref<4x3x4096xf32, #tpu.memory_space<vmem>>, vector<4x1x4096xf32>
    %get3A_3 = vector.shape_cast %get3A_2 : vector<4x1x4096xf32> to vector<4x4096xf32>
    %get3A_4 = arith.constant 0 : index
    %get3A_5 = arith.constant 1 : index
    %get3A_6 = arith.constant 0 : index
    %get3A_7 = vector.load %arg0[%get3A_4, %get3A_5, %get3A_6] : memref<4x3x4096xf32, #tpu.memory_space<vmem>>, vector<4x1x4096xf32>
    %get3A_8 = vector.shape_cast %get3A_7 : vector<4x1x4096xf32> to vector<4x4096xf32>
    %get3A_9 = arith.constant 0 : index
    %get3A_10 = arith.constant 2 : index
    %get3A_11 = arith.constant 0 : index
    %get3A_12 = vector.load %arg0[%get3A_9, %get3A_10, %get3A_11] : memref<4x3x4096xf32, #tpu.memory_space<vmem>>, vector<4x1x4096xf32>
    %get3A_13 = vector.shape_cast %get3A_12 : vector<4x1x4096xf32> to vector<4x4096xf32>
    %iota3A = tpu.iota {dimensions = array<i32: 1>} : vector<4x4096xi32>
    %convert_element_type3A = arith.sitofp %iota3A : vector<4x4096xi32> to vector<4x4096xf32>
    %broadcast_in_dim3A = arith.constant 1.000000e+10 : f32
    %broadcast_in_dim3A_14 = vector.broadcast %broadcast_in_dim3A : f32 to vector<4x4096xf32>
    %swap3A = arith.constant 0 : index
    %swap3A_15 = arith.constant 0 : index
    %swap3A_16 = vector.load %arg2[%swap3A, %swap3A_15] : memref<4x4096xf32, #tpu.memory_space<vmem>>, vector<4x4096xf32>
    tpu.vector_store %arg2[%swap3A, %swap3A_15], %broadcast_in_dim3A_14 {strides = array<i32>} : memref<4x4096xf32, #tpu.memory_space<vmem>>, vector<4x4096xf32>,
    %broadcast_in_dim3A_17 = arith.constant 0.000000e+00 : f32
    %broadcast_in_dim3A_18 = vector.broadcast %broadcast_in_dim3A_17 : f32 to vector<4x1xf32>
    %swap3A_19 = arith.constant 0 : index
    %swap3A_20 = arith.constant 0 : index
    %swap3A_21 = vector.load %arg3[%swap3A_19, %swap3A_20] : memref<4x1xf32, #tpu.memory_space<vmem>>, vector<4x1xf32>
    tpu.vector_store %arg3[%swap3A_19, %swap3A_20], %broadcast_in_dim3A_18 {strides = array<i32>} : memref<4x1xf32, #tpu.memory_space<vmem>>, vector<4x1xf32>,
    %scan3A = arith.constant 0 : i32
    %scan3A_22 = arith.constant 512 : i32
    %scan3A_23 = arith.addi %scan3A, %scan3A_22 : i32
    %scan3A_24 = arith.constant 1 : i32
    scf.for %scan3A_26 = %scan3A to %scan3A_23 step %scan3A_24  : i32 {
      %get3A_27 = arith.constant 0 : index
      %get3A_28 = arith.constant 0 : index
      %get3A_29 = vector.load %arg3[%get3A_27, %get3A_28] : memref<4x1xf32, #tpu.memory_space<vmem>>, vector<4x1xf32>
      %eq3A = vector.broadcast %get3A_29 : vector<4x1xf32> to vector<4x4096xf32>
      %eq3A_30 = arith.cmpf oeq, %convert_element_type3A, %eq3A : vector<4x4096xf32>
      %convert_element_type3A_31 = arith.extui %eq3A_30 : vector<4x4096xi1> to vector<4x4096xi32>
      %convert_element_type3A_32 = arith.sitofp %convert_element_type3A_31 : vector<4x4096xi32> to vector<4x4096xf32>
      %mul3A = arith.mulf %convert_element_type3A_32, %get3A_3 : vector<4x4096xf32>
      %reduce_sum3A = arith.constant dense<0.000000e+00> : vector<4xf32>
      %reduce_sum3A_33 = vector.multi_reduction <add>, %mul3A, %reduce_sum3A [1] : vector<4x4096xf32> to vector<4xf32>
      %broadcast_in_dim3A_34 = vector.shape_cast %reduce_sum3A_33 : vector<4xf32> to vector<4x1xf32>
      %mul3A_35 = arith.mulf %convert_element_type3A_32, %get3A_8 : vector<4x4096xf32>
      %reduce_sum3A_36 = arith.constant dense<0.000000e+00> : vector<4xf32>
      %reduce_sum3A_37 = vector.multi_reduction <add>, %mul3A_35, %reduce_sum3A_36 [1] : vector<4x4096xf32> to vector<4xf32>
      %broadcast_in_dim3A_38 = vector.shape_cast %reduce_sum3A_37 : vector<4xf32> to vector<4x1xf32>
      %mul3A_39 = arith.mulf %convert_element_type3A_32, %get3A_13 : vector<4x4096xf32>
      %reduce_sum3A_40 = arith.constant dense<0.000000e+00> : vector<4xf32>
      %reduce_sum3A_41 = vector.multi_reduction <add>, %mul3A_39, %reduce_sum3A_40 [1] : vector<4x4096xf32> to vector<4xf32>
      %broadcast_in_dim3A_42 = vector.shape_cast %reduce_sum3A_41 : vector<4xf32> to vector<4x1xf32>
      %concatenate3A = tpu.concatenate %broadcast_in_dim3A_34, %broadcast_in_dim3A_38, %broadcast_in_dim3A_42 in 1 : vector<4x1xf32>, vector<4x1xf32>, vector<4x1xf32> -> vector<4x3xf32>
      %broadcast_in_dim3A_43 = vector.shape_cast %concatenate3A : vector<4x3xf32> to vector<4x1x3xf32>
      %swap3A_44 = arith.constant 0 : index
      %swap3A_45 = arith.index_cast %scan3A_26 : i32 to index
      %swap3A_46 = arith.constant 0 : index
      %swap3A_47 = vector.load %arg1[%swap3A_44, %swap3A_45, %swap3A_46] : memref<4x512x3xf32, #tpu.memory_space<vmem>>, vector<4x1x3xf32>
      tpu.vector_store %arg1[%swap3A_44, %swap3A_45, %swap3A_46], %broadcast_in_dim3A_43 {strides = array<i32>} : memref<4x512x3xf32, #tpu.memory_space<vmem>>, vector<4x1x3xf32>,
      %sub3A = vector.broadcast %broadcast_in_dim3A_34 : vector<4x1xf32> to vector<4x4096xf32>
      %sub3A_48 = arith.subf %get3A_3, %sub3A : vector<4x4096xf32>
      %integer_pow3A = arith.mulf %sub3A_48, %sub3A_48 : vector<4x4096xf32>
      %sub3A_49 = vector.broadcast %broadcast_in_dim3A_38 : vector<4x1xf32> to vector<4x4096xf32>
      %sub3A_50 = arith.subf %get3A_8, %sub3A_49 : vector<4x4096xf32>
      %integer_pow3A_51 = arith.mulf %sub3A_50, %sub3A_50 : vector<4x4096xf32>
      %add3A = arith.addf %integer_pow3A, %integer_pow3A_51 : vector<4x4096xf32>
      %sub3A_52 = vector.broadcast %broadcast_in_dim3A_42 : vector<4x1xf32> to vector<4x4096xf32>
      %sub3A_53 = arith.subf %get3A_13, %sub3A_52 : vector<4x4096xf32>
      %integer_pow3A_54 = arith.mulf %sub3A_53, %sub3A_53 : vector<4x4096xf32>
      %add3A_55 = arith.addf %add3A, %integer_pow3A_54 : vector<4x4096xf32>
      %get3A_56 = arith.constant 0 : index
      %get3A_57 = arith.constant 0 : index
      %get3A_58 = vector.load %arg2[%get3A_56, %get3A_57] : memref<4x4096xf32, #tpu.memory_space<vmem>>, vector<4x4096xf32>
      %min3A = arith.minimumf %get3A_58, %add3A_55 : vector<4x4096xf32>
      %swap3A_59 = arith.constant 0 : index
      %swap3A_60 = arith.constant 0 : index
      %swap3A_61 = vector.load %arg2[%swap3A_59, %swap3A_60] : memref<4x4096xf32, #tpu.memory_space<vmem>>, vector<4x4096xf32>
      tpu.vector_store %arg2[%swap3A_59, %swap3A_60], %min3A {strides = array<i32>} : memref<4x4096xf32, #tpu.memory_space<vmem>>, vector<4x4096xf32>,
      %reduce_max3A = arith.constant dense<0xFF800000> : vector<4xf32>
      %reduce_max3A_62 = vector.multi_reduction <maximumf>, %min3A, %reduce_max3A [1] : vector<4x4096xf32> to vector<4xf32>
      %broadcast_in_dim3A_63 = vector.shape_cast %reduce_max3A_62 : vector<4xf32> to vector<4x1xf32>
      %eq3A_64 = vector.broadcast %broadcast_in_dim3A_63 : vector<4x1xf32> to vector<4x4096xf32>
      %eq3A_65 = arith.cmpf oeq, %min3A, %eq3A_64 : vector<4x4096xf32>
      %jit3A = arith.constant 4.096000e+03 : f32
      %broadcast_in_dim3A_66 = vector.broadcast %jit3A : f32 to vector<4x4096xf32>
      %select_n3A = arith.select %eq3A_65, %convert_element_type3A, %broadcast_in_dim3A_66 : vector<4x4096xi1>, vector<4x4096xf32>
      %reduce_min3A = arith.constant dense<0x7F800000> : vector<4xf32>
      %reduce_min3A_67 = vector.multi_reduction <minimumf>, %select_n3A, %reduce_min3A [1] : vector<4x4096xf32> to vector<4xf32>
      %broadcast_in_dim3A_68 = vector.shape_cast %reduce_min3A_67 : vector<4xf32> to vector<4x1xf32>
      %swap3A_69 = arith.constant 0 : index
      %swap3A_70 = arith.constant 0 : index
      %swap3A_71 = vector.load %arg3[%swap3A_69, %swap3A_70] : memref<4x1xf32, #tpu.memory_space<vmem>>, vector<4x1xf32>
      tpu.vector_store %arg3[%swap3A_69, %swap3A_70], %broadcast_in_dim3A_68 {strides = array<i32>} : memref<4x1xf32, #tpu.memory_space<vmem>>, vector<4x1xf32>,
    }
    %scan3A_25 = arith.constant 512 : i32
    return
  }
}

module attributes {stable_mosaic.version = 14 : i64} {
  func.func @_nf_body(%arg0: i32, %arg1: i32, %arg2: memref<1x128x32x256xf32, #tpu.memory_space<vmem>>, %arg3: memref<1x128x32x64xf32, #tpu.memory_space<vmem>>, %arg4: memref<64x256x128xf32, #tpu.memory_space<vmem>>, %arg5: memref<1x128xf32, #tpu.memory_space<vmem>>, %arg6: memref<1x128x128xf32, #tpu.memory_space<vmem>>, %arg7: memref<64x128x256xf32, #tpu.memory_space<vmem>>, %arg8: memref<128x128xf32, #tpu.memory_space<vmem>>) attributes {dimension_semantics = [#tpu.dimension_semantics<arbitrary>, #tpu.dimension_semantics<arbitrary>], iteration_bounds = array<i64: 4, 4>, scalar_prefetch = 0 : i64, scratch_operands = 2 : i64, tpu.core_type = #tpu.core_type<tc>, window_params = [{transform_indices = @transform_0, window_bounds = array<i64: 1, 128, 32, 256>}, {transform_indices = @transform_1, window_bounds = array<i64: 1, 128, 32, 64>}, {pipeline_mode = #tpu.pipeline_mode<synchronous>, transform_indices = @transform_2, window_bounds = array<i64: 64, 256, 128>}, {pipeline_mode = #tpu.pipeline_mode<synchronous>, transform_indices = @transform_3, window_bounds = array<i64: 1, 128>}, {transform_indices = @transform_4, window_bounds = array<i64: 1, 128, 128>}]} {
    %scan3A = arith.constant 0 : i32
    %scan3A_0 = arith.constant 128 : i32
    %scan3A_1 = arith.addi %scan3A, %scan3A_0 : i32
    %scan3A_2 = arith.constant 1 : i32
    scf.for %scan3A_26 = %scan3A to %scan3A_1 step %scan3A_2  : i32 {
      %get3A_27 = arith.constant 0 : index
      %get3A_28 = arith.index_cast %scan3A_26 : i32 to index
      %get3A_29 = arith.constant 0 : index
      %get3A_30 = arith.constant 0 : index
      %get3A_31 = vector.load %arg3[%get3A_27, %get3A_28, %get3A_29, %get3A_30] : memref<1x128x32x64xf32, #tpu.memory_space<vmem>>, vector<1x1x32x64xf32>
      %get3A_32 = vector.shape_cast %get3A_31 : vector<1x1x32x64xf32> to vector<32x64xf32>
      %get3A_33 = arith.constant 0 : index
      %get3A_34 = arith.index_cast %scan3A_26 : i32 to index
      %get3A_35 = arith.constant 0 : index
      %get3A_36 = arith.constant 0 : index
      %get3A_37 = vector.load %arg2[%get3A_33, %get3A_34, %get3A_35, %get3A_36] : memref<1x128x32x256xf32, #tpu.memory_space<vmem>>, vector<1x1x32x256xf32>
      %get3A_38 = vector.shape_cast %get3A_37 : vector<1x1x32x256xf32> to vector<32x256xf32>
      %dot_general3A = arith.constant dense<0.000000e+00> : vector<64x256xf32>
      %dot_general3A_39 = tpu.matmul %get3A_32, %get3A_38, %dot_general3A {dimension_numbers = #tpu.dot_dimension_numbers<[0], [0], [1], [1], [0, 1, 1, 1], [], []>, transpose_lhs_hint = false} : vector<32x64xf32>, vector<32x256xf32>, vector<64x256xf32> -> vector<64x256xf32>
      %swap3A_40 = arith.constant 0 : index
      %swap3A_41 = arith.index_cast %scan3A_26 : i32 to index
      %swap3A_42 = arith.constant 0 : index
      %swap3A_43 = vector.load %arg7[%swap3A_40, %swap3A_41, %swap3A_42] : memref<64x128x256xf32, #tpu.memory_space<vmem>>, vector<64x1x256xf32>
      %swap3A_44 = vector.shape_cast %swap3A_43 : vector<64x1x256xf32> to vector<64x256xf32>
      %swap3A_45 = vector.shape_cast %dot_general3A_39 : vector<64x256xf32> to vector<64x1x256xf32>
      tpu.vector_store %arg7[%swap3A_40, %swap3A_41, %swap3A_42], %swap3A_45 {strides = array<i32>} : memref<64x128x256xf32, #tpu.memory_space<vmem>>, vector<64x1x256xf32>,
    }
    %scan3A_3 = arith.constant 128 : i32
    %broadcast_in_dim3A = arith.constant 0.000000e+00 : f32
    %broadcast_in_dim3A_4 = vector.broadcast %broadcast_in_dim3A : f32 to vector<128x128xf32>
    %swap3A = arith.constant 0 : index
    %swap3A_5 = arith.constant 0 : index
    %swap3A_6 = vector.load %arg8[%swap3A, %swap3A_5] : memref<128x128xf32, #tpu.memory_space<vmem>>, vector<128x128xf32>
    tpu.vector_store %arg8[%swap3A, %swap3A_5], %broadcast_in_dim3A_4 {strides = array<i32>} : memref<128x128xf32, #tpu.memory_space<vmem>>, vector<128x128xf32>,
    %scan3A_7 = arith.constant 0 : i32
    %scan3A_8 = arith.constant 64 : i32
    %scan3A_9 = arith.addi %scan3A_7, %scan3A_8 : i32
    %scan3A_10 = arith.constant 1 : i32
    scf.for %scan3A_26 = %scan3A_7 to %scan3A_9 step %scan3A_10  : i32 {
      %get3A_27 = arith.constant 0 : index
      %get3A_28 = arith.constant 0 : index
      %get3A_29 = vector.load %arg8[%get3A_27, %get3A_28] : memref<128x128xf32, #tpu.memory_space<vmem>>, vector<128x128xf32>
      %get3A_30 = arith.index_cast %scan3A_26 : i32 to index
      %get3A_31 = arith.constant 0 : index
      %get3A_32 = arith.constant 0 : index
      %get3A_33 = vector.load %arg7[%get3A_30, %get3A_31, %get3A_32] : memref<64x128x256xf32, #tpu.memory_space<vmem>>, vector<1x128x256xf32>
      %get3A_34 = vector.shape_cast %get3A_33 : vector<1x128x256xf32> to vector<128x256xf32>
      %get3A_35 = arith.index_cast %scan3A_26 : i32 to index
      %get3A_36 = arith.constant 0 : index
      %get3A_37 = arith.constant 0 : index
      %get3A_38 = vector.load %arg4[%get3A_35, %get3A_36, %get3A_37] : memref<64x256x128xf32, #tpu.memory_space<vmem>>, vector<1x256x128xf32>
      %get3A_39 = vector.shape_cast %get3A_38 : vector<1x256x128xf32> to vector<256x128xf32>
      %dot_general3A = arith.constant dense<0.000000e+00> : vector<128x128xf32>
      %dot_general3A_40 = tpu.matmul %get3A_34, %get3A_39, %dot_general3A {dimension_numbers = #tpu.dot_dimension_numbers<[1], [0], [0], [1], [0, 0, 1, 1], [], []>, transpose_lhs_hint = false} : vector<128x256xf32>, vector<256x128xf32>, vector<128x128xf32> -> vector<128x128xf32>
      %add3A_41 = arith.addf %get3A_29, %dot_general3A_40 : vector<128x128xf32>
      %swap3A_42 = arith.constant 0 : index
      %swap3A_43 = arith.constant 0 : index
      %swap3A_44 = vector.load %arg8[%swap3A_42, %swap3A_43] : memref<128x128xf32, #tpu.memory_space<vmem>>, vector<128x128xf32>
      tpu.vector_store %arg8[%swap3A_42, %swap3A_43], %add3A_41 {strides = array<i32>} : memref<128x128xf32, #tpu.memory_space<vmem>>, vector<128x128xf32>,
    }
    %scan3A_11 = arith.constant 64 : i32
    %get3A = arith.constant 0 : index
    %get3A_12 = arith.constant 0 : index
    %get3A_13 = vector.load %arg8[%get3A, %get3A_12] : memref<128x128xf32, #tpu.memory_space<vmem>>, vector<128x128xf32>
    %get3A_14 = arith.constant 0 : index
    %get3A_15 = arith.constant 0 : index
    %get3A_16 = vector.load %arg5[%get3A_14, %get3A_15] : memref<1x128xf32, #tpu.memory_space<vmem>>, vector<1x128xf32>
    %add3A = vector.broadcast %get3A_16 : vector<1x128xf32> to vector<128x128xf32>
    %add3A_17 = arith.addf %get3A_13, %add3A : vector<128x128xf32>
    %max3A = arith.constant 0.000000e+00 : f32
    %max3A_18 = vector.broadcast %max3A : f32 to vector<128x128xf32>
    %max3A_19 = arith.maximumf %add3A_17, %max3A_18 : vector<128x128xf32>
    %swap3A_20 = arith.constant 0 : index
    %swap3A_21 = arith.constant 0 : index
    %swap3A_22 = arith.constant 0 : index
    %swap3A_23 = vector.load %arg6[%swap3A_20, %swap3A_21, %swap3A_22] : memref<1x128x128xf32, #tpu.memory_space<vmem>>, vector<1x128x128xf32>
    %swap3A_24 = vector.shape_cast %swap3A_23 : vector<1x128x128xf32> to vector<128x128xf32>
    %swap3A_25 = vector.shape_cast %max3A_19 : vector<128x128xf32> to vector<1x128x128xf32>
    tpu.vector_store %arg6[%swap3A_20, %swap3A_21, %swap3A_22], %swap3A_25 {strides = array<i32>} : memref<1x128x128xf32, #tpu.memory_space<vmem>>, vector<1x128x128xf32>,
    return
  }
  func.func @transform_0(%arg0: i32, %arg1: i32) -> (i32, i32, i32, i32) {
    %c0_i32 = arith.constant 0 : i32
    %c0_i32_0 = arith.constant 0 : i32
    %c0_i32_1 = arith.constant 0 : i32
    return %arg0, %arg1, %c0_i32, %c0_i32_0 : i32, i32, i32, i32
  }
  func.func @transform_1(%arg0: i32, %arg1: i32) -> (i32, i32, i32, i32) {
    %c0_i32 = arith.constant 0 : i32
    %c0_i32_0 = arith.constant 0 : i32
    %c0_i32_1 = arith.constant 0 : i32
    return %arg0, %arg1, %c0_i32, %c0_i32_0 : i32, i32, i32, i32
  }
  func.func @transform_2(%arg0: i32, %arg1: i32) -> (i32, i32, i32) {
    %c0_i32 = arith.constant 0 : i32
    %c0_i32_0 = arith.constant 0 : i32
    %c0_i32_1 = arith.constant 0 : i32
    %c0_i32_2 = arith.constant 0 : i32
    return %c0_i32, %c0_i32_0, %c0_i32_1 : i32, i32, i32
  }
  func.func @transform_3(%arg0: i32, %arg1: i32) -> (i32, i32) {
    %c0_i32 = arith.constant 0 : i32
    %c0_i32_0 = arith.constant 0 : i32
    %c0_i32_1 = arith.constant 0 : i32
    return %c0_i32, %c0_i32_0 : i32, i32
  }
  func.func @transform_4(%arg0: i32, %arg1: i32) -> (i32, i32, i32) {
    %c0_i32 = arith.constant 0 : i32
    %c0_i32_0 = arith.constant 0 : i32
    return %arg0, %arg1, %c0_i32 : i32, i32, i32
  }
}

module attributes {stable_mosaic.version = 14 : i64} {
  func.func @_interp_body(%arg0: i32, %arg1: i32, %arg2: memref<1x256x3xf32, #tpu.memory_space<vmem>>, %arg3: memref<1x3x512xf32, #tpu.memory_space<vmem>>, %arg4: memref<1x512x128xf32, #tpu.memory_space<vmem>>, %arg5: memref<1x256x256xf32, #tpu.memory_space<vmem>>, %arg6: memref<128x128xf32, #tpu.memory_space<vmem>>, %arg7: memref<256x128xf32, #tpu.memory_space<vmem>>, %arg8: memref<1x128xf32, #tpu.memory_space<vmem>>, %arg9: memref<1x256x128xf32, #tpu.memory_space<vmem>>) attributes {dimension_semantics = [#tpu.dimension_semantics<arbitrary>, #tpu.dimension_semantics<arbitrary>], iteration_bounds = array<i64: 4, 16>, scalar_prefetch = 0 : i64, scratch_operands = 0 : i64, tpu.core_type = #tpu.core_type<tc>, window_params = [{transform_indices = @transform_0, window_bounds = array<i64: 1, 256, 3>}, {transform_indices = @transform_1, window_bounds = array<i64: 1, 3, 512>}, {transform_indices = @transform_2, window_bounds = array<i64: 1, 512, 128>}, {transform_indices = @transform_3, window_bounds = array<i64: 1, 256, 256>}, {pipeline_mode = #tpu.pipeline_mode<synchronous>, transform_indices = @transform_4, window_bounds = array<i64: 128, 128>}, {pipeline_mode = #tpu.pipeline_mode<synchronous>, transform_indices = @transform_5, window_bounds = array<i64: 256, 128>}, {pipeline_mode = #tpu.pipeline_mode<synchronous>, transform_indices = @transform_6, window_bounds = array<i64: 1, 128>}, {transform_indices = @transform_7, window_bounds = array<i64: 1, 256, 128>}]} {
    %iota3A = tpu.iota {dimensions = array<i32: 1>} : vector<256x512xi32>
    %convert_element_type3A = arith.sitofp %iota3A : vector<256x512xi32> to vector<256x512xf32>
    %broadcast_in_dim3A = arith.constant 0.000000e+00 : f32
    %broadcast_in_dim3A_0 = vector.broadcast %broadcast_in_dim3A : f32 to vector<256x512xf32>
    %get3A = arith.constant 0 : index
    %get3A_1 = arith.constant 0 : index
    %get3A_2 = arith.constant 0 : index
    %get3A_3 = vector.load %arg2[%get3A, %get3A_1, %get3A_2] : memref<1x256x3xf32, #tpu.memory_space<vmem>>, vector<1x256x1xf32>
    %get3A_4 = vector.shape_cast %get3A_3 : vector<1x256x1xf32> to vector<256x1xf32>
    %get3A_5 = arith.constant 0 : index
    %get3A_6 = arith.constant 0 : index
    %get3A_7 = arith.constant 0 : index
    %get3A_8 = vector.load %arg3[%get3A_5, %get3A_6, %get3A_7] : memref<1x3x512xf32, #tpu.memory_space<vmem>>, vector<1x1x512xf32>
    %get3A_9 = vector.shape_cast %get3A_8 : vector<1x1x512xf32> to vector<1x512xf32>
    %sub3A = vector.broadcast %get3A_4 : vector<256x1xf32> to vector<256x512xf32>
    %sub3A_10 = vector.broadcast %get3A_9 : vector<1x512xf32> to vector<256x512xf32>
    %sub3A_11 = arith.subf %sub3A, %sub3A_10 : vector<256x512xf32>
    %integer_pow3A = arith.mulf %sub3A_11, %sub3A_11 : vector<256x512xf32>
    %add3A = arith.addf %broadcast_in_dim3A_0, %integer_pow3A : vector<256x512xf32>
    %get3A_12 = arith.constant 0 : index
    %get3A_13 = arith.constant 0 : index
    %get3A_14 = arith.constant 1 : index
    %get3A_15 = vector.load %arg2[%get3A_12, %get3A_13, %get3A_14] : memref<1x256x3xf32, #tpu.memory_space<vmem>>, vector<1x256x1xf32>
    %get3A_16 = vector.shape_cast %get3A_15 : vector<1x256x1xf32> to vector<256x1xf32>
    %get3A_17 = arith.constant 0 : index
    %get3A_18 = arith.constant 1 : index
    %get3A_19 = arith.constant 0 : index
    %get3A_20 = vector.load %arg3[%get3A_17, %get3A_18, %get3A_19] : memref<1x3x512xf32, #tpu.memory_space<vmem>>, vector<1x1x512xf32>
    %get3A_21 = vector.shape_cast %get3A_20 : vector<1x1x512xf32> to vector<1x512xf32>
    %sub3A_22 = vector.broadcast %get3A_16 : vector<256x1xf32> to vector<256x512xf32>
    %sub3A_23 = vector.broadcast %get3A_21 : vector<1x512xf32> to vector<256x512xf32>
    %sub3A_24 = arith.subf %sub3A_22, %sub3A_23 : vector<256x512xf32>
    %integer_pow3A_25 = arith.mulf %sub3A_24, %sub3A_24 : vector<256x512xf32>
    %add3A_26 = arith.addf %add3A, %integer_pow3A_25 : vector<256x512xf32>
    %get3A_27 = arith.constant 0 : index
    %get3A_28 = arith.constant 0 : index
    %get3A_29 = arith.constant 2 : index
    %get3A_30 = vector.load %arg2[%get3A_27, %get3A_28, %get3A_29] : memref<1x256x3xf32, #tpu.memory_space<vmem>>, vector<1x256x1xf32>
    %get3A_31 = vector.shape_cast %get3A_30 : vector<1x256x1xf32> to vector<256x1xf32>
    %get3A_32 = arith.constant 0 : index
    %get3A_33 = arith.constant 2 : index
    %get3A_34 = arith.constant 0 : index
    %get3A_35 = vector.load %arg3[%get3A_32, %get3A_33, %get3A_34] : memref<1x3x512xf32, #tpu.memory_space<vmem>>, vector<1x1x512xf32>
    %get3A_36 = vector.shape_cast %get3A_35 : vector<1x1x512xf32> to vector<1x512xf32>
    %sub3A_37 = vector.broadcast %get3A_31 : vector<256x1xf32> to vector<256x512xf32>
    %sub3A_38 = vector.broadcast %get3A_36 : vector<1x512xf32> to vector<256x512xf32>
    %sub3A_39 = arith.subf %sub3A_37, %sub3A_38 : vector<256x512xf32>
    %integer_pow3A_40 = arith.mulf %sub3A_39, %sub3A_39 : vector<256x512xf32>
    %add3A_41 = arith.addf %add3A_26, %integer_pow3A_40 : vector<256x512xf32>
    %broadcast_in_dim3A_42 = arith.constant 0.000000e+00 : f32
    %broadcast_in_dim3A_43 = vector.broadcast %broadcast_in_dim3A_42 : f32 to vector<256x512xf32>
    %reduce_min3A = arith.constant dense<0x7F800000> : vector<256xf32>
    %reduce_min3A_44 = vector.multi_reduction <minimumf>, %add3A_41, %reduce_min3A [1] : vector<256x512xf32> to vector<256xf32>
    %broadcast_in_dim3A_45 = vector.shape_cast %reduce_min3A_44 : vector<256xf32> to vector<256x1xf32>
    %eq3A = vector.broadcast %broadcast_in_dim3A_45 : vector<256x1xf32> to vector<256x512xf32>
    %eq3A_46 = arith.cmpf oeq, %add3A_41, %eq3A : vector<256x512xf32>
    %jit3A = arith.constant 5.120000e+02 : f32
    %broadcast_in_dim3A_47 = vector.broadcast %jit3A : f32 to vector<256x512xf32>
    %select_n3A = arith.select %eq3A_46, %convert_element_type3A, %broadcast_in_dim3A_47 : vector<256x512xi1>, vector<256x512xf32>
    %reduce_min3A_48 = arith.constant dense<0x7F800000> : vector<256xf32>
    %reduce_min3A_49 = vector.multi_reduction <minimumf>, %select_n3A, %reduce_min3A_48 [1] : vector<256x512xf32> to vector<256xf32>
    %broadcast_in_dim3A_50 = vector.shape_cast %reduce_min3A_49 : vector<256xf32> to vector<256x1xf32>
    %eq3A_51 = vector.broadcast %broadcast_in_dim3A_50 : vector<256x1xf32> to vector<256x512xf32>
    %eq3A_52 = arith.cmpf oeq, %convert_element_type3A, %eq3A_51 : vector<256x512xf32>
    %add3A_53 = arith.constant 9.99999993E-9 : f32
    %add3A_54 = vector.broadcast %add3A_53 : f32 to vector<256x1xf32>
    %add3A_55 = arith.addf %broadcast_in_dim3A_45, %add3A_54 : vector<256x1xf32>
    %div3A = arith.constant 1.000000e+00 : f32
    %div3A_56 = vector.broadcast %div3A : f32 to vector<256x1xf32>
    %div3A_57 = arith.divf %div3A_56, %add3A_55 : vector<256x1xf32>
    %jit3A_58 = arith.constant 0x7F800000 : f32
    %broadcast_in_dim3A_59 = vector.broadcast %jit3A_58 : f32 to vector<256x512xf32>
    %select_n3A_60 = arith.select %eq3A_52, %broadcast_in_dim3A_59, %add3A_41 : vector<256x512xi1>, vector<256x512xf32>
    %reduce_min3A_61 = arith.constant dense<0x7F800000> : vector<256xf32>
    %reduce_min3A_62 = vector.multi_reduction <minimumf>, %select_n3A_60, %reduce_min3A_61 [1] : vector<256x512xf32> to vector<256xf32>
    %broadcast_in_dim3A_63 = vector.shape_cast %reduce_min3A_62 : vector<256xf32> to vector<256x1xf32>
    %eq3A_64 = vector.broadcast %broadcast_in_dim3A_63 : vector<256x1xf32> to vector<256x512xf32>
    %eq3A_65 = arith.cmpf oeq, %select_n3A_60, %eq3A_64 : vector<256x512xf32>
    %jit3A_66 = arith.constant 5.120000e+02 : f32
    %broadcast_in_dim3A_67 = vector.broadcast %jit3A_66 : f32 to vector<256x512xf32>
    %select_n3A_68 = arith.select %eq3A_65, %convert_element_type3A, %broadcast_in_dim3A_67 : vector<256x512xi1>, vector<256x512xf32>
    %reduce_min3A_69 = arith.constant dense<0x7F800000> : vector<256xf32>
    %reduce_min3A_70 = vector.multi_reduction <minimumf>, %select_n3A_68, %reduce_min3A_69 [1] : vector<256x512xf32> to vector<256xf32>
    %broadcast_in_dim3A_71 = vector.shape_cast %reduce_min3A_70 : vector<256xf32> to vector<256x1xf32>
    %eq3A_72 = vector.broadcast %broadcast_in_dim3A_71 : vector<256x1xf32> to vector<256x512xf32>
    %eq3A_73 = arith.cmpf oeq, %convert_element_type3A, %eq3A_72 : vector<256x512xf32>
    %add3A_74 = arith.constant 9.99999993E-9 : f32
    %add3A_75 = vector.broadcast %add3A_74 : f32 to vector<256x1xf32>
    %add3A_76 = arith.addf %broadcast_in_dim3A_63, %add3A_75 : vector<256x1xf32>
    %div3A_77 = arith.constant 1.000000e+00 : f32
    %div3A_78 = vector.broadcast %div3A_77 : f32 to vector<256x1xf32>
    %div3A_79 = arith.divf %div3A_78, %add3A_76 : vector<256x1xf32>
    %jit3A_80 = arith.constant 0x7F800000 : f32
    %broadcast_in_dim3A_81 = vector.broadcast %jit3A_80 : f32 to vector<256x512xf32>
    %select_n3A_82 = arith.select %eq3A_73, %broadcast_in_dim3A_81, %select_n3A_60 : vector<256x512xi1>, vector<256x512xf32>
    %reduce_min3A_83 = arith.constant dense<0x7F800000> : vector<256xf32>
    %reduce_min3A_84 = vector.multi_reduction <minimumf>, %select_n3A_82, %reduce_min3A_83 [1] : vector<256x512xf32> to vector<256xf32>
    %broadcast_in_dim3A_85 = vector.shape_cast %reduce_min3A_84 : vector<256xf32> to vector<256x1xf32>
    %eq3A_86 = vector.broadcast %broadcast_in_dim3A_85 : vector<256x1xf32> to vector<256x512xf32>
    %eq3A_87 = arith.cmpf oeq, %select_n3A_82, %eq3A_86 : vector<256x512xf32>
    %jit3A_88 = arith.constant 5.120000e+02 : f32
    %broadcast_in_dim3A_89 = vector.broadcast %jit3A_88 : f32 to vector<256x512xf32>
    %select_n3A_90 = arith.select %eq3A_87, %convert_element_type3A, %broadcast_in_dim3A_89 : vector<256x512xi1>, vector<256x512xf32>
    %reduce_min3A_91 = arith.constant dense<0x7F800000> : vector<256xf32>
    %reduce_min3A_92 = vector.multi_reduction <minimumf>, %select_n3A_90, %reduce_min3A_91 [1] : vector<256x512xf32> to vector<256xf32>
    %broadcast_in_dim3A_93 = vector.shape_cast %reduce_min3A_92 : vector<256xf32> to vector<256x1xf32>
    %eq3A_94 = vector.broadcast %broadcast_in_dim3A_93 : vector<256x1xf32> to vector<256x512xf32>
    %eq3A_95 = arith.cmpf oeq, %convert_element_type3A, %eq3A_94 : vector<256x512xf32>
    %add3A_96 = arith.constant 9.99999993E-9 : f32
    %add3A_97 = vector.broadcast %add3A_96 : f32 to vector<256x1xf32>
    %add3A_98 = arith.addf %broadcast_in_dim3A_85, %add3A_97 : vector<256x1xf32>
    %div3A_99 = arith.constant 1.000000e+00 : f32
    %div3A_100 = vector.broadcast %div3A_99 : f32 to vector<256x1xf32>
    %div3A_101 = arith.divf %div3A_100, %add3A_98 : vector<256x1xf32>
    %add3A_102 = arith.addf %div3A_57, %div3A_79 : vector<256x1xf32>
    %add3A_103 = arith.addf %add3A_102, %div3A_101 : vector<256x1xf32>
    %div3A_104 = arith.divf %div3A_57, %add3A_103 : vector<256x1xf32>
    %convert_element_type3A_105 = arith.extui %eq3A_52 : vector<256x512xi1> to vector<256x512xi32>
    %convert_element_type3A_106 = arith.sitofp %convert_element_type3A_105 : vector<256x512xi32> to vector<256x512xf32>
    %mul3A = vector.broadcast %div3A_104 : vector<256x1xf32> to vector<256x512xf32>
    %mul3A_107 = arith.mulf %mul3A, %convert_element_type3A_106 : vector<256x512xf32>
    %add3A_108 = arith.addf %broadcast_in_dim3A_43, %mul3A_107 : vector<256x512xf32>
    %div3A_109 = arith.divf %div3A_79, %add3A_103 : vector<256x1xf32>
    %convert_element_type3A_110 = arith.extui %eq3A_73 : vector<256x512xi1> to vector<256x512xi32>
    %convert_element_type3A_111 = arith.sitofp %convert_element_type3A_110 : vector<256x512xi32> to vector<256x512xf32>
    %mul3A_112 = vector.broadcast %div3A_109 : vector<256x1xf32> to vector<256x512xf32>
    %mul3A_113 = arith.mulf %mul3A_112, %convert_element_type3A_111 : vector<256x512xf32>
    %add3A_114 = arith.addf %add3A_108, %mul3A_113 : vector<256x512xf32>
    %div3A_115 = arith.divf %div3A_101, %add3A_103 : vector<256x1xf32>
    %convert_element_type3A_116 = arith.extui %eq3A_95 : vector<256x512xi1> to vector<256x512xi32>
    %convert_element_type3A_117 = arith.sitofp %convert_element_type3A_116 : vector<256x512xi32> to vector<256x512xf32>
    %mul3A_118 = vector.broadcast %div3A_115 : vector<256x1xf32> to vector<256x512xf32>
    %mul3A_119 = arith.mulf %mul3A_118, %convert_element_type3A_117 : vector<256x512xf32>
    %add3A_120 = arith.addf %add3A_114, %mul3A_119 : vector<256x512xf32>
    %get3A_121 = arith.constant 0 : index
    %get3A_122 = arith.constant 0 : index
    %get3A_123 = arith.constant 0 : index
    %get3A_124 = vector.load %arg4[%get3A_121, %get3A_122, %get3A_123] : memref<1x512x128xf32, #tpu.memory_space<vmem>>, vector<1x512x128xf32>
    %get3A_125 = vector.shape_cast %get3A_124 : vector<1x512x128xf32> to vector<512x128xf32>
    %dot_general3A = arith.constant dense<0.000000e+00> : vector<256x128xf32>
    %dot_general3A_126 = tpu.matmul %add3A_120, %get3A_125, %dot_general3A {dimension_numbers = #tpu.dot_dimension_numbers<[1], [0], [0], [1], [0, 0, 1, 1], [], []>, transpose_lhs_hint = false} : vector<256x512xf32>, vector<512x128xf32>, vector<256x128xf32> -> vector<256x128xf32>
    %get3A_127 = arith.constant 0 : index
    %get3A_128 = arith.constant 0 : index
    %get3A_129 = vector.load %arg6[%get3A_127, %get3A_128] : memref<128x128xf32, #tpu.memory_space<vmem>>, vector<128x128xf32>
    %dot_general3A_130 = arith.constant dense<0.000000e+00> : vector<256x128xf32>
    %dot_general3A_131 = tpu.matmul %dot_general3A_126, %get3A_129, %dot_general3A_130 {dimension_numbers = #tpu.dot_dimension_numbers<[1], [0], [0], [1], [0, 0, 1, 1], [], []>, transpose_lhs_hint = false} : vector<256x128xf32>, vector<128x128xf32>, vector<256x128xf32> -> vector<256x128xf32>
    %get3A_132 = arith.constant 0 : index
    %get3A_133 = arith.constant 0 : index
    %get3A_134 = arith.constant 0 : index
    %get3A_135 = vector.load %arg5[%get3A_132, %get3A_133, %get3A_134] : memref<1x256x256xf32, #tpu.memory_space<vmem>>, vector<1x256x256xf32>
    %get3A_136 = vector.shape_cast %get3A_135 : vector<1x256x256xf32> to vector<256x256xf32>
    %get3A_137 = arith.constant 0 : index
    %get3A_138 = arith.constant 0 : index
    %get3A_139 = vector.load %arg7[%get3A_137, %get3A_138] : memref<256x128xf32, #tpu.memory_space<vmem>>, vector<256x128xf32>
    %dot_general3A_140 = arith.constant dense<0.000000e+00> : vector<256x128xf32>
    %dot_general3A_141 = tpu.matmul %get3A_136, %get3A_139, %dot_general3A_140 {dimension_numbers = #tpu.dot_dimension_numbers<[1], [0], [0], [1], [0, 0, 1, 1], [], []>, transpose_lhs_hint = false} : vector<256x256xf32>, vector<256x128xf32>, vector<256x128xf32> -> vector<256x128xf32>
    %add3A_142 = arith.addf %dot_general3A_131, %dot_general3A_141 : vector<256x128xf32>
    %get3A_143 = arith.constant 0 : index
    %get3A_144 = arith.constant 0 : index
    %get3A_145 = vector.load %arg8[%get3A_143, %get3A_144] : memref<1x128xf32, #tpu.memory_space<vmem>>, vector<1x128xf32>
    %add3A_146 = vector.broadcast %get3A_145 : vector<1x128xf32> to vector<256x128xf32>
    %add3A_147 = arith.addf %add3A_142, %add3A_146 : vector<256x128xf32>
    %max3A = arith.constant 0.000000e+00 : f32
    %max3A_148 = vector.broadcast %max3A : f32 to vector<256x128xf32>
    %max3A_149 = arith.maximumf %add3A_147, %max3A_148 : vector<256x128xf32>
    %swap3A = arith.constant 0 : index
    %swap3A_150 = arith.constant 0 : index
    %swap3A_151 = arith.constant 0 : index
    %swap3A_152 = vector.load %arg9[%swap3A, %swap3A_150, %swap3A_151] : memref<1x256x128xf32, #tpu.memory_space<vmem>>, vector<1x256x128xf32>
    %swap3A_153 = vector.shape_cast %swap3A_152 : vector<1x256x128xf32> to vector<256x128xf32>
    %swap3A_154 = vector.shape_cast %max3A_149 : vector<256x128xf32> to vector<1x256x128xf32>
    tpu.vector_store %arg9[%swap3A, %swap3A_150, %swap3A_151], %swap3A_154 {strides = array<i32>} : memref<1x256x128xf32, #tpu.memory_space<vmem>>, vector<1x256x128xf32>,
    return
  }
  func.func @transform_0(%arg0: i32, %arg1: i32) -> (i32, i32, i32) {
    %c0_i32 = arith.constant 0 : i32
    %c0_i32_0 = arith.constant 0 : i32
    return %arg0, %arg1, %c0_i32 : i32, i32, i32
  }
  func.func @transform_1(%arg0: i32, %arg1: i32) -> (i32, i32, i32) {
    %c0_i32 = arith.constant 0 : i32
    %c0_i32_0 = arith.constant 0 : i32
    %c0_i32_1 = arith.constant 0 : i32
    return %arg0, %c0_i32, %c0_i32_0 : i32, i32, i32
  }
  func.func @transform_2(%arg0: i32, %arg1: i32) -> (i32, i32, i32) {
    %c0_i32 = arith.constant 0 : i32
    %c0_i32_0 = arith.constant 0 : i32
    %c0_i32_1 = arith.constant 0 : i32
    return %arg0, %c0_i32, %c0_i32_0 : i32, i32, i32
  }
  func.func @transform_3(%arg0: i32, %arg1: i32) -> (i32, i32, i32) {
    %c0_i32 = arith.constant 0 : i32
    %c0_i32_0 = arith.constant 0 : i32
    return %arg0, %arg1, %c0_i32 : i32, i32, i32
  }
  func.func @transform_4(%arg0: i32, %arg1: i32) -> (i32, i32) {
    %c0_i32 = arith.constant 0 : i32
    %c0_i32_0 = arith.constant 0 : i32
    %c0_i32_1 = arith.constant 0 : i32
    return %c0_i32, %c0_i32_0 : i32, i32
  }
  func.func @transform_5(%arg0: i32, %arg1: i32) -> (i32, i32) {
    %c0_i32 = arith.constant 0 : i32
    %c0_i32_0 = arith.constant 0 : i32
    %c0_i32_1 = arith.constant 0 : i32
    return %c0_i32, %c0_i32_0 : i32, i32
  }
  func.func @transform_6(%arg0: i32, %arg1: i32) -> (i32, i32) {
    %c0_i32 = arith.constant 0 : i32
    %c0_i32_0 = arith.constant 0 : i32
    %c0_i32_1 = arith.constant 0 : i32
    return %c0_i32, %c0_i32_0 : i32, i32
  }
  func.func @transform_7(%arg0: i32, %arg1: i32) -> (i32, i32, i32) {
    %c0_i32 = arith.constant 0 : i32
    %c0_i32_0 = arith.constant 0 : i32
    return %arg0, %arg1, %c0_i32 : i32, i32, i32
  }
}

</mosaic_0001>

<sc_bundles>
// kernel: kernel.7.cloned.1.call-start
scs
__scs_entry_jumppad:
0x0: {  	(pc) =	sbr.rel $0x88, $3  }
0x1: {  	(tag) =	ssettag $0x0;
	lr =	simm.s32 $0x1  }
0x2: {  	[smem:$0x3F95] =	sst lr;
	_ =	strace $0xD0000000  }
0x3: {  	_ = 	snop  }
0x4: {  	_ = 	snop  }
0x5: {  	_ = 	snop  }
0x6: {  	_ = 	snop  }
0x7: {  	_ = 	snop  }
__scs_overlays_trampoline_lowered:
0x8: {  	[smem:$0x3FA4] =	sst s0  }
0x9: {  	[smem:$0x3FA5] =	sst s1  }
0xa: {  	[smem:$0x3FA6] =	sst s2  }
0xb: {  	[smem:$0x3FA7] =	sst s3  }
0xc: {  	[smem:$0x3FA8] =	sst s4  }
0xd: {  	[smem:$0x3FA9] =	sst s5  }
0xe: {  	[smem:$0x3FAA] =	sst s6  }
0xf: {  	[smem:$0x3FAB] =	sst s7  }
0x10: {  	[smem:$0x3FAC] =	sst s8  }
0x11: {  	[smem:$0x3FAD] =	sst s9;
	s0 =	simm.s32 @!p0 $0x0  }
0x12: {  	s1 =	sld [smem:$0x3F93];
	s0 =	simm.s32 @p0 $0x1  }
0x13: {  	[smem:$0x3FAE] =	sst s0;
	s0 =	simm.s32 @!p1 $0x0  }
0x14: {  	s2 =	sld [smem:$0x3F92];
	s0 =	simm.s32 @p1 $0x1  }
0x15: {  	[smem:$0x3FAF] =	sst s0;
	s0 =	simm.s32 @!p2 $0x0  }
0x16: {  	s3 =	sld [smem:$0x3FDB];
	s0 =	simm.s32 @p2 $0x1  }
0x17: {  	s4 =	simm.s32 $0x1BF5;
	[smem:$0x3FB1] =	sst s0  }
0x18: {  	s0 =	sld [smem:$0x3F94];
	_ =	swait.ge [sflag:s4], $0x0  }
0x19: {  	s7 =	sld [smem:$0x3F95]  }
0x1a: {  	s8 =	sadd.s32 $0xFFFFE003, lr  }
0x1b: {  	s9 =	sadd.s32 $0xFFFFFEF7, lr;
	s5 =	simm.s32 $0xFFFFFFFF;
	p2 =	slt.u32 s8, $0xFFFFF086  }
0x1c: {  	p1 =	slt.u32 s9, $0xF7A;
	s5 =	simm.s32 @!p2 $0x0  }
0x1d: {  	s5 =	simm.s32 @p1 $0x1;
	p0 =	seq.s32 s7, s2  }
0x1e: {  	s7 =	smul.u32 @!p0 $0xF7A, s2;
	p2 =	seq.s32 @!p0 s5, $0x0  }
0x1f: {  	s9 =	smul.u32 $0xF7A, s1;
	s8 =	simm.s32 @!p0 $0x1BF5;
	p2 =	por !p2, p0  }
0x20: {  	[sflag:s8] =	ssyncset.s32 @!p0 $0xFFFFF086;
	s6 =	sadd.s32 @!p0 s3, s7;
	s7 =	simm.s32 @!p0 $0x108  }
0x21: {  	s3 =	sadd.s32 s3, s9;
	s6 =	sadd.s32 @!p0 $0x88, s6;
	s7 =	simm.s32 @p2 $0x1082  }
0x22: {  	[simem:s7], [sflag:s8] =	dma.local @!p0 [hbm:s6], $0xF7A  }
0x23: {  	s9 =	sor.u32 $0xD0000000, s2;
	s6 =	simm.s32 $0x108;
	_ =	swait.ge @!p0 [sflag:s8], $0x0  }
0x24: {  	s3 =	sadd.s32 $0x88, s3;
	s6 =	simm.s32 @!p1 $0x1082;
	[sflag:s4] =	ssyncset.s32 $0xFFFFF086  }
0x25: {  	[simem:s6], [sflag:s4] =	dma.local [hbm:s3], $0xF7A  }
0x26: {  	[smem:$0x3F95] =	sst s1;
	(tag) =	ssettag s2;
	_ =	strace s9  }
0x27: {  	s1 =	sld [smem:$0x3FA5]  }
0x28: {  	s2 =	sld [smem:$0x3FA6]  }
0x29: {  	s4 =	sld [smem:$0x3FA8]  }
0x2a: {  	p0 =	seq.s32 s5, $0x0;
	s5 =	sld [smem:$0x3FA9]  }
0x2b: {  	s6 =	sld [smem:$0x3FAA]  }
0x2c: {  	s7 =	sld [smem:$0x3FAB]  }
0x2d: {  	s3 =	simm.s32 $0x108;
	s8 =	sld [smem:$0x3FAC]  }
0x2e: {  	s3 =	simm.s32 @!p0 $0x1082;
	s9 =	sld [smem:$0x3FAD]  }
0x2f: {  	lr =	sadd.s32 s0, s3;
	s0 =	sld [smem:$0x3FA4]  }
0x30: {  	s3 =	sld [smem:$0x3FA7]  }
0x31: {  	[smem:$0x3FB0] =	sst s10  }
0x32: {  	s10 =	sld [smem:$0x3FAE];
	_ =	sdelay $0x3  }
0x33: {  	p0 =	seq.s32 s10, $0x1;
	s10 =	sld [smem:$0x3FB0];
	_ =	sdelay $0x3  }
0x34: {  	[smem:$0x3FB0] =	sst s10  }
0x35: {  	s10 =	sld [smem:$0x3FAF];
	_ =	sdelay $0x3  }
0x36: {  	p1 =	seq.s32 s10, $0x1;
	s10 =	sld [smem:$0x3FB0];
	_ =	sdelay $0x3  }
0x37: {  	[smem:$0x3FB0] =	sst s10  }
0x38: {  	s10 =	sld [smem:$0x3FB1]  }
0x39: {  	_ = 	snop;
	(pc) =	sbr.ind lr, $3  }
0x3a: {  	_ = 	snop  }
0x3b: {  	_ = 	snop  }
0x3c: {  	p2 =	seq.s32 s10, $0x1;
	s10 =	sld [smem:$0x3FB0]  }
0x3d: {  	_ =	shalt  }
0x3e: {  	_ =	shalt  }
0x3f: {  	_ =	shalt  }
0x40: {  	_ =	shalt  }
0x41: {  	_ =	shalt  }
0x42: {  	_ =	shalt  }
0x43: {  	_ =	shalt  }
0x44: {  	_ =	shalt  }
0x45: {  	_ =	shalt  }
0x46: {  	_ =	shalt  }
0x47: {  	_ =	shalt  }
0x48: {  	_ =	shalt  }
0x49: {  	_ =	shalt  }
0x4a: {  	_ =	shalt  }
0x4b: {  	_ =	shalt  }
0x4c: {  	_ =	shalt  }
0x4d: {  	_ =	shalt  }
0x4e: {  	_ =	shalt  }
0x4f: {  	_ =	shalt  }
0x50: {  	_ =	shalt  }
0x51: {  	_ =	shalt  }
0x52: {  	_ =	shalt  }
0x53: {  	_ =	shalt  }
0x54: {  	_ =	shalt  }
0x55: {  	_ =	shalt  }
0x56: {  	_ =	shalt  }
0x57: {  	_ =	shalt  }
0x58: {  	_ =	shalt  }
0x59: {  	_ =	shalt  }
0x5a: {  	_ =	shalt  }
0x5b: {  	_ =	shalt  }
0x5c: {  	_ =	shalt  }
0x5d: {  	_ =	shalt  }
0x5e: {  	_ =	shalt  }
0x5f: {  	_ =	shalt  }
0x60: {  	_ =	shalt  }
0x61: {  	_ =	shalt  }
0x62: {  	_ =	shalt  }
0x63: {  	_ =	shalt  }
0x64: {  	_ =	shalt  }
0x65: {  	_ =	shalt  }
0x66: {  	_ =	shalt  }
0x67: {  	_ =	shalt  }
0x68: {  	_ =	shalt  }
0x69: {  	_ =	shalt  }
0x6a: {  	_ =	shalt  }
0x6b: {  	_ =	shalt  }
0x6c: {  	_ =	shalt  }
0x6d: {  	_ =	shalt  }
0x6e: {  	_ =	shalt  }
0x6f: {  	_ =	shalt  }
0x70: {  	_ =	shalt  }
0x71: {  	_ =	shalt  }
0x72: {  	_ =	shalt  }
0x73: {  	_ =	shalt  }
0x74: {  	_ =	shalt  }
0x75: {  	_ =	shalt  }
0x76: {  	_ =	shalt  }
0x77: {  	_ =	shalt  }
0x78: {  	_ =	shalt  }
0x79: {  	_ =	shalt  }
0x7a: {  	_ =	shalt  }
0x7b: {  	_ =	shalt  }
0x7c: {  	_ =	shalt  }
0x7d: {  	_ =	shalt  }
0x7e: {  	_ =	shalt  }
0x7f: {  	_ =	shalt  }
0x80: {  	_ =	shalt  }
0x81: {  	_ =	shalt  }
0x82: {  	_ =	shalt  }
0x83: {  	_ =	shalt  }
0x84: {  	_ =	shalt  }
0x85: {  	_ =	shalt  }
0x86: {  	_ =	shalt  }
0x87: {  	_ =	shalt  }
.Lfunc_end0:
.L_simem_size_0:
called_computation_lowered:
.L_overlay_start_0:
0x88: {  	s2 =	sld [smem:$0x3FD9]  }
0x89: {  	s3 =	sld [smem:$0x3FFE];
	_ =	sdelay $0x1  }
0x8a: {  	s1 =	srdreg.scid  }
0x8b: {  	s0 =	sand.u32 $0x1, s1  }
0x8c: {  	s17 =	sshll.u32 s0, $0xA;
	s2 =	sadd.s32 s3, s2  }
0x8d: {  	s2 =	sadd.s32 s2, s17  }
0x8e: {  	[smem:$0x3FBC] =	sst s2  }
0x8f: {  	_ = 	snop  }
0x90: {  	s2 =	sld [smem:$0x3FD0];
	(tm) =	ssettm $0x1  }
0x91: {  	s18 =	sld [smem:$0x3FFB];
	_ =	sdelay $0x3  }
0x92: {  	_ =	strace s18  }
0x93: {  	s3 =	sld [smem:$0x3FFC];
	_ =	sdelay $0x3  }
0x94: {  	_ =	strace s3  }
0x95: {  	s3 =	sld [smem:$0x3FFD];
	_ =	sdelay $0x3  }
0x96: {  	_ =	strace s3  }
0x97: {  	_ =	strace $0x8FFFFFFF  }
0x98: {  	s19 =	sld [smem:$0x3FDB];
	_ =	sdelay $0x1  }
0x99: {  	s4 =	simm.s32 $_scs_section_size  }
0x9a: {  	s5 =	simm.s32 $_size__tile_overlayer_lowered;
	s6 =	simm.s32 $_tile_overlayer_lowered  }
0x9b: {  	s22 =	simm.s32 $0x1BFF;
	s21 =	sshll.u32 s6, $0x1;
	s3 =	sadd.s32 s4, s19  }
0x9c: {  	s7 =	simm.s32 $0x0;
	s20 =	sshll.u32 s5, $0x1;
	s5 =	sadd.s32 s21, s3  }
0x9d: {  	[timem:s7], [sflag:s22] =	dma.local [hbm:s5], s20  }
0x9e: {  	_ =	swait.ge [sflag:s22], s20  }
0x9f: {  	s4 =	ssub.s32 $0x0, s20;
	[sflag:s22] =	ssyncset.done $0x0  }
0xa0: {  	[sflag:s22] =	ssyncadd.s32 s4;
	_ =	sdelay $0x1  }
0xa1: {  	s23 =	simm.s32 $0x1B8B  }
0xa2: {  	_ =	swait.ge [sflag:s23], $0x1  }
0xa3: {  	[sflag:s23] =	ssyncset.done $0x0  }
0xa4: {  	s25 =	simm.s32 $0x1B8E;
	s24 =	sld [smem:$0x3FFE];
	[sflag:s23] =	ssyncadd.s32 $0xFFFFFFFF  }
0xa5: {  	s26 =	simm.s32 $execute0_lowered;
	[smem:$0x3FD2] =	sst s25  }
0xa6: {  	s5 =	sshll.u32 s26, $0x1;
	_ =	strace $0x80000046;
	[dreg:$0x1] =	wrdreg $0xFFFFFFFF  }
0xa7: {  	s28 =	simm.s32 $_size_execute0_lowered;
	s3 =	sadd.s32 s3, s5;
	[dreg:$0x0] =	wrdreg $0x0  }
0xa8: {  	s5 =	sshll.u32 s28, $0x1;
	[dreg:$0x2] =	wrdreg s3  }
0xa9: {  	[dreg:$0x3] =	wrdreg s5  }
0xaa: {  	[dreg:$0x4] =	wrdreg $0xC0  }
0xab: {  	_ =	task [dreg:s7], $0x5FFFF  }
0xac: {  	[dreg:$0x1] =	wrdreg $0xFFFFFFFF  }
0xad: {  	[dreg:$0x0] =	wrdreg $0x60  }
0xae: {  	[dreg:$0x2] =	wrdreg s24  }
0xaf: {  	[dreg:$0x3] =	wrdreg s2  }
0xb0: {  	[dreg:$0x4] =	wrdreg $0x9  }
0xb1: {  	_ =	task.clear_ibuf [dreg:s7], $0x5FFFF;
	_ =	strace $0x90000046  }
0xb2: {  	s29 =	simm.s32 $0x9;
	_ =	strace $0x80000048  }
0xb3: {  	_ =	swait.ge [sflag:s29], $0x1  }
0xb4: {  	[sflag:s29] =	ssyncadd.s32 $0xFFFFFFFF  }
0xb5: {  	_ =	strace $0x90000048  }
0xb6: {  	_ =	sfence  }
0xb7: {  	s30 =	sld [smem:$0x0];
	_ =	sdelay $0x2  }
0xb8: {  	s31 =	sshll.u32 s1, $0xD;
	s1 =	sshrl.u32 s1, $0x2  }
0xb9: {  	s3 =	sand.u32 $0x4000, s31;
	s1 =	sadd.s32 s1, s30  }
0xba: {  	s0 =	sor.u32 s3, s0;
	s1 =	sshll.u32 s1, $0x11  }
0xbb: {  	s0 =	sor.u32 s1, s0  }
0xbc: {  	s0 =	sadd.s32 $0x8F2B, s0  }
0xbd: {  	[sflag:s0] =	ssyncadd.remote.s32 $0x1  }
0xbe: {  	_ =	sfence.sel $0xFFFF  }
0xbf: {  	[dreg:$0x0] =	wrdreg $0xFFFFFFFF;
	(pc) =	sbr.abs _section_cstart, $3  }
0xc0: {  	[dreg:$0x1] =	wrdreg $0xFFFFFFFF  }
0xc1: {  	_ =	task.clear_ibuf [dreg:s7], $0x2FFFF;
	_ =	strace $0x9FFFFFFF  }
0xc2: {  	(tm) =	ssettm $0x7FFFFFFF  }
0xc3: {  	_ =	shalt  }
tec
execute0_lowered:
.L_overlay_start_1:
0x0: {  	(tag) =	ssettag $0x1  }
0x1: {  	s1 =	rddreg [dreg:$0x0]  }
0x2: {  	s0 =	rddreg [dreg:$0x1];
	s2 =	srdreg.scid  }
0x3: {  	s3 =	stileid.u32;
	s4 =	sand.u32 $0x1, s2;
	s2 =	simm.s32 $0x0  }
0x4: {  	s3 =	sshll.u32 s3, $0xC;
	s6 =	sadd.s32 $0x182600, s1;
	s5 =	sshll.u32 s4, $0xB  }
0x5: {  	[smem:$0x7FF] =	sst s2;
	s4 =	ssub.s32 $0x2, s4;
	s5 =	sor.u32 s5, s3  }
0x6: {  	_ =	strace $0x80000047;
	s25 =	sshrl.u32 s4, $0x1;
	s3 =	sshrl.u32 s5, $0x3  }
0x7: {  	s7 =	sshll.u32 s5, $0x5;
	s8 =	sor.u32 $0x100, s5;
	s31 =	sor.u32 $0x200, s5  }
0x8: {  	s10 =	sor.u32 $0x300, s5;
	s16 =	sor.u32 $0x400, s5;
	s18 =	sor.u32 $0x500, s5  }
0x9: {  	s24 =	sor.u32 $0x600, s5;
	s5 =	sor.u32 $0x700, s5;
	s4 =	ssub.s32 s4, s25  }
0xa: {  	s3 =	sadd.s32 s0, s3;
	s26 =	sadd.s32 s6, s7;
	s28 =	sshrl.u32 s8, $0x3  }
0xb: {  	s30 =	sshll.u32 s8, $0x5;
	s9 =	sshll.u32 s31, $0x5;
	[dreg:$0x3] =	wrdreg s3  }
0xc: {  	s12 =	sshrl.u32 s10, $0x3;
	[dreg:$0x4] =	wrdreg s26;
	s29 =	sadd.s32 s0, s28  }
0xd: {  	s14 =	sshll.u32 s10, $0x5;
	s7 =	sadd.s32 s6, s30;
	[dreg:$0x5] =	wrdreg s29  }
0xe: {  	s17 =	sshrl.u32 s16, $0x3;
	s11 =	sadd.s32 s6, s9;
	[dreg:$0x6] =	wrdreg s7  }
0xf: {  	s20 =	sshrl.u32 s18, $0x3;
	s13 =	sadd.s32 s0, s12;
	[dreg:$0x8] =	wrdreg s11  }
0x10: {  	s22 =	sshll.u32 s18, $0x5;
	s15 =	sadd.s32 s6, s14;
	[dreg:$0x9] =	wrdreg s13  }
0x11: {  	s3 =	sadd.s32 $0x2600, s1;
	s21 =	sadd.s32 s0, s20;
	[dreg:$0xa] =	wrdreg s15  }
0x12: {  	s23 =	sadd.s32 s6, s22;
	s30 =	sshll.u32 s5, $0x5;
	[dreg:$0xd] =	wrdreg s21  }
0x13: {  	s7 =	sshrl.u32 s31, $0x3;
	[dreg:$0xe] =	wrdreg s23;
	s31 =	sadd.s32 s6, s30  }
0x14: {  	s26 =	sshrl.u32 s24, $0x3;
	s1 =	sadd.s32 s0, s7;
	[dreg:$0x12] =	wrdreg s31  }
0x15: {  	s7 =	sshll.u32 s16, $0x5;
	[dreg:$0x7] =	wrdreg s1;
	s1 =	sadd.s32 s0, s17  }
0x16: {  	s12 =	simm.s32 $0x1;
	s19 =	sadd.s32 s6, s7;
	[dreg:$0xb] =	wrdreg s1  }
0x17: {  	s7 =	sshll.u32 s24, $0x5;
	[dreg:$0xc] =	wrdreg s19;
	s1 =	sadd.s32 s0, s26  }
0x18: {  	v2 =	vlaneseq.u32;
	s29 =	sshrl.u32 s5, $0x3;
	s28 =	sadd.s32 s6, s7;
	[dreg:$0xf] =	wrdreg s1  }
0x19: {  	vm0 =	vmmov $0xffff;
	v1 =	vshrl.u32 v2, $0x3;
	s5 =	simm.s32 $0x2;
	s0 =	sadd.s32 s0, s29;
	[dreg:$0x10] =	wrdreg s28  }
0x1a: {  	v0 =	vand.u32 $0x7, v2;
	v2 =	vor.u32 $0x8, v2;
	v1 =	vmul.u32 $0x8, v1;
	s6 =	simm.s32 $0x100;
	[dreg:$0x11] =	wrdreg s0;
	s0 =	smax.u32 s4, $0x1  }
.LBB2_1:
0x1b: {  	[dreg:$0x13] =	wrdreg s0  }
0x1c: {  	s13 =	rddreg [dreg:$0x3]  }
0x1d: {  	[tilespmem:s2], [sflag:$0x2] =	stream.linear.gather [hbm4b:s13+s2], $0x100, $0x38;
	[tilespmem:$0x10100] =	vst v63  }
0x1e: {  	_ =	swait.ge [sflag:s5], $0x100  }
0x1f: {  	[sflag:s5] =	ssyncset.done $0x0  }
0x20: {  	[sflag:s5] =	ssyncadd.s32 $0xFFFFFF00  }
0x21: {  	v3 =	vld [tilespmem:$0x0];
	_ =	sdelay $0x4  }
0x22: {  	v4 =	vshll.u32 v3, $0x1  }
0x23: {  	v3 =	vand.u32 $0x7, v3;
	v4 =	vand.u32 $0xFFFFFFF0, v4  }
0x24: {  	v3 =	vor.u32 v3, v4  }
0x25: {  	v4 =	vperm.xlane v3, v0;
	_ =	sdelay $0x1  }
0x26: {  	v3 =	vperm.xlane v3, v2;
	v4 =	vadd.s32 v1, v4;
	_ =	sdelay $0x1  }
0x27: {  	v3 =	vadd.s32 v1, v3;
	_ =	sdelay $0x2  }
0x28: {  	[tilespmem:s6], [sflag:$0x1] =	stream.indirect_vreg.gather [hbm4b:s3+s2], $0x80, v4, vm0, $0xb8;
	[tilespmem:$0x10100] =	vst v63  }
0x29: {  	s16 =	simm.s32 $0x900  }
0x2a: {  	[tilespmem:s16], [sflag:$0x1] =	stream.indirect_vreg.gather [hbm4b:s3+s2], $0x80, v3, vm0, $0xb8;
	[tilespmem:$0x10100] =	vst v63  }
0x2b: {  	v3 =	vld [tilespmem:$0x10];
	_ =	sdelay $0x4  }
0x2c: {  	v49 =	vshll.u32 v3, $0x1  }
0x2d: {  	v3 =	vand.u32 $0x7, v3;
	v4 =	vand.u32 $0xFFFFFFF0, v49  }
0x2e: {  	v3 =	vor.u32 v3, v4  }
0x2f: {  	v4 =	vperm.xlane v3, v0;
	_ =	sdelay $0x1  }
0x30: {  	v3 =	vperm.xlane v3, v2;
	v4 =	vadd.s32 v1, v4;
	_ =	sdelay $0x1  }
0x31: {  	v3 =	vadd.s32 v1, v3;
	_ =	sdelay $0x1  }
0x32: {  	s17 =	simm.s32 $0x1100  }
0x33: {  	[tilespmem:s17], [sflag:$0x1] =	stream.indirect_vreg.gather [hbm4b:s3+s2], $0x80, v4, vm0, $0xb8;
	[tilespmem:$0x10100] =	vst v63  }
0x34: {  	s19 =	simm.s32 $0x1900  }
0x35: {  	[tilespmem:s19], [sflag:$0x1] =	stream.indirect_vreg.gather [hbm4b:s3+s2], $0x80, v3, vm0, $0xb8;
	[tilespmem:$0x10100] =	vst v63  }
0x36: {  	v3 =	vld [tilespmem:$0x20];
	_ =	sdelay $0x4  }
0x37: {  	v50 =	vshll.u32 v3, $0x1  }
0x38: {  	v3 =	vand.u32 $0x7, v3;
	v4 =	vand.u32 $0xFFFFFFF0, v50  }
0x39: {  	v3 =	vor.u32 v3, v4  }
0x3a: {  	v4 =	vperm.xlane v3, v0;
	_ =	sdelay $0x1  }
0x3b: {  	v3 =	vperm.xlane v3, v2;
	v4 =	vadd.s32 v1, v4;
	_ =	sdelay $0x1  }
0x3c: {  	v3 =	vadd.s32 v1, v3;
	_ =	sdelay $0x1  }
0x3d: {  	s20 =	simm.s32 $0x2100  }
0x3e: {  	[tilespmem:s20], [sflag:$0x1] =	stream.indirect_vreg.gather [hbm4b:s3+s2], $0x80, v4, vm0, $0xb8;
	[tilespmem:$0x10100] =	vst v63  }
0x3f: {  	s21 =	simm.s32 $0x2900  }
0x40: {  	[tilespmem:s21], [sflag:$0x1] =	stream.indirect_vreg.gather [hbm4b:s3+s2], $0x80, v3, vm0, $0xb8;
	[tilespmem:$0x10100] =	vst v63  }
0x41: {  	v3 =	vld [tilespmem:$0x30];
	_ =	sdelay $0x4  }
0x42: {  	v51 =	vshll.u32 v3, $0x1  }
0x43: {  	v3 =	vand.u32 $0x7, v3;
	v4 =	vand.u32 $0xFFFFFFF0, v51  }
0x44: {  	v3 =	vor.u32 v3, v4  }
0x45: {  	v4 =	vperm.xlane v3, v0;
	_ =	sdelay $0x1  }
0x46: {  	v3 =	vperm.xlane v3, v2;
	v4 =	vadd.s32 v1, v4;
	_ =	sdelay $0x1  }
0x47: {  	v3 =	vadd.s32 v1, v3;
	_ =	sdelay $0x1  }
0x48: {  	s22 =	simm.s32 $0x3100  }
0x49: {  	[tilespmem:s22], [sflag:$0x1] =	stream.indirect_vreg.gather [hbm4b:s3+s2], $0x80, v4, vm0, $0xb8;
	[tilespmem:$0x10100] =	vst v63  }
0x4a: {  	s23 =	simm.s32 $0x3900  }
0x4b: {  	[tilespmem:s23], [sflag:$0x1] =	stream.indirect_vreg.gather [hbm4b:s3+s2], $0x80, v3, vm0, $0xb8;
	[tilespmem:$0x10100] =	vst v63  }
0x4c: {  	v3 =	vld [tilespmem:$0x40];
	_ =	sdelay $0x4  }
0x4d: {  	v52 =	vshll.u32 v3, $0x1  }
0x4e: {  	v3 =	vand.u32 $0x7, v3;
	v4 =	vand.u32 $0xFFFFFFF0, v52  }
0x4f: {  	v3 =	vor.u32 v3, v4  }
0x50: {  	v4 =	vperm.xlane v3, v0;
	_ =	sdelay $0x1  }
0x51: {  	v3 =	vperm.xlane v3, v2;
	v4 =	vadd.s32 v1, v4;
	_ =	sdelay $0x1  }
0x52: {  	v3 =	vadd.s32 v1, v3;
	_ =	sdelay $0x1  }
0x53: {  	s24 =	simm.s32 $0x4100  }
0x54: {  	[tilespmem:s24], [sflag:$0x1] =	stream.indirect_vreg.gather [hbm4b:s3+s2], $0x80, v4, vm0, $0xb8;
	[tilespmem:$0x10100] =	vst v63  }
0x55: {  	s25 =	simm.s32 $0x4900  }
0x56: {  	[tilespmem:s25], [sflag:$0x1] =	stream.indirect_vreg.gather [hbm4b:s3+s2], $0x80, v3, vm0, $0xb8;
	[tilespmem:$0x10100] =	vst v63  }
0x57: {  	v3 =	vld [tilespmem:$0x50];
	_ =	sdelay $0x4  }
0x58: {  	v53 =	vshll.u32 v3, $0x1  }
0x59: {  	v3 =	vand.u32 $0x7, v3;
	v4 =	vand.u32 $0xFFFFFFF0, v53  }
0x5a: {  	v3 =	vor.u32 v3, v4  }
0x5b: {  	v4 =	vperm.xlane v3, v0;
	_ =	sdelay $0x1  }
0x5c: {  	v3 =	vperm.xlane v3, v2;
	v4 =	vadd.s32 v1, v4;
	_ =	sdelay $0x1  }
0x5d: {  	v3 =	vadd.s32 v1, v3;
	_ =	sdelay $0x1  }
0x5e: {  	s26 =	simm.s32 $0x5100  }
0x5f: {  	[tilespmem:s26], [sflag:$0x1] =	stream.indirect_vreg.gather [hbm4b:s3+s2], $0x80, v4, vm0, $0xb8;
	[tilespmem:$0x10100] =	vst v63  }
0x60: {  	s28 =	simm.s32 $0x5900  }
0x61: {  	[tilespmem:s28], [sflag:$0x1] =	stream.indirect_vreg.gather [hbm4b:s3+s2], $0x80, v3, vm0, $0xb8;
	[tilespmem:$0x10100] =	vst v63  }
0x62: {  	v3 =	vld [tilespmem:$0x60];
	_ =	sdelay $0x4  }
0x63: {  	v54 =	vshll.u32 v3, $0x1  }
0x64: {  	v3 =	vand.u32 $0x7, v3;
	v4 =	vand.u32 $0xFFFFFFF0, v54  }
0x65: {  	v3 =	vor.u32 v3, v4  }
0x66: {  	v4 =	vperm.xlane v3, v0;
	_ =	sdelay $0x1  }
0x67: {  	v3 =	vperm.xlane v3, v2;
	v4 =	vadd.s32 v1, v4;
	_ =	sdelay $0x1  }
0x68: {  	v3 =	vadd.s32 v1, v3;
	_ =	sdelay $0x1  }
0x69: {  	s29 =	simm.s32 $0x6100  }
0x6a: {  	[tilespmem:s29], [sflag:$0x1] =	stream.indirect_vreg.gather [hbm4b:s3+s2], $0x80, v4, vm0, $0xb8;
	[tilespmem:$0x10100] =	vst v63  }
0x6b: {  	s30 =	simm.s32 $0x6900  }
0x6c: {  	[tilespmem:s30], [sflag:$0x1] =	stream.indirect_vreg.gather [hbm4b:s3+s2], $0x80, v3, vm0, $0xb8;
	[tilespmem:$0x10100] =	vst v63  }
0x6d: {  	v3 =	vld [tilespmem:$0x70];
	_ =	sdelay $0x4  }
0x6e: {  	v55 =	vshll.u32 v3, $0x1  }
0x6f: {  	v3 =	vand.u32 $0x7, v3;
	v4 =	vand.u32 $0xFFFFFFF0, v55  }
0x70: {  	v3 =	vor.u32 v3, v4  }
0x71: {  	v4 =	vperm.xlane v3, v0;
	_ =	sdelay $0x1  }
0x72: {  	v3 =	vperm.xlane v3, v2;
	v4 =	vadd.s32 v1, v4;
	_ =	sdelay $0x1  }
0x73: {  	v3 =	vadd.s32 v1, v3;
	_ =	sdelay $0x1  }
0x74: {  	s31 =	simm.s32 $0x7100  }
0x75: {  	[tilespmem:s31], [sflag:$0x1] =	stream.indirect_vreg.gather [hbm4b:s3+s2], $0x80, v4, vm0, $0xb8;
	[tilespmem:$0x10100] =	vst v63  }
0x76: {  	s1 =	simm.s32 $0x7900  }
0x77: {  	[tilespmem:s1], [sflag:$0x1] =	stream.indirect_vreg.gather [hbm4b:s3+s2], $0x80, v3, vm0, $0xb8;
	[tilespmem:$0x10100] =	vst v63  }
0x78: {  	v3 =	vld [tilespmem:$0x80];
	_ =	sdelay $0x4  }
0x79: {  	v56 =	vshll.u32 v3, $0x1  }
0x7a: {  	v3 =	vand.u32 $0x7, v3;
	v4 =	vand.u32 $0xFFFFFFF0, v56  }
0x7b: {  	v3 =	vor.u32 v3, v4  }
0x7c: {  	v4 =	vperm.xlane v3, v0;
	_ =	sdelay $0x1  }
0x7d: {  	v3 =	vperm.xlane v3, v2;
	v4 =	vadd.s32 v1, v4;
	_ =	sdelay $0x1  }
0x7e: {  	v3 =	vadd.s32 v1, v3;
	_ =	sdelay $0x1  }
0x7f: {  	s4 =	simm.s32 $0x8100  }
0x80: {  	[tilespmem:s4], [sflag:$0x1] =	stream.indirect_vreg.gather [hbm4b:s3+s2], $0x80, v4, vm0, $0xb8;
	[tilespmem:$0x10100] =	vst v63  }
0x81: {  	s9 =	simm.s32 $0x8900  }
0x82: {  	[tilespmem:s9], [sflag:$0x1] =	stream.indirect_vreg.gather [hbm4b:s3+s2], $0x80, v3, vm0, $0xb8;
	[tilespmem:$0x10100] =	vst v63  }
0x83: {  	v3 =	vld [tilespmem:$0x90];
	_ =	sdelay $0x4  }
0x84: {  	v57 =	vshll.u32 v3, $0x1  }
0x85: {  	v3 =	vand.u32 $0x7, v3;
	v4 =	vand.u32 $0xFFFFFFF0, v57  }
0x86: {  	v3 =	vor.u32 v3, v4  }
0x87: {  	v4 =	vperm.xlane v3, v0;
	_ =	sdelay $0x1  }
0x88: {  	v3 =	vperm.xlane v3, v2;
	v4 =	vadd.s32 v1, v4;
	_ =	sdelay $0x1  }
0x89: {  	v3 =	vadd.s32 v1, v3;
	_ =	sdelay $0x1  }
0x8a: {  	s10 =	simm.s32 $0x9100  }
0x8b: {  	[tilespmem:s10], [sflag:$0x1] =	stream.indirect_vreg.gather [hbm4b:s3+s2], $0x80, v4, vm0, $0xb8;
	[tilespmem:$0x10100] =	vst v63  }
0x8c: {  	s11 =	simm.s32 $0x9900  }
0x8d: {  	[tilespmem:s11], [sflag:$0x1] =	stream.indirect_vreg.gather [hbm4b:s3+s2], $0x80, v3, vm0, $0xb8;
	[tilespmem:$0x10100] =	vst v63  }
0x8e: {  	v3 =	vld [tilespmem:$0xA0];
	_ =	sdelay $0x4  }
0x8f: {  	v58 =	vshll.u32 v3, $0x1  }
0x90: {  	v3 =	vand.u32 $0x7, v3;
	v4 =	vand.u32 $0xFFFFFFF0, v58  }
0x91: {  	v3 =	vor.u32 v3, v4  }
0x92: {  	v4 =	vperm.xlane v3, v0;
	_ =	sdelay $0x1  }
0x93: {  	v3 =	vperm.xlane v3, v2;
	v4 =	vadd.s32 v1, v4;
	_ =	sdelay $0x1  }
0x94: {  	v3 =	vadd.s32 v1, v3;
	_ =	sdelay $0x1  }
0x95: {  	s13 =	simm.s32 $0xA100  }
0x96: {  	[tilespmem:s13], [sflag:$0x1] =	stream.indirect_vreg.gather [hbm4b:s3+s2], $0x80, v4, vm0, $0xb8;
	[tilespmem:$0x10100] =	vst v63  }
0x97: {  	s14 =	simm.s32 $0xA900  }
0x98: {  	[tilespmem:s14], [sflag:$0x1] =	stream.indirect_vreg.gather [hbm4b:s3+s2], $0x80, v3, vm0, $0xb8;
	[tilespmem:$0x10100] =	vst v63  }
0x99: {  	v3 =	vld [tilespmem:$0xB0];
	_ =	sdelay $0x4  }
0x9a: {  	v59 =	vshll.u32 v3, $0x1  }
0x9b: {  	v3 =	vand.u32 $0x7, v3;
	v4 =	vand.u32 $0xFFFFFFF0, v59  }
0x9c: {  	v3 =	vor.u32 v3, v4  }
0x9d: {  	v4 =	vperm.xlane v3, v0;
	_ =	sdelay $0x1  }
0x9e: {  	v3 =	vperm.xlane v3, v2;
	v4 =	vadd.s32 v1, v4;
	_ =	sdelay $0x1  }
0x9f: {  	v3 =	vadd.s32 v1, v3;
	_ =	sdelay $0x1  }
0xa0: {  	s15 =	simm.s32 $0xB100  }
0xa1: {  	[tilespmem:s15], [sflag:$0x1] =	stream.indirect_vreg.gather [hbm4b:s3+s2], $0x80, v4, vm0, $0xb8;
	[tilespmem:$0x10100] =	vst v63  }
0xa2: {  	s16 =	simm.s32 $0xB900  }
0xa3: {  	[tilespmem:s16], [sflag:$0x1] =	stream.indirect_vreg.gather [hbm4b:s3+s2], $0x80, v3, vm0, $0xb8;
	[tilespmem:$0x10100] =	vst v63  }
0xa4: {  	v3 =	vld [tilespmem:$0xC0];
	_ =	sdelay $0x4  }
0xa5: {  	v60 =	vshll.u32 v3, $0x1  }
0xa6: {  	v3 =	vand.u32 $0x7, v3;
	v4 =	vand.u32 $0xFFFFFFF0, v60  }
0xa7: {  	v3 =	vor.u32 v3, v4  }
0xa8: {  	v4 =	vperm.xlane v3, v0;
	_ =	sdelay $0x1  }
0xa9: {  	v3 =	vperm.xlane v3, v2;
	v4 =	vadd.s32 v1, v4;
	_ =	sdelay $0x1  }
0xaa: {  	v3 =	vadd.s32 v1, v3;
	_ =	sdelay $0x1  }
0xab: {  	s20 =	simm.s32 $0xC100  }
0xac: {  	[tilespmem:s20], [sflag:$0x1] =	stream.indirect_vreg.gather [hbm4b:s3+s2], $0x80, v4, vm0, $0xb8;
	[tilespmem:$0x10100] =	vst v63  }
0xad: {  	s22 =	simm.s32 $0xC900  }
0xae: {  	[tilespmem:s22], [sflag:$0x1] =	stream.indirect_vreg.gather [hbm4b:s3+s2], $0x80, v3, vm0, $0xb8;
	[tilespmem:$0x10100] =	vst v63  }
0xaf: {  	v3 =	vld [tilespmem:$0xD0];
	_ =	sdelay $0x4  }
0xb0: {  	v61 =	vshll.u32 v3, $0x1  }
0xb1: {  	v3 =	vand.u32 $0x7, v3;
	v4 =	vand.u32 $0xFFFFFFF0, v61  }
0xb2: {  	v3 =	vor.u32 v3, v4  }
0xb3: {  	v4 =	vperm.xlane v3, v0;
	_ =	sdelay $0x1  }
0xb4: {  	v3 =	vperm.xlane v3, v2;
	v4 =	vadd.s32 v1, v4;
	_ =	sdelay $0x1  }
0xb5: {  	v3 =	vadd.s32 v1, v3;
	_ =	sdelay $0x1  }
0xb6: {  	s23 =	simm.s32 $0xD100  }
0xb7: {  	[tilespmem:s23], [sflag:$0x1] =	stream.indirect_vreg.gather [hbm4b:s3+s2], $0x80, v4, vm0, $0xb8;
	[tilespmem:$0x10100] =	vst v63  }
0xb8: {  	s24 =	simm.s32 $0xD900  }
0xb9: {  	[tilespmem:s24], [sflag:$0x1] =	stream.indirect_vreg.gather [hbm4b:s3+s2], $0x80, v3, vm0, $0xb8;
	[tilespmem:$0x10100] =	vst v63  }
0xba: {  	v3 =	vld [tilespmem:$0xE0];
	_ =	sdelay $0x4  }
0xbb: {  	v62 =	vshll.u32 v3, $0x1  }
0xbc: {  	v3 =	vand.u32 $0x7, v3;
	v4 =	vand.u32 $0xFFFFFFF0, v62  }
0xbd: {  	v3 =	vor.u32 v3, v4  }
0xbe: {  	v4 =	vperm.xlane v3, v0;
	_ =	sdelay $0x1  }
0xbf: {  	v3 =	vperm.xlane v3, v2;
	v4 =	vadd.s32 v1, v4;
	_ =	sdelay $0x1  }
0xc0: {  	v3 =	vadd.s32 v1, v3;
	_ =	sdelay $0x1  }
0xc1: {  	s25 =	simm.s32 $0xE100  }
0xc2: {  	[tilespmem:s25], [sflag:$0x1] =	stream.indirect_vreg.gather [hbm4b:s3+s2], $0x80, v4, vm0, $0xb8;
	[tilespmem:$0x10100] =	vst v63  }
0xc3: {  	s26 =	simm.s32 $0xE900  }
0xc4: {  	[tilespmem:s26], [sflag:$0x1] =	stream.indirect_vreg.gather [hbm4b:s3+s2], $0x80, v3, vm0, $0xb8;
	[tilespmem:$0x10100] =	vst v63  }
0xc5: {  	v3 =	vld [tilespmem:$0xF0];
	_ =	sdelay $0x4  }
0xc6: {  	v63 =	vshll.u32 v3, $0x1  }
0xc7: {  	v3 =	vand.u32 $0x7, v3;
	v4 =	vand.u32 $0xFFFFFFF0, v63  }
0xc8: {  	v3 =	vor.u32 v3, v4  }
0xc9: {  	v4 =	vperm.xlane v3, v0;
	_ =	sdelay $0x1  }
0xca: {  	v3 =	vperm.xlane v3, v2;
	v4 =	vadd.s32 v1, v4;
	_ =	sdelay $0x1  }
0xcb: {  	v3 =	vadd.s32 v1, v3;
	_ =	sdelay $0x1  }
0xcc: {  	s28 =	simm.s32 $0xF100  }
0xcd: {  	[tilespmem:s28], [sflag:$0x1] =	stream.indirect_vreg.gather [hbm4b:s3+s2], $0x80, v4, vm0, $0xb8;
	[tilespmem:$0x10100] =	vst v63  }
0xce: {  	s29 =	simm.s32 $0xF900  }
0xcf: {  	[tilespmem:s29], [sflag:$0x1] =	stream.indirect_vreg.gather [hbm4b:s3+s2], $0x80, v3, vm0, $0xb8;
	[tilespmem:$0x10100] =	vst v63  }
0xd0: {  	_ =	swait.ge [sflag:s12], $0x10000  }
0xd1: {  	[sflag:s12] =	ssyncset.done $0x0  }
0xd2: {  	s30 =	rddreg [dreg:$0x4];
	[sflag:s12] =	ssyncadd.s32 $0xFFFF0000  }
0xd3: {  	[hbm4b:s30+s2] =	stream.linear.scatter [tilespmem:s6], [sflag:$0x2], $0x10000, $0x38;
	[tilespmem:$0x10100] =	vst v63  }
0xd4: {  	_ =	swait.ge [sflag:s5], $0x10000  }
0xd5: {  	[sflag:s5] =	ssyncset.done $0x0  }
0xd6: {  	s31 =	rddreg [dreg:$0x5];
	[sflag:s5] =	ssyncadd.s32 $0xFFFF0000  }
0xd7: {  	[tilespmem:s2], [sflag:$0x2] =	stream.linear.gather [hbm4b:s31+s2], $0x100, $0x38;
	[tilespmem:$0x10100] =	vst v63  }
0xd8: {  	_ =	swait.ge [sflag:s5], $0x100  }
0xd9: {  	[sflag:s5] =	ssyncset.done $0x0  }
0xda: {  	[sflag:s5] =	ssyncadd.s32 $0xFFFFFF00  }
0xdb: {  	v3 =	vld [tilespmem:$0x0];
	_ =	sdelay $0x4  }
0xdc: {  	v8 =	vshll.u32 v3, $0x1  }
0xdd: {  	v3 =	vand.u32 $0x7, v3;
	v4 =	vand.u32 $0xFFFFFFF0, v8  }
0xde: {  	v3 =	vor.u32 v3, v4  }
0xdf: {  	v4 =	vperm.xlane v3, v0;
	_ =	sdelay $0x1  }
0xe0: {  	v3 =	vperm.xlane v3, v2;
	v4 =	vadd.s32 v1, v4;
	_ =	sdelay $0x1  }
0xe1: {  	v3 =	vadd.s32 v1, v3;
	_ =	sdelay $0x2  }
0xe2: {  	[tilespmem:s6], [sflag:$0x1] =	stream.indirect_vreg.gather [hbm4b:s3+s2], $0x80, v4, vm0, $0xb8;
	[tilespmem:$0x10100] =	vst v63  }
0xe3: {  	s18 =	simm.s32 $0x900  }
0xe4: {  	[tilespmem:s18], [sflag:$0x1] =	stream.indirect_vreg.gather [hbm4b:s3+s2], $0x80, v3, vm0, $0xb8;
	[tilespmem:$0x10100] =	vst v63  }
0xe5: {  	v3 =	vld [tilespmem:$0x10];
	_ =	sdelay $0x4  }
0xe6: {  	v9 =	vshll.u32 v3, $0x1  }
0xe7: {  	v3 =	vand.u32 $0x7, v3;
	v4 =	vand.u32 $0xFFFFFFF0, v9  }
0xe8: {  	v3 =	vor.u32 v3, v4  }
0xe9: {  	v4 =	vperm.xlane v3, v0;
	_ =	sdelay $0x1  }
0xea: {  	v3 =	vperm.xlane v3, v2;
	v4 =	vadd.s32 v1, v4;
	_ =	sdelay $0x1  }
0xeb: {  	v3 =	vadd.s32 v1, v3;
	_ =	sdelay $0x1  }
0xec: {  	s7 =	simm.s32 $0x1100  }
0xed: {  	[tilespmem:s7], [sflag:$0x1] =	stream.indirect_vreg.gather [hbm4b:s3+s2], $0x80, v4, vm0, $0xb8;
	[tilespmem:$0x10100] =	vst v63  }
0xee: {  	s19 =	simm.s32 $0x1900  }
0xef: {  	[tilespmem:s19], [sflag:$0x1] =	stream.indirect_vreg.gather [hbm4b:s3+s2], $0x80, v3, vm0, $0xb8;
	[tilespmem:$0x10100] =	vst v63  }
0xf0: {  	v3 =	vld [tilespmem:$0x20];
	_ =	sdelay $0x4  }
0xf1: {  	v10 =	vshll.u32 v3, $0x1  }
0xf2: {  	v3 =	vand.u32 $0x7, v3;
	v4 =	vand.u32 $0xFFFFFFF0, v10  }
0xf3: {  	v3 =	vor.u32 v3, v4  }
0xf4: {  	v4 =	vperm.xlane v3, v0;
	_ =	sdelay $0x1  }
0xf5: {  	v3 =	vperm.xlane v3, v2;
	v4 =	vadd.s32 v1, v4;
	_ =	sdelay $0x1  }
0xf6: {  	v3 =	vadd.s32 v1, v3;
	_ =	sdelay $0x1  }
0xf7: {  	s8 =	simm.s32 $0x2100  }
0xf8: {  	[tilespmem:s8], [sflag:$0x1] =	stream.indirect_vreg.gather [hbm4b:s3+s2], $0x80, v4, vm0, $0xb8;
	[tilespmem:$0x10100] =	vst v63  }
0xf9: {  	s20 =	simm.s32 $0x2900  }
0xfa: {  	[tilespmem:s20], [sflag:$0x1] =	stream.indirect_vreg.gather [hbm4b:s3+s2], $0x80, v3, vm0, $0xb8;
	[tilespmem:$0x10100] =	vst v63  }
0xfb: {  	v3 =	vld [tilespmem:$0x30];
	_ =	sdelay $0x4  }
0xfc: {  	v11 =	vshll.u32 v3, $0x1  }
0xfd: {  	v3 =	vand.u32 $0x7, v3;
	v4 =	vand.u32 $0xFFFFFFF0, v11  }
0xfe: {  	v3 =	vor.u32 v3, v4  }
0xff: {  	v4 =	vperm.xlane v3, v0;
	_ =	sdelay $0x1  }
0x100: {  	v3 =	vperm.xlane v3, v2;
	v4 =	vadd.s32 v1, v4;
	_ =	sdelay $0x1  }
0x101: {  	v3 =	vadd.s32 v1, v3;
	_ =	sdelay $0x1  }
0x102: {  	s17 =	simm.s32 $0x3100  }
0x103: {  	[tilespmem:s17], [sflag:$0x1] =	stream.indirect_vreg.gather [hbm4b:s3+s2], $0x80, v4, vm0, $0xb8;
	[tilespmem:$0x10100] =	vst v63  }
0x104: {  	s21 =	simm.s32 $0x3900  }
0x105: {  	[tilespmem:s21], [sflag:$0x1] =	stream.indirect_vreg.gather [hbm4b:s3+s2], $0x80, v3, vm0, $0xb8;
	[tilespmem:$0x10100] =	vst v63  }
0x106: {  	v3 =	vld [tilespmem:$0x40];
	_ =	sdelay $0x4  }
0x107: {  	v12 =	vshll.u32 v3, $0x1  }
0x108: {  	v3 =	vand.u32 $0x7, v3;
	v4 =	vand.u32 $0xFFFFFFF0, v12  }
0x109: {  	v3 =	vor.u32 v3, v4  }
0x10a: {  	v4 =	vperm.xlane v3, v0;
	_ =	sdelay $0x1  }
0x10b: {  	v3 =	vperm.xlane v3, v2;
	v4 =	vadd.s32 v1, v4;
	_ =	sdelay $0x1  }
0x10c: {  	v3 =	vadd.s32 v1, v3;
	_ =	sdelay $0x1  }
0x10d: {  	s21 =	simm.s32 $0x4100  }
0x10e: {  	[tilespmem:s21], [sflag:$0x1] =	stream.indirect_vreg.gather [hbm4b:s3+s2], $0x80, v4, vm0, $0xb8;
	[tilespmem:$0x10100] =	vst v63  }
0x10f: {  	s22 =	simm.s32 $0x4900  }
0x110: {  	[tilespmem:s22], [sflag:$0x1] =	stream.indirect_vreg.gather [hbm4b:s3+s2], $0x80, v3, vm0, $0xb8;
	[tilespmem:$0x10100] =	vst v63  }
0x111: {  	v3 =	vld [tilespmem:$0x50];
	_ =	sdelay $0x4  }
0x112: {  	v13 =	vshll.u32 v3, $0x1  }
0x113: {  	v3 =	vand.u32 $0x7, v3;
	v4 =	vand.u32 $0xFFFFFFF0, v13  }
0x114: {  	v3 =	vor.u32 v3, v4  }
0x115: {  	v4 =	vperm.xlane v3, v0;
	_ =	sdelay $0x1  }
0x116: {  	v3 =	vperm.xlane v3, v2;
	v4 =	vadd.s32 v1, v4;
	_ =	sdelay $0x1  }
0x117: {  	v3 =	vadd.s32 v1, v3;
	_ =	sdelay $0x1  }
0x118: {  	s23 =	simm.s32 $0x5100  }
0x119: {  	[tilespmem:s23], [sflag:$0x1] =	stream.indirect_vreg.gather [hbm4b:s3+s2], $0x80, v4, vm0, $0xb8;
	[tilespmem:$0x10100] =	vst v63  }
0x11a: {  	s24 =	simm.s32 $0x5900  }
0x11b: {  	[tilespmem:s24], [sflag:$0x1] =	stream.indirect_vreg.gather [hbm4b:s3+s2], $0x80, v3, vm0, $0xb8;
	[tilespmem:$0x10100] =	vst v63  }
0x11c: {  	v3 =	vld [tilespmem:$0x60];
	_ =	sdelay $0x4  }
0x11d: {  	v14 =	vshll.u32 v3, $0x1  }
0x11e: {  	v3 =	vand.u32 $0x7, v3;
	v4 =	vand.u32 $0xFFFFFFF0, v14  }
0x11f: {  	v3 =	vor.u32 v3, v4  }
0x120: {  	v4 =	vperm.xlane v3, v0;
	_ =	sdelay $0x1  }
0x121: {  	v3 =	vperm.xlane v3, v2;
	v4 =	vadd.s32 v1, v4;
	_ =	sdelay $0x1  }
0x122: {  	v3 =	vadd.s32 v1, v3;
	_ =	sdelay $0x1  }
0x123: {  	s25 =	simm.s32 $0x6100  }
0x124: {  	[tilespmem:s25], [sflag:$0x1] =	stream.indirect_vreg.gather [hbm4b:s3+s2], $0x80, v4, vm0, $0xb8;
	[tilespmem:$0x10100] =	vst v63  }
0x125: {  	s26 =	simm.s32 $0x6900  }
0x126: {  	[tilespmem:s26], [sflag:$0x1] =	stream.indirect_vreg.gather [hbm4b:s3+s2], $0x80, v3, vm0, $0xb8;
	[tilespmem:$0x10100] =	vst v63  }
0x127: {  	v3 =	vld [tilespmem:$0x70];
	_ =	sdelay $0x4  }
0x128: {  	v15 =	vshll.u32 v3, $0x1  }
0x129: {  	v3 =	vand.u32 $0x7, v3;
	v4 =	vand.u32 $0xFFFFFFF0, v15  }
0x12a: {  	v3 =	vor.u32 v3, v4  }
0x12b: {  	v4 =	vperm.xlane v3, v0;
	_ =	sdelay $0x1  }
0x12c: {  	v3 =	vperm.xlane v3, v2;
	v4 =	vadd.s32 v1, v4;
	_ =	sdelay $0x1  }
0x12d: {  	v3 =	vadd.s32 v1, v3;
	_ =	sdelay $0x1  }
0x12e: {  	s28 =	simm.s32 $0x7100  }
0x12f: {  	[tilespmem:s28], [sflag:$0x1] =	stream.indirect_vreg.gather [hbm4b:s3+s2], $0x80, v4, vm0, $0xb8;
	[tilespmem:$0x10100] =	vst v63  }
0x130: {  	s29 =	simm.s32 $0x7900  }
0x131: {  	[tilespmem:s29], [sflag:$0x1] =	stream.indirect_vreg.gather [hbm4b:s3+s2], $0x80, v3, vm0, $0xb8;
	[tilespmem:$0x10100] =	vst v63  }
0x132: {  	v3 =	vld [tilespmem:$0x80];
	_ =	sdelay $0x4  }
0x133: {  	v16 =	vshll.u32 v3, $0x1  }
0x134: {  	v3 =	vand.u32 $0x7, v3;
	v4 =	vand.u32 $0xFFFFFFF0, v16  }
0x135: {  	v3 =	vor.u32 v3, v4  }
0x136: {  	v4 =	vperm.xlane v3, v0;
	_ =	sdelay $0x1  }
0x137: {  	v3 =	vperm.xlane v3, v2;
	v4 =	vadd.s32 v1, v4;
	_ =	sdelay $0x1  }
0x138: {  	v3 =	vadd.s32 v1, v3;
	_ =	sdelay $0x1  }
0x139: {  	s30 =	simm.s32 $0x8100  }
0x13a: {  	[tilespmem:s30], [sflag:$0x1] =	stream.indirect_vreg.gather [hbm4b:s3+s2], $0x80, v4, vm0, $0xb8;
	[tilespmem:$0x10100] =	vst v63  }
0x13b: {  	s31 =	simm.s32 $0x8900  }
0x13c: {  	[tilespmem:s31], [sflag:$0x1] =	stream.indirect_vreg.gather [hbm4b:s3+s2], $0x80, v3, vm0, $0xb8;
	[tilespmem:$0x10100] =	vst v63  }
0x13d: {  	v3 =	vld [tilespmem:$0x90];
	_ =	sdelay $0x4  }
0x13e: {  	v17 =	vshll.u32 v3, $0x1  }
0x13f: {  	v3 =	vand.u32 $0x7, v3;
	v4 =	vand.u32 $0xFFFFFFF0, v17  }
0x140: {  	v3 =	vor.u32 v3, v4  }
0x141: {  	v4 =	vperm.xlane v3, v0;
	_ =	sdelay $0x1  }
0x142: {  	v3 =	vperm.xlane v3, v2;
	v4 =	vadd.s32 v1, v4;
	_ =	sdelay $0x1  }
0x143: {  	v3 =	vadd.s32 v1, v3;
	_ =	sdelay $0x1  }
0x144: {  	s7 =	simm.s32 $0x9100  }
0x145: {  	[tilespmem:s7], [sflag:$0x1] =	stream.indirect_vreg.gather [hbm4b:s3+s2], $0x80, v4, vm0, $0xb8;
	[tilespmem:$0x10100] =	vst v63  }
0x146: {  	s17 =	simm.s32 $0x9900  }
0x147: {  	[tilespmem:s17], [sflag:$0x1] =	stream.indirect_vreg.gather [hbm4b:s3+s2], $0x80, v3, vm0, $0xb8;
	[tilespmem:$0x10100] =	vst v63  }
0x148: {  	v3 =	vld [tilespmem:$0xA0];
	_ =	sdelay $0x4  }
0x149: {  	v18 =	vshll.u32 v3, $0x1  }
0x14a: {  	v3 =	vand.u32 $0x7, v3;
	v4 =	vand.u32 $0xFFFFFFF0, v18  }
0x14b: {  	v3 =	vor.u32 v3, v4  }
0x14c: {  	v4 =	vperm.xlane v3, v0;
	_ =	sdelay $0x1  }
0x14d: {  	v3 =	vperm.xlane v3, v2;
	v4 =	vadd.s32 v1, v4;
	_ =	sdelay $0x1  }
0x14e: {  	v3 =	vadd.s32 v1, v3;
	_ =	sdelay $0x1  }
0x14f: {  	s8 =	simm.s32 $0xA100  }
0x150: {  	[tilespmem:s8], [sflag:$0x1] =	stream.indirect_vreg.gather [hbm4b:s3+s2], $0x80, v4, vm0, $0xb8;
	[tilespmem:$0x10100] =	vst v63  }
0x151: {  	s18 =	simm.s32 $0xA900  }
0x152: {  	[tilespmem:s18], [sflag:$0x1] =	stream.indirect_vreg.gather [hbm4b:s3+s2], $0x80, v3, vm0, $0xb8;
	[tilespmem:$0x10100] =	vst v63  }
0x153: {  	v3 =	vld [tilespmem:$0xB0];
	_ =	sdelay $0x4  }
0x154: {  	v19 =	vshll.u32 v3, $0x1  }
0x155: {  	v3 =	vand.u32 $0x7, v3;
	v4 =	vand.u32 $0xFFFFFFF0, v19  }
0x156: {  	v3 =	vor.u32 v3, v4  }
0x157: {  	v4 =	vperm.xlane v3, v0;
	_ =	sdelay $0x1  }
0x158: {  	v3 =	vperm.xlane v3, v2;
	v4 =	vadd.s32 v1, v4;
	_ =	sdelay $0x1  }
0x159: {  	v3 =	vadd.s32 v1, v3;
	_ =	sdelay $0x1  }
0x15a: {  	s9 =	simm.s32 $0xB100  }
0x15b: {  	[tilespmem:s9], [sflag:$0x1] =	stream.indirect_vreg.gather [hbm4b:s3+s2], $0x80, v4, vm0, $0xb8;
	[tilespmem:$0x10100] =	vst v63  }
0x15c: {  	s19 =	simm.s32 $0xB900  }
0x15d: {  	[tilespmem:s19], [sflag:$0x1] =	stream.indirect_vreg.gather [hbm4b:s3+s2], $0x80, v3, vm0, $0xb8;
	[tilespmem:$0x10100] =	vst v63  }
0x15e: {  	v3 =	vld [tilespmem:$0xC0];
	_ =	sdelay $0x4  }
0x15f: {  	v20 =	vshll.u32 v3, $0x1  }
0x160: {  	v3 =	vand.u32 $0x7, v3;
	v4 =	vand.u32 $0xFFFFFFF0, v20  }
0x161: {  	v3 =	vor.u32 v3, v4  }
0x162: {  	v4 =	vperm.xlane v3, v0;
	_ =	sdelay $0x1  }
0x163: {  	v3 =	vperm.xlane v3, v2;
	v4 =	vadd.s32 v1, v4;
	_ =	sdelay $0x1  }
0x164: {  	v3 =	vadd.s32 v1, v3;
	_ =	sdelay $0x1  }
0x165: {  	s11 =	simm.s32 $0xC100  }
0x166: {  	[tilespmem:s11], [sflag:$0x1] =	stream.indirect_vreg.gather [hbm4b:s3+s2], $0x80, v4, vm0, $0xb8;
	[tilespmem:$0x10100] =	vst v63  }
0x167: {  	s10 =	simm.s32 $0xC900  }
0x168: {  	[tilespmem:s10], [sflag:$0x1] =	stream.indirect_vreg.gather [hbm4b:s3+s2], $0x80, v3, vm0, $0xb8;
	[tilespmem:$0x10100] =	vst v63  }
0x169: {  	v3 =	vld [tilespmem:$0xD0];
	_ =	sdelay $0x4  }
0x16a: {  	v21 =	vshll.u32 v3, $0x1  }
0x16b: {  	v3 =	vand.u32 $0x7, v3;
	v4 =	vand.u32 $0xFFFFFFF0, v21  }
0x16c: {  	v3 =	vor.u32 v3, v4  }
0x16d: {  	v4 =	vperm.xlane v3, v0;
	_ =	sdelay $0x1  }
0x16e: {  	v3 =	vperm.xlane v3, v2;
	v4 =	vadd.s32 v1, v4;
	_ =	sdelay $0x1  }
0x16f: {  	v3 =	vadd.s32 v1, v3;
	_ =	sdelay $0x1  }
0x170: {  	s0 =	simm.s32 $0xD100  }
0x171: {  	[tilespmem:s0], [sflag:$0x1] =	stream.indirect_vreg.gather [hbm4b:s3+s2], $0x80, v4, vm0, $0xb8;
	[tilespmem:$0x10100] =	vst v63  }
0x172: {  	s14 =	simm.s32 $0xD900  }
0x173: {  	[tilespmem:s14], [sflag:$0x1] =	stream.indirect_vreg.gather [hbm4b:s3+s2], $0x80, v3, vm0, $0xb8;
	[tilespmem:$0x10100] =	vst v63  }
0x174: {  	v3 =	vld [tilespmem:$0xE0];
	_ =	sdelay $0x4  }
0x175: {  	v22 =	vshll.u32 v3, $0x1  }
0x176: {  	v3 =	vand.u32 $0x7, v3;
	v4 =	vand.u32 $0xFFFFFFF0, v22  }
0x177: {  	v3 =	vor.u32 v3, v4  }
0x178: {  	v4 =	vperm.xlane v3, v0;
	_ =	sdelay $0x1  }
0x179: {  	v3 =	vperm.xlane v3, v2;
	v4 =	vadd.s32 v1, v4;
	_ =	sdelay $0x1  }
0x17a: {  	v3 =	vadd.s32 v1, v3;
	_ =	sdelay $0x1  }
0x17b: {  	s1 =	simm.s32 $0xE100  }
0x17c: {  	[tilespmem:s1], [sflag:$0x1] =	stream.indirect_vreg.gather [hbm4b:s3+s2], $0x80, v4, vm0, $0xb8;
	[tilespmem:$0x10100] =	vst v63  }
0x17d: {  	s15 =	simm.s32 $0xE900  }
0x17e: {  	[tilespmem:s15], [sflag:$0x1] =	stream.indirect_vreg.gather [hbm4b:s3+s2], $0x80, v3, vm0, $0xb8;
	[tilespmem:$0x10100] =	vst v63  }
0x17f: {  	v3 =	vld [tilespmem:$0xF0];
	_ =	sdelay $0x4  }
0x180: {  	v23 =	vshll.u32 v3, $0x1  }
0x181: {  	v3 =	vand.u32 $0x7, v3;
	v4 =	vand.u32 $0xFFFFFFF0, v23  }
0x182: {  	v3 =	vor.u32 v3, v4  }
0x183: {  	v4 =	vperm.xlane v3, v0;
	_ =	sdelay $0x1  }
0x184: {  	v3 =	vperm.xlane v3, v2;
	v4 =	vadd.s32 v1, v4;
	_ =	sdelay $0x1  }
0x185: {  	v3 =	vadd.s32 v1, v3;
	_ =	sdelay $0x1  }
0x186: {  	s4 =	simm.s32 $0xF100  }
0x187: {  	[tilespmem:s4], [sflag:$0x1] =	stream.indirect_vreg.gather [hbm4b:s3+s2], $0x80, v4, vm0, $0xb8;
	[tilespmem:$0x10100] =	vst v63  }
0x188: {  	s16 =	simm.s32 $0xF900  }
0x189: {  	[tilespmem:s16], [sflag:$0x1] =	stream.indirect_vreg.gather [hbm4b:s3+s2], $0x80, v3, vm0, $0xb8;
	[tilespmem:$0x10100] =	vst v63  }
0x18a: {  	_ =	swait.ge [sflag:s12], $0x10000  }
0x18b: {  	[sflag:s12] =	ssyncset.done $0x0  }
0x18c: {  	s13 =	rddreg [dreg:$0x6];
	[sflag:s12] =	ssyncadd.s32 $0xFFFF0000  }
0x18d: {  	[hbm4b:s13+s2] =	stream.linear.scatter [tilespmem:s6], [sflag:$0x2], $0x10000, $0x38;
	[tilespmem:$0x10100] =	vst v63  }
0x18e: {  	_ =	swait.ge [sflag:s5], $0x10000  }
0x18f: {  	[sflag:s5] =	ssyncset.done $0x0  }
0x190: {  	s13 =	rddreg [dreg:$0x7];
	[sflag:s5] =	ssyncadd.s32 $0xFFFF0000  }
0x191: {  	[tilespmem:s2], [sflag:$0x2] =	stream.linear.gather [hbm4b:s13+s2], $0x100, $0x38;
	[tilespmem:$0x10100] =	vst v63  }
0x192: {  	_ =	swait.ge [sflag:s5], $0x100  }
0x193: {  	[sflag:s5] =	ssyncset.done $0x0  }
0x194: {  	[sflag:s5] =	ssyncadd.s32 $0xFFFFFF00  }
0x195: {  	v3 =	vld [tilespmem:$0x0];
	_ =	sdelay $0x4  }
0x196: {  	v24 =	vshll.u32 v3, $0x1  }
0x197: {  	v3 =	vand.u32 $0x7, v3;
	v4 =	vand.u32 $0xFFFFFFF0, v24  }
0x198: {  	v3 =	vor.u32 v3, v4  }
0x199: {  	v4 =	vperm.xlane v3, v0;
	_ =	sdelay $0x1  }
0x19a: {  	v3 =	vperm.xlane v3, v2;
	v4 =	vadd.s32 v1, v4;
	_ =	sdelay $0x1  }
0x19b: {  	v3 =	vadd.s32 v1, v3;
	_ =	sdelay $0x2  }
0x19c: {  	[tilespmem:s6], [sflag:$0x1] =	stream.indirect_vreg.gather [hbm4b:s3+s2], $0x80, v4, vm0, $0xb8;
	[tilespmem:$0x10100] =	vst v63  }
0x19d: {  	s13 =	simm.s32 $0x900  }
0x19e: {  	[tilespmem:s13], [sflag:$0x1] =	stream.indirect_vreg.gather [hbm4b:s3+s2], $0x80, v3, vm0, $0xb8;
	[tilespmem:$0x10100] =	vst v63  }
0x19f: {  	v3 =	vld [tilespmem:$0x10];
	_ =	sdelay $0x4  }
0x1a0: {  	v25 =	vshll.u32 v3, $0x1  }
0x1a1: {  	v3 =	vand.u32 $0x7, v3;
	v4 =	vand.u32 $0xFFFFFFF0, v25  }
0x1a2: {  	v3 =	vor.u32 v3, v4  }
0x1a3: {  	v4 =	vperm.xlane v3, v0;
	_ =	sdelay $0x1  }
0x1a4: {  	v3 =	vperm.xlane v3, v2;
	v4 =	vadd.s32 v1, v4;
	_ =	sdelay $0x1  }
0x1a5: {  	v3 =	vadd.s32 v1, v3;
	_ =	sdelay $0x1  }
0x1a6: {  	s13 =	simm.s32 $0x1100  }
0x1a7: {  	[tilespmem:s13], [sflag:$0x1] =	stream.indirect_vreg.gather [hbm4b:s3+s2], $0x80, v4, vm0, $0xb8;
	[tilespmem:$0x10100] =	vst v63  }
0x1a8: {  	s13 =	simm.s32 $0x1900  }
0x1a9: {  	[tilespmem:s13], [sflag:$0x1] =	stream.indirect_vreg.gather [hbm4b:s3+s2], $0x80, v3, vm0, $0xb8;
	[tilespmem:$0x10100] =	vst v63  }
0x1aa: {  	v3 =	vld [tilespmem:$0x20];
	_ =	sdelay $0x4  }
0x1ab: {  	v26 =	vshll.u32 v3, $0x1  }
0x1ac: {  	v3 =	vand.u32 $0x7, v3;
	v4 =	vand.u32 $0xFFFFFFF0, v26  }
0x1ad: {  	v3 =	vor.u32 v3, v4  }
0x1ae: {  	v4 =	vperm.xlane v3, v0;
	_ =	sdelay $0x1  }
0x1af: {  	v3 =	vperm.xlane v3, v2;
	v4 =	vadd.s32 v1, v4;
	_ =	sdelay $0x1  }
0x1b0: {  	v3 =	vadd.s32 v1, v3;
	_ =	sdelay $0x1  }
0x1b1: {  	s13 =	simm.s32 $0x2100  }
0x1b2: {  	[tilespmem:s13], [sflag:$0x1] =	stream.indirect_vreg.gather [hbm4b:s3+s2], $0x80, v4, vm0, $0xb8;
	[tilespmem:$0x10100] =	vst v63  }
0x1b3: {  	_ = 	snop  }
0x1b4: {  	[tilespmem:s20], [sflag:$0x1] =	stream.indirect_vreg.gather [hbm4b:s3+s2], $0x80, v3, vm0, $0xb8;
	[tilespmem:$0x10100] =	vst v63  }
0x1b5: {  	v3 =	vld [tilespmem:$0x30];
	_ =	sdelay $0x4  }
0x1b6: {  	v27 =	vshll.u32 v3, $0x1  }
0x1b7: {  	v3 =	vand.u32 $0x7, v3;
	v4 =	vand.u32 $0xFFFFFFF0, v27  }
0x1b8: {  	v3 =	vor.u32 v3, v4  }
0x1b9: {  	v4 =	vperm.xlane v3, v0;
	_ =	sdelay $0x1  }
0x1ba: {  	v3 =	vperm.xlane v3, v2;
	v4 =	vadd.s32 v1, v4;
	_ =	sdelay $0x1  }
0x1bb: {  	v3 =	vadd.s32 v1, v3;
	_ =	sdelay $0x1  }
0x1bc: {  	s13 =	simm.s32 $0x3100  }
0x1bd: {  	[tilespmem:s13], [sflag:$0x1] =	stream.indirect_vreg.gather [hbm4b:s3+s2], $0x80, v4, vm0, $0xb8;
	[tilespmem:$0x10100] =	vst v63  }
0x1be: {  	s13 =	simm.s32 $0x3900  }
0x1bf: {  	[tilespmem:s13], [sflag:$0x1] =	stream.indirect_vreg.gather [hbm4b:s3+s2], $0x80, v3, vm0, $0xb8;
	[tilespmem:$0x10100] =	vst v63  }
0x1c0: {  	v3 =	vld [tilespmem:$0x40];
	_ =	sdelay $0x4  }
0x1c1: {  	v28 =	vshll.u32 v3, $0x1  }
0x1c2: {  	v3 =	vand.u32 $0x7, v3;
	v4 =	vand.u32 $0xFFFFFFF0, v28  }
0x1c3: {  	v3 =	vor.u32 v3, v4  }
0x1c4: {  	v4 =	vperm.xlane v3, v0;
	_ =	sdelay $0x1  }
0x1c5: {  	v3 =	vperm.xlane v3, v2;
	v4 =	vadd.s32 v1, v4;
	_ =	sdelay $0x1  }
0x1c6: {  	v3 =	vadd.s32 v1, v3;
	_ =	sdelay $0x2  }
0x1c7: {  	[tilespmem:s21], [sflag:$0x1] =	stream.indirect_vreg.gather [hbm4b:s3+s2], $0x80, v4, vm0, $0xb8;
	[tilespmem:$0x10100] =	vst v63  }
0x1c8: {  	_ = 	snop  }
0x1c9: {  	[tilespmem:s22], [sflag:$0x1] =	stream.indirect_vreg.gather [hbm4b:s3+s2], $0x80, v3, vm0, $0xb8;
	[tilespmem:$0x10100] =	vst v63  }
0x1ca: {  	v3 =	vld [tilespmem:$0x50];
	_ =	sdelay $0x4  }
0x1cb: {  	v29 =	vshll.u32 v3, $0x1  }
0x1cc: {  	v3 =	vand.u32 $0x7, v3;
	v4 =	vand.u32 $0xFFFFFFF0, v29  }
0x1cd: {  	v3 =	vor.u32 v3, v4  }
0x1ce: {  	v4 =	vperm.xlane v3, v0;
	_ =	sdelay $0x1  }
0x1cf: {  	v3 =	vperm.xlane v3, v2;
	v4 =	vadd.s32 v1, v4;
	_ =	sdelay $0x1  }
0x1d0: {  	v3 =	vadd.s32 v1, v3;
	_ =	sdelay $0x2  }
0x1d1: {  	[tilespmem:s23], [sflag:$0x1] =	stream.indirect_vreg.gather [hbm4b:s3+s2], $0x80, v4, vm0, $0xb8;
	[tilespmem:$0x10100] =	vst v63  }
0x1d2: {  	_ = 	snop  }
0x1d3: {  	[tilespmem:s24], [sflag:$0x1] =	stream.indirect_vreg.gather [hbm4b:s3+s2], $0x80, v3, vm0, $0xb8;
	[tilespmem:$0x10100] =	vst v63  }
0x1d4: {  	v3 =	vld [tilespmem:$0x60];
	_ =	sdelay $0x4  }
0x1d5: {  	v30 =	vshll.u32 v3, $0x1  }
0x1d6: {  	v3 =	vand.u32 $0x7, v3;
	v4 =	vand.u32 $0xFFFFFFF0, v30  }
0x1d7: {  	v3 =	vor.u32 v3, v4  }
0x1d8: {  	v4 =	vperm.xlane v3, v0;
	_ =	sdelay $0x1  }
0x1d9: {  	v3 =	vperm.xlane v3, v2;
	v4 =	vadd.s32 v1, v4;
	_ =	sdelay $0x1  }
0x1da: {  	v3 =	vadd.s32 v1, v3;
	_ =	sdelay $0x2  }
0x1db: {  	[tilespmem:s25], [sflag:$0x1] =	stream.indirect_vreg.gather [hbm4b:s3+s2], $0x80, v4, vm0, $0xb8;
	[tilespmem:$0x10100] =	vst v63  }
0x1dc: {  	_ = 	snop  }
0x1dd: {  	[tilespmem:s26], [sflag:$0x1] =	stream.indirect_vreg.gather [hbm4b:s3+s2], $0x80, v3, vm0, $0xb8;
	[tilespmem:$0x10100] =	vst v63  }
0x1de: {  	v3 =	vld [tilespmem:$0x70];
	_ =	sdelay $0x4  }
0x1df: {  	v31 =	vshll.u32 v3, $0x1  }
0x1e0: {  	v3 =	vand.u32 $0x7, v3;
	v4 =	vand.u32 $0xFFFFFFF0, v31  }
0x1e1: {  	v3 =	vor.u32 v3, v4  }
0x1e2: {  	v4 =	vperm.xlane v3, v0;
	_ =	sdelay $0x1  }
0x1e3: {  	v3 =	vperm.xlane v3, v2;
	v4 =	vadd.s32 v1, v4;
	_ =	sdelay $0x1  }
0x1e4: {  	v3 =	vadd.s32 v1, v3;
	_ =	sdelay $0x2  }
0x1e5: {  	[tilespmem:s28], [sflag:$0x1] =	stream.indirect_vreg.gather [hbm4b:s3+s2], $0x80, v4, vm0, $0xb8;
	[tilespmem:$0x10100] =	vst v63  }
0x1e6: {  	_ = 	snop  }
0x1e7: {  	[tilespmem:s29], [sflag:$0x1] =	stream.indirect_vreg.gather [hbm4b:s3+s2], $0x80, v3, vm0, $0xb8;
	[tilespmem:$0x10100] =	vst v63  }
0x1e8: {  	v3 =	vld [tilespmem:$0x80];
	_ =	sdelay $0x4  }
0x1e9: {  	v32 =	vshll.u32 v3, $0x1  }
0x1ea: {  	v3 =	vand.u32 $0x7, v3;
	v4 =	vand.u32 $0xFFFFFFF0, v32  }
0x1eb: {  	v3 =	vor.u32 v3, v4  }
0x1ec: {  	v4 =	vperm.xlane v3, v0;
	_ =	sdelay $0x1  }
0x1ed: {  	v3 =	vperm.xlane v3, v2;
	v4 =	vadd.s32 v1, v4;
	_ =	sdelay $0x1  }
0x1ee: {  	v3 =	vadd.s32 v1, v3;
	_ =	sdelay $0x2  }
0x1ef: {  	[tilespmem:s30], [sflag:$0x1] =	stream.indirect_vreg.gather [hbm4b:s3+s2], $0x80, v4, vm0, $0xb8;
	[tilespmem:$0x10100] =	vst v63  }
0x1f0: {  	_ = 	snop  }
0x1f1: {  	[tilespmem:s31], [sflag:$0x1] =	stream.indirect_vreg.gather [hbm4b:s3+s2], $0x80, v3, vm0, $0xb8;
	[tilespmem:$0x10100] =	vst v63  }
0x1f2: {  	v3 =	vld [tilespmem:$0x90];
	_ =	sdelay $0x4  }
0x1f3: {  	v33 =	vshll.u32 v3, $0x1  }
0x1f4: {  	v3 =	vand.u32 $0x7, v3;
	v4 =	vand.u32 $0xFFFFFFF0, v33  }
0x1f5: {  	v3 =	vor.u32 v3, v4  }
0x1f6: {  	v4 =	vperm.xlane v3, v0;
	_ =	sdelay $0x1  }
0x1f7: {  	v3 =	vperm.xlane v3, v2;
	v4 =	vadd.s32 v1, v4;
	_ =	sdelay $0x1  }
0x1f8: {  	v3 =	vadd.s32 v1, v3;
	_ =	sdelay $0x2  }
0x1f9: {  	[tilespmem:s7], [sflag:$0x1] =	stream.indirect_vreg.gather [hbm4b:s3+s2], $0x80, v4, vm0, $0xb8;
	[tilespmem:$0x10100] =	vst v63  }
0x1fa: {  	_ = 	snop  }
0x1fb: {  	[tilespmem:s17], [sflag:$0x1] =	stream.indirect_vreg.gather [hbm4b:s3+s2], $0x80, v3, vm0, $0xb8;
	[tilespmem:$0x10100] =	vst v63  }
0x1fc: {  	v3 =	vld [tilespmem:$0xA0];
	_ =	sdelay $0x4  }
0x1fd: {  	v34 =	vshll.u32 v3, $0x1  }
0x1fe: {  	v3 =	vand.u32 $0x7, v3;
	v4 =	vand.u32 $0xFFFFFFF0, v34  }
0x1ff: {  	v3 =	vor.u32 v3, v4  }
0x200: {  	v4 =	vperm.xlane v3, v0;
	_ =	sdelay $0x1  }
0x201: {  	v3 =	vperm.xlane v3, v2;
	v4 =	vadd.s32 v1, v4;
	_ =	sdelay $0x1  }
0x202: {  	v3 =	vadd.s32 v1, v3;
	_ =	sdelay $0x2  }
0x203: {  	[tilespmem:s8], [sflag:$0x1] =	stream.indirect_vreg.gather [hbm4b:s3+s2], $0x80, v4, vm0, $0xb8;
	[tilespmem:$0x10100] =	vst v63  }
0x204: {  	_ = 	snop  }
0x205: {  	[tilespmem:s18], [sflag:$0x1] =	stream.indirect_vreg.gather [hbm4b:s3+s2], $0x80, v3, vm0, $0xb8;
	[tilespmem:$0x10100] =	vst v63  }
0x206: {  	v3 =	vld [tilespmem:$0xB0];
	_ =	sdelay $0x4  }
0x207: {  	v35 =	vshll.u32 v3, $0x1  }
0x208: {  	v3 =	vand.u32 $0x7, v3;
	v4 =	vand.u32 $0xFFFFFFF0, v35  }
0x209: {  	v3 =	vor.u32 v3, v4  }
0x20a: {  	v4 =	vperm.xlane v3, v0;
	_ =	sdelay $0x1  }
0x20b: {  	v3 =	vperm.xlane v3, v2;
	v4 =	vadd.s32 v1, v4;
	_ =	sdelay $0x1  }
0x20c: {  	v3 =	vadd.s32 v1, v3;
	_ =	sdelay $0x1  }
0x20d: {  	s9 =	simm.s32 $0xB100  }
0x20e: {  	[tilespmem:s9], [sflag:$0x1] =	stream.indirect_vreg.gather [hbm4b:s3+s2], $0x80, v4, vm0, $0xb8;
	[tilespmem:$0x10100] =	vst v63  }
0x20f: {  	_ = 	snop  }
0x210: {  	[tilespmem:s19], [sflag:$0x1] =	stream.indirect_vreg.gather [hbm4b:s3+s2], $0x80, v3, vm0, $0xb8;
	[tilespmem:$0x10100] =	vst v63  }
0x211: {  	v3 =	vld [tilespmem:$0xC0];
	_ =	sdelay $0x4  }
0x212: {  	v36 =	vshll.u32 v3, $0x1  }
0x213: {  	v3 =	vand.u32 $0x7, v3;
	v4 =	vand.u32 $0xFFFFFFF0, v36  }
0x214: {  	v3 =	vor.u32 v3, v4  }
0x215: {  	v4 =	vperm.xlane v3, v0;
	_ =	sdelay $0x1  }
0x216: {  	v3 =	vperm.xlane v3, v2;
	v4 =	vadd.s32 v1, v4;
	_ =	sdelay $0x1  }
0x217: {  	v3 =	vadd.s32 v1, v3;
	_ =	sdelay $0x1  }
0x218: {  	s11 =	simm.s32 $0xC100  }
0x219: {  	[tilespmem:s11], [sflag:$0x1] =	stream.indirect_vreg.gather [hbm4b:s3+s2], $0x80, v4, vm0, $0xb8;
	[tilespmem:$0x10100] =	vst v63  }
0x21a: {  	s10 =	simm.s32 $0xC900  }
0x21b: {  	[tilespmem:s10], [sflag:$0x1] =	stream.indirect_vreg.gather [hbm4b:s3+s2], $0x80, v3, vm0, $0xb8;
	[tilespmem:$0x10100] =	vst v63  }
0x21c: {  	v3 =	vld [tilespmem:$0xD0];
	_ =	sdelay $0x4  }
0x21d: {  	v37 =	vshll.u32 v3, $0x1  }
0x21e: {  	v3 =	vand.u32 $0x7, v3;
	v4 =	vand.u32 $0xFFFFFFF0, v37  }
0x21f: {  	v3 =	vor.u32 v3, v4  }
0x220: {  	v4 =	vperm.xlane v3, v0;
	_ =	sdelay $0x1  }
0x221: {  	v3 =	vperm.xlane v3, v2;
	v4 =	vadd.s32 v1, v4;
	_ =	sdelay $0x1  }
0x222: {  	v3 =	vadd.s32 v1, v3;
	_ =	sdelay $0x1  }
0x223: {  	s0 =	simm.s32 $0xD100  }
0x224: {  	[tilespmem:s0], [sflag:$0x1] =	stream.indirect_vreg.gather [hbm4b:s3+s2], $0x80, v4, vm0, $0xb8;
	[tilespmem:$0x10100] =	vst v63  }
0x225: {  	s14 =	simm.s32 $0xD900  }
0x226: {  	[tilespmem:s14], [sflag:$0x1] =	stream.indirect_vreg.gather [hbm4b:s3+s2], $0x80, v3, vm0, $0xb8;
	[tilespmem:$0x10100] =	vst v63  }
0x227: {  	v3 =	vld [tilespmem:$0xE0];
	_ =	sdelay $0x4  }
0x228: {  	v38 =	vshll.u32 v3, $0x1  }
0x229: {  	v3 =	vand.u32 $0x7, v3;
	v4 =	vand.u32 $0xFFFFFFF0, v38  }
0x22a: {  	v3 =	vor.u32 v3, v4  }
0x22b: {  	v4 =	vperm.xlane v3, v0;
	_ =	sdelay $0x1  }
0x22c: {  	v3 =	vperm.xlane v3, v2;
	v4 =	vadd.s32 v1, v4;
	_ =	sdelay $0x1  }
0x22d: {  	v3 =	vadd.s32 v1, v3;
	_ =	sdelay $0x1  }
0x22e: {  	s1 =	simm.s32 $0xE100  }
0x22f: {  	[tilespmem:s1], [sflag:$0x1] =	stream.indirect_vreg.gather [hbm4b:s3+s2], $0x80, v4, vm0, $0xb8;
	[tilespmem:$0x10100] =	vst v63  }
0x230: {  	s15 =	simm.s32 $0xE900  }
0x231: {  	[tilespmem:s15], [sflag:$0x1] =	stream.indirect_vreg.gather [hbm4b:s3+s2], $0x80, v3, vm0, $0xb8;
	[tilespmem:$0x10100] =	vst v63  }
0x232: {  	v3 =	vld [tilespmem:$0xF0];
	_ =	sdelay $0x4  }
0x233: {  	v39 =	vshll.u32 v3, $0x1  }
0x234: {  	v3 =	vand.u32 $0x7, v3;
	v4 =	vand.u32 $0xFFFFFFF0, v39  }
0x235: {  	v3 =	vor.u32 v3, v4  }
0x236: {  	v4 =	vperm.xlane v3, v0;
	_ =	sdelay $0x1  }
0x237: {  	v3 =	vperm.xlane v3, v2;
	v4 =	vadd.s32 v1, v4;
	_ =	sdelay $0x1  }
0x238: {  	v3 =	vadd.s32 v1, v3;
	_ =	sdelay $0x1  }
0x239: {  	s4 =	simm.s32 $0xF100  }
0x23a: {  	[tilespmem:s4], [sflag:$0x1] =	stream.indirect_vreg.gather [hbm4b:s3+s2], $0x80, v4, vm0, $0xb8;
	[tilespmem:$0x10100] =	vst v63  }
0x23b: {  	s16 =	simm.s32 $0xF900  }
0x23c: {  	[tilespmem:s16], [sflag:$0x1] =	stream.indirect_vreg.gather [hbm4b:s3+s2], $0x80, v3, vm0, $0xb8;
	[tilespmem:$0x10100] =	vst v63  }
0x23d: {  	_ =	swait.ge [sflag:s12], $0x10000  }
0x23e: {  	[sflag:s12] =	ssyncset.done $0x0  }
0x23f: {  	s15 =	rddreg [dreg:$0x8];
	[sflag:s12] =	ssyncadd.s32 $0xFFFF0000  }
0x240: {  	[hbm4b:s15+s2] =	stream.linear.scatter [tilespmem:s6], [sflag:$0x2], $0x10000, $0x38;
	[tilespmem:$0x10100] =	vst v63  }
0x241: {  	_ =	swait.ge [sflag:s5], $0x10000  }
0x242: {  	[sflag:s5] =	ssyncset.done $0x0  }
0x243: {  	s16 =	rddreg [dreg:$0x9];
	[sflag:s5] =	ssyncadd.s32 $0xFFFF0000  }
0x244: {  	[tilespmem:s2], [sflag:$0x2] =	stream.linear.gather [hbm4b:s16+s2], $0x100, $0x38;
	[tilespmem:$0x10100] =	vst v63  }
0x245: {  	_ =	swait.ge [sflag:s5], $0x100  }
0x246: {  	[sflag:s5] =	ssyncset.done $0x0  }
0x247: {  	[sflag:s5] =	ssyncadd.s32 $0xFFFFFF00  }
0x248: {  	v3 =	vld [tilespmem:$0x0];
	_ =	sdelay $0x4  }
0x249: {  	v40 =	vshll.u32 v3, $0x1  }
0x24a: {  	v3 =	vand.u32 $0x7, v3;
	v4 =	vand.u32 $0xFFFFFFF0, v40  }
0x24b: {  	v3 =	vor.u32 v3, v4  }
0x24c: {  	v4 =	vperm.xlane v3, v0;
	_ =	sdelay $0x1  }
0x24d: {  	v3 =	vperm.xlane v3, v2;
	v4 =	vadd.s32 v1, v4;
	_ =	sdelay $0x1  }
0x24e: {  	v3 =	vadd.s32 v1, v3;
	_ =	sdelay $0x2  }
0x24f: {  	[tilespmem:s6], [sflag:$0x1] =	stream.indirect_vreg.gather [hbm4b:s3+s2], $0x80, v4, vm0, $0xb8;
	[tilespmem:$0x10100] =	vst v63  }
0x250: {  	s15 =	simm.s32 $0x900  }
0x251: {  	[tilespmem:s15], [sflag:$0x1] =	stream.indirect_vreg.gather [hbm4b:s3+s2], $0x80, v3, vm0, $0xb8;
	[tilespmem:$0x10100] =	vst v63  }
0x252: {  	v3 =	vld [tilespmem:$0x10];
	_ =	sdelay $0x4  }
0x253: {  	v41 =	vshll.u32 v3, $0x1  }
0x254: {  	v3 =	vand.u32 $0x7, v3;
	v4 =	vand.u32 $0xFFFFFFF0, v41  }
0x255: {  	v3 =	vor.u32 v3, v4  }
0x256: {  	v4 =	vperm.xlane v3, v0;
	_ =	sdelay $0x1  }
0x257: {  	v3 =	vperm.xlane v3, v2;
	v4 =	vadd.s32 v1, v4;
	_ =	sdelay $0x1  }
0x258: {  	v3 =	vadd.s32 v1, v3;
	_ =	sdelay $0x1  }
0x259: {  	s16 =	simm.s32 $0x1100  }
0x25a: {  	[tilespmem:s16], [sflag:$0x1] =	stream.indirect_vreg.gather [hbm4b:s3+s2], $0x80, v4, vm0, $0xb8;
	[tilespmem:$0x10100] =	vst v63  }
0x25b: {  	s15 =	simm.s32 $0x1900  }
0x25c: {  	[tilespmem:s15], [sflag:$0x1] =	stream.indirect_vreg.gather [hbm4b:s3+s2], $0x80, v3, vm0, $0xb8;
	[tilespmem:$0x10100] =	vst v63  }
0x25d: {  	v3 =	vld [tilespmem:$0x20];
	_ =	sdelay $0x4  }
0x25e: {  	v42 =	vshll.u32 v3, $0x1  }
0x25f: {  	v3 =	vand.u32 $0x7, v3;
	v4 =	vand.u32 $0xFFFFFFF0, v42  }
0x260: {  	v3 =	vor.u32 v3, v4  }
0x261: {  	v4 =	vperm.xlane v3, v0;
	_ =	sdelay $0x1  }
0x262: {  	v3 =	vperm.xlane v3, v2;
	v4 =	vadd.s32 v1, v4;
	_ =	sdelay $0x1  }
0x263: {  	v3 =	vadd.s32 v1, v3;
	_ =	sdelay $0x1  }
0x264: {  	s16 =	simm.s32 $0x2100  }
0x265: {  	[tilespmem:s16], [sflag:$0x1] =	stream.indirect_vreg.gather [hbm4b:s3+s2], $0x80, v4, vm0, $0xb8;
	[tilespmem:$0x10100] =	vst v63  }
0x266: {  	s20 =	simm.s32 $0x2900  }
0x267: {  	[tilespmem:s20], [sflag:$0x1] =	stream.indirect_vreg.gather [hbm4b:s3+s2], $0x80, v3, vm0, $0xb8;
	[tilespmem:$0x10100] =	vst v63  }
0x268: {  	v3 =	vld [tilespmem:$0x30];
	_ =	sdelay $0x4  }
0x269: {  	v43 =	vshll.u32 v3, $0x1  }
0x26a: {  	v3 =	vand.u32 $0x7, v3;
	v4 =	vand.u32 $0xFFFFFFF0, v43  }
0x26b: {  	v3 =	vor.u32 v3, v4  }
0x26c: {  	v4 =	vperm.xlane v3, v0;
	_ =	sdelay $0x1  }
0x26d: {  	v3 =	vperm.xlane v3, v2;
	v4 =	vadd.s32 v1, v4;
	_ =	sdelay $0x1  }
0x26e: {  	v3 =	vadd.s32 v1, v3;
	_ =	sdelay $0x1  }
0x26f: {  	s15 =	simm.s32 $0x3100  }
0x270: {  	[tilespmem:s15], [sflag:$0x1] =	stream.indirect_vreg.gather [hbm4b:s3+s2], $0x80, v4, vm0, $0xb8;
	[tilespmem:$0x10100] =	vst v63  }
0x271: {  	s20 =	simm.s32 $0x3900  }
0x272: {  	[tilespmem:s20], [sflag:$0x1] =	stream.indirect_vreg.gather [hbm4b:s3+s2], $0x80, v3, vm0, $0xb8;
	[tilespmem:$0x10100] =	vst v63  }
0x273: {  	v3 =	vld [tilespmem:$0x40];
	_ =	sdelay $0x4  }
0x274: {  	v44 =	vshll.u32 v3, $0x1  }
0x275: {  	v3 =	vand.u32 $0x7, v3;
	v4 =	vand.u32 $0xFFFFFFF0, v44  }
0x276: {  	v3 =	vor.u32 v3, v4  }
0x277: {  	v4 =	vperm.xlane v3, v0;
	_ =	sdelay $0x1  }
0x278: {  	v3 =	vperm.xlane v3, v2;
	v4 =	vadd.s32 v1, v4;
	_ =	sdelay $0x1  }
0x279: {  	v3 =	vadd.s32 v1, v3;
	_ =	sdelay $0x1  }
0x27a: {  	s21 =	simm.s32 $0x4100  }
0x27b: {  	[tilespmem:s21], [sflag:$0x1] =	stream.indirect_vreg.gather [hbm4b:s3+s2], $0x80, v4, vm0, $0xb8;
	[tilespmem:$0x10100] =	vst v63  }
0x27c: {  	s22 =	simm.s32 $0x4900  }
0x27d: {  	[tilespmem:s22], [sflag:$0x1] =	stream.indirect_vreg.gather [hbm4b:s3+s2], $0x80, v3, vm0, $0xb8;
	[tilespmem:$0x10100] =	vst v63  }
0x27e: {  	v3 =	vld [tilespmem:$0x50];
	_ =	sdelay $0x4  }
0x27f: {  	v45 =	vshll.u32 v3, $0x1  }
0x280: {  	v3 =	vand.u32 $0x7, v3;
	v4 =	vand.u32 $0xFFFFFFF0, v45  }
0x281: {  	v3 =	vor.u32 v3, v4  }
0x282: {  	v4 =	vperm.xlane v3, v0;
	_ =	sdelay $0x1  }
0x283: {  	v3 =	vperm.xlane v3, v2;
	v4 =	vadd.s32 v1, v4;
	_ =	sdelay $0x1  }
0x284: {  	v3 =	vadd.s32 v1, v3;
	_ =	sdelay $0x1  }
0x285: {  	s23 =	simm.s32 $0x5100  }
0x286: {  	[tilespmem:s23], [sflag:$0x1] =	stream.indirect_vreg.gather [hbm4b:s3+s2], $0x80, v4, vm0, $0xb8;
	[tilespmem:$0x10100] =	vst v63  }
0x287: {  	s24 =	simm.s32 $0x5900  }
0x288: {  	[tilespmem:s24], [sflag:$0x1] =	stream.indirect_vreg.gather [hbm4b:s3+s2], $0x80, v3, vm0, $0xb8;
	[tilespmem:$0x10100] =	vst v63  }
0x289: {  	v3 =	vld [tilespmem:$0x60];
	_ =	sdelay $0x4  }
0x28a: {  	v46 =	vshll.u32 v3, $0x1  }
0x28b: {  	v3 =	vand.u32 $0x7, v3;
	v4 =	vand.u32 $0xFFFFFFF0, v46  }
0x28c: {  	v3 =	vor.u32 v3, v4  }
0x28d: {  	v4 =	vperm.xlane v3, v0;
	_ =	sdelay $0x1  }
0x28e: {  	v3 =	vperm.xlane v3, v2;
	v4 =	vadd.s32 v1, v4;
	_ =	sdelay $0x1  }
0x28f: {  	v3 =	vadd.s32 v1, v3;
	_ =	sdelay $0x1  }
0x290: {  	s25 =	simm.s32 $0x6100  }
0x291: {  	[tilespmem:s25], [sflag:$0x1] =	stream.indirect_vreg.gather [hbm4b:s3+s2], $0x80, v4, vm0, $0xb8;
	[tilespmem:$0x10100] =	vst v63  }
0x292: {  	s26 =	simm.s32 $0x6900  }
0x293: {  	[tilespmem:s26], [sflag:$0x1] =	stream.indirect_vreg.gather [hbm4b:s3+s2], $0x80, v3, vm0, $0xb8;
	[tilespmem:$0x10100] =	vst v63  }
0x294: {  	v3 =	vld [tilespmem:$0x70];
	_ =	sdelay $0x4  }
0x295: {  	v47 =	vshll.u32 v3, $0x1  }
0x296: {  	v3 =	vand.u32 $0x7, v3;
	v4 =	vand.u32 $0xFFFFFFF0, v47  }
0x297: {  	v3 =	vor.u32 v3, v4  }
0x298: {  	v4 =	vperm.xlane v3, v0;
	_ =	sdelay $0x1  }
0x299: {  	v3 =	vperm.xlane v3, v2;
	v4 =	vadd.s32 v1, v4;
	_ =	sdelay $0x1  }
0x29a: {  	v3 =	vadd.s32 v1, v3;
	_ =	sdelay $0x1  }
0x29b: {  	s28 =	simm.s32 $0x7100  }
0x29c: {  	[tilespmem:s28], [sflag:$0x1] =	stream.indirect_vreg.gather [hbm4b:s3+s2], $0x80, v4, vm0, $0xb8;
	[tilespmem:$0x10100] =	vst v63  }
0x29d: {  	s29 =	simm.s32 $0x7900  }
0x29e: {  	[tilespmem:s29], [sflag:$0x1] =	stream.indirect_vreg.gather [hbm4b:s3+s2], $0x80, v3, vm0, $0xb8;
	[tilespmem:$0x10100] =	vst v63  }
0x29f: {  	v3 =	vld [tilespmem:$0x80];
	_ =	sdelay $0x4  }
0x2a0: {  	v48 =	vshll.u32 v3, $0x1  }
0x2a1: {  	v3 =	vand.u32 $0x7, v3;
	v4 =	vand.u32 $0xFFFFFFF0, v48  }
0x2a2: {  	v3 =	vor.u32 v3, v4  }
0x2a3: {  	v4 =	vperm.xlane v3, v0;
	_ =	sdelay $0x1  }
0x2a4: {  	v3 =	vperm.xlane v3, v2;
	v4 =	vadd.s32 v1, v4;
	_ =	sdelay $0x1  }
0x2a5: {  	v3 =	vadd.s32 v1, v3;
	_ =	sdelay $0x1  }
0x2a6: {  	s30 =	simm.s32 $0x8100  }
0x2a7: {  	[tilespmem:s30], [sflag:$0x1] =	stream.indirect_vreg.gather [hbm4b:s3+s2], $0x80, v4, vm0, $0xb8;
	[tilespmem:$0x10100] =	vst v63  }
0x2a8: {  	s31 =	simm.s32 $0x8900  }
0x2a9: {  	[tilespmem:s31], [sflag:$0x1] =	stream.indirect_vreg.gather [hbm4b:s3+s2], $0x80, v3, vm0, $0xb8;
	[tilespmem:$0x10100] =	vst v63  }
0x2aa: {  	v3 =	vld [tilespmem:$0x90];
	_ =	sdelay $0x4  }
0x2ab: {  	v49 =	vshll.u32 v3, $0x1  }
0x2ac: {  	v3 =	vand.u32 $0x7, v3;
	v4 =	vand.u32 $0xFFFFFFF0, v49  }
0x2ad: {  	v3 =	vor.u32 v3, v4  }
0x2ae: {  	v4 =	vperm.xlane v3, v0;
	_ =	sdelay $0x1  }
0x2af: {  	v3 =	vperm.xlane v3, v2;
	v4 =	vadd.s32 v1, v4;
	_ =	sdelay $0x1  }
0x2b0: {  	v3 =	vadd.s32 v1, v3;
	_ =	sdelay $0x1  }
0x2b1: {  	s15 =	simm.s32 $0x9100  }
0x2b2: {  	[tilespmem:s15], [sflag:$0x1] =	stream.indirect_vreg.gather [hbm4b:s3+s2], $0x80, v4, vm0, $0xb8;
	[tilespmem:$0x10100] =	vst v63  }
0x2b3: {  	s7 =	simm.s32 $0x9900  }
0x2b4: {  	[tilespmem:s7], [sflag:$0x1] =	stream.indirect_vreg.gather [hbm4b:s3+s2], $0x80, v3, vm0, $0xb8;
	[tilespmem:$0x10100] =	vst v63  }
0x2b5: {  	v3 =	vld [tilespmem:$0xA0];
	_ =	sdelay $0x4  }
0x2b6: {  	v50 =	vshll.u32 v3, $0x1  }
0x2b7: {  	v3 =	vand.u32 $0x7, v3;
	v4 =	vand.u32 $0xFFFFFFF0, v50  }
0x2b8: {  	v3 =	vor.u32 v3, v4  }
0x2b9: {  	v4 =	vperm.xlane v3, v0;
	_ =	sdelay $0x1  }
0x2ba: {  	v3 =	vperm.xlane v3, v2;
	v4 =	vadd.s32 v1, v4;
	_ =	sdelay $0x1  }
0x2bb: {  	v3 =	vadd.s32 v1, v3;
	_ =	sdelay $0x1  }
0x2bc: {  	s8 =	simm.s32 $0xA100  }
0x2bd: {  	[tilespmem:s8], [sflag:$0x1] =	stream.indirect_vreg.gather [hbm4b:s3+s2], $0x80, v4, vm0, $0xb8;
	[tilespmem:$0x10100] =	vst v63  }
0x2be: {  	s17 =	simm.s32 $0xA900  }
0x2bf: {  	[tilespmem:s17], [sflag:$0x1] =	stream.indirect_vreg.gather [hbm4b:s3+s2], $0x80, v3, vm0, $0xb8;
	[tilespmem:$0x10100] =	vst v63  }
0x2c0: {  	v3 =	vld [tilespmem:$0xB0];
	_ =	sdelay $0x4  }
0x2c1: {  	v51 =	vshll.u32 v3, $0x1  }
0x2c2: {  	v3 =	vand.u32 $0x7, v3;
	v4 =	vand.u32 $0xFFFFFFF0, v51  }
0x2c3: {  	v3 =	vor.u32 v3, v4  }
0x2c4: {  	v4 =	vperm.xlane v3, v0;
	_ =	sdelay $0x1  }
0x2c5: {  	v3 =	vperm.xlane v3, v2;
	v4 =	vadd.s32 v1, v4;
	_ =	sdelay $0x1  }
0x2c6: {  	v3 =	vadd.s32 v1, v3;
	_ =	sdelay $0x1  }
0x2c7: {  	s18 =	simm.s32 $0xB100  }
0x2c8: {  	[tilespmem:s18], [sflag:$0x1] =	stream.indirect_vreg.gather [hbm4b:s3+s2], $0x80, v4, vm0, $0xb8;
	[tilespmem:$0x10100] =	vst v63  }
0x2c9: {  	s9 =	simm.s32 $0xB900  }
0x2ca: {  	[tilespmem:s9], [sflag:$0x1] =	stream.indirect_vreg.gather [hbm4b:s3+s2], $0x80, v3, vm0, $0xb8;
	[tilespmem:$0x10100] =	vst v63  }
0x2cb: {  	v3 =	vld [tilespmem:$0xC0];
	_ =	sdelay $0x4  }
0x2cc: {  	v52 =	vshll.u32 v3, $0x1  }
0x2cd: {  	v3 =	vand.u32 $0x7, v3;
	v4 =	vand.u32 $0xFFFFFFF0, v52  }
0x2ce: {  	v3 =	vor.u32 v3, v4  }
0x2cf: {  	v4 =	vperm.xlane v3, v0;
	_ =	sdelay $0x1  }
0x2d0: {  	v3 =	vperm.xlane v3, v2;
	v4 =	vadd.s32 v1, v4;
	_ =	sdelay $0x1  }
0x2d1: {  	v3 =	vadd.s32 v1, v3;
	_ =	sdelay $0x1  }
0x2d2: {  	s18 =	simm.s32 $0xC100  }
0x2d3: {  	[tilespmem:s18], [sflag:$0x1] =	stream.indirect_vreg.gather [hbm4b:s3+s2], $0x80, v4, vm0, $0xb8;
	[tilespmem:$0x10100] =	vst v63  }
0x2d4: {  	s11 =	simm.s32 $0xC900  }
0x2d5: {  	[tilespmem:s11], [sflag:$0x1] =	stream.indirect_vreg.gather [hbm4b:s3+s2], $0x80, v3, vm0, $0xb8;
	[tilespmem:$0x10100] =	vst v63  }
0x2d6: {  	v3 =	vld [tilespmem:$0xD0];
	_ =	sdelay $0x4  }
0x2d7: {  	v53 =	vshll.u32 v3, $0x1  }
0x2d8: {  	v3 =	vand.u32 $0x7, v3;
	v4 =	vand.u32 $0xFFFFFFF0, v53  }
0x2d9: {  	v3 =	vor.u32 v3, v4  }
0x2da: {  	v4 =	vperm.xlane v3, v0;
	_ =	sdelay $0x1  }
0x2db: {  	v3 =	vperm.xlane v3, v2;
	v4 =	vadd.s32 v1, v4;
	_ =	sdelay $0x1  }
0x2dc: {  	v3 =	vadd.s32 v1, v3;
	_ =	sdelay $0x1  }
0x2dd: {  	s0 =	simm.s32 $0xD100  }
0x2de: {  	[tilespmem:s0], [sflag:$0x1] =	stream.indirect_vreg.gather [hbm4b:s3+s2], $0x80, v4, vm0, $0xb8;
	[tilespmem:$0x10100] =	vst v63  }
0x2df: {  	s19 =	simm.s32 $0xD900  }
0x2e0: {  	[tilespmem:s19], [sflag:$0x1] =	stream.indirect_vreg.gather [hbm4b:s3+s2], $0x80, v3, vm0, $0xb8;
	[tilespmem:$0x10100] =	vst v63  }
0x2e1: {  	v3 =	vld [tilespmem:$0xE0];
	_ =	sdelay $0x4  }
0x2e2: {  	v54 =	vshll.u32 v3, $0x1  }
0x2e3: {  	v3 =	vand.u32 $0x7, v3;
	v4 =	vand.u32 $0xFFFFFFF0, v54  }
0x2e4: {  	v3 =	vor.u32 v3, v4  }
0x2e5: {  	v4 =	vperm.xlane v3, v0;
	_ =	sdelay $0x1  }
0x2e6: {  	v3 =	vperm.xlane v3, v2;
	v4 =	vadd.s32 v1, v4;
	_ =	sdelay $0x1  }
0x2e7: {  	v3 =	vadd.s32 v1, v3;
	_ =	sdelay $0x1  }
0x2e8: {  	s10 =	simm.s32 $0xE100  }
0x2e9: {  	[tilespmem:s10], [sflag:$0x1] =	stream.indirect_vreg.gather [hbm4b:s3+s2], $0x80, v4, vm0, $0xb8;
	[tilespmem:$0x10100] =	vst v63  }
0x2ea: {  	s14 =	simm.s32 $0xE900  }
0x2eb: {  	[tilespmem:s14], [sflag:$0x1] =	stream.indirect_vreg.gather [hbm4b:s3+s2], $0x80, v3, vm0, $0xb8;
	[tilespmem:$0x10100] =	vst v63  }
0x2ec: {  	v3 =	vld [tilespmem:$0xF0];
	_ =	sdelay $0x4  }
0x2ed: {  	v55 =	vshll.u32 v3, $0x1  }
0x2ee: {  	v3 =	vand.u32 $0x7, v3;
	v4 =	vand.u32 $0xFFFFFFF0, v55  }
0x2ef: {  	v3 =	vor.u32 v3, v4  }
0x2f0: {  	v4 =	vperm.xlane v3, v0;
	_ =	sdelay $0x1  }
0x2f1: {  	v3 =	vperm.xlane v3, v2;
	v4 =	vadd.s32 v1, v4;
	_ =	sdelay $0x1  }
0x2f2: {  	v3 =	vadd.s32 v1, v3;
	_ =	sdelay $0x1  }
0x2f3: {  	s1 =	simm.s32 $0xF100  }
0x2f4: {  	[tilespmem:s1], [sflag:$0x1] =	stream.indirect_vreg.gather [hbm4b:s3+s2], $0x80, v4, vm0, $0xb8;
	[tilespmem:$0x10100] =	vst v63  }
0x2f5: {  	s4 =	simm.s32 $0xF900  }
0x2f6: {  	[tilespmem:s4], [sflag:$0x1] =	stream.indirect_vreg.gather [hbm4b:s3+s2], $0x80, v3, vm0, $0xb8;
	[tilespmem:$0x10100] =	vst v63  }
0x2f7: {  	_ =	swait.ge [sflag:s12], $0x10000  }
0x2f8: {  	[sflag:s12] =	ssyncset.done $0x0  }
0x2f9: {  	s13 =	rddreg [dreg:$0xa];
	[sflag:s12] =	ssyncadd.s32 $0xFFFF0000  }
0x2fa: {  	[hbm4b:s13+s2] =	stream.linear.scatter [tilespmem:s6], [sflag:$0x2], $0x10000, $0x38;
	[tilespmem:$0x10100] =	vst v63  }
0x2fb: {  	_ =	swait.ge [sflag:s5], $0x10000  }
0x2fc: {  	[sflag:s5] =	ssyncset.done $0x0  }
0x2fd: {  	s13 =	rddreg [dreg:$0xb];
	[sflag:s5] =	ssyncadd.s32 $0xFFFF0000  }
0x2fe: {  	[tilespmem:s2], [sflag:$0x2] =	stream.linear.gather [hbm4b:s13+s2], $0x100, $0x38;
	[tilespmem:$0x10100] =	vst v63  }
0x2ff: {  	_ =	swait.ge [sflag:s5], $0x100  }
0x300: {  	[sflag:s5] =	ssyncset.done $0x0  }
0x301: {  	[sflag:s5] =	ssyncadd.s32 $0xFFFFFF00  }
0x302: {  	v3 =	vld [tilespmem:$0x0];
	_ =	sdelay $0x4  }
0x303: {  	v56 =	vshll.u32 v3, $0x1  }
0x304: {  	v3 =	vand.u32 $0x7, v3;
	v4 =	vand.u32 $0xFFFFFFF0, v56  }
0x305: {  	v3 =	vor.u32 v3, v4  }
0x306: {  	v4 =	vperm.xlane v3, v0;
	_ =	sdelay $0x1  }
0x307: {  	v3 =	vperm.xlane v3, v2;
	v4 =	vadd.s32 v1, v4;
	_ =	sdelay $0x1  }
0x308: {  	v3 =	vadd.s32 v1, v3;
	_ =	sdelay $0x2  }
0x309: {  	[tilespmem:s6], [sflag:$0x1] =	stream.indirect_vreg.gather [hbm4b:s3+s2], $0x80, v4, vm0, $0xb8;
	[tilespmem:$0x10100] =	vst v63  }
0x30a: {  	s13 =	simm.s32 $0x900  }
0x30b: {  	[tilespmem:s13], [sflag:$0x1] =	stream.indirect_vreg.gather [hbm4b:s3+s2], $0x80, v3, vm0, $0xb8;
	[tilespmem:$0x10100] =	vst v63  }
0x30c: {  	v3 =	vld [tilespmem:$0x10];
	_ =	sdelay $0x4  }
0x30d: {  	v57 =	vshll.u32 v3, $0x1  }
0x30e: {  	v3 =	vand.u32 $0x7, v3;
	v4 =	vand.u32 $0xFFFFFFF0, v57  }
0x30f: {  	v3 =	vor.u32 v3, v4  }
0x310: {  	v4 =	vperm.xlane v3, v0;
	_ =	sdelay $0x1  }
0x311: {  	v3 =	vperm.xlane v3, v2;
	v4 =	vadd.s32 v1, v4;
	_ =	sdelay $0x1  }
0x312: {  	v3 =	vadd.s32 v1, v3;
	_ =	sdelay $0x1  }
0x313: {  	s13 =	simm.s32 $0x1100  }
0x314: {  	[tilespmem:s13], [sflag:$0x1] =	stream.indirect_vreg.gather [hbm4b:s3+s2], $0x80, v4, vm0, $0xb8;
	[tilespmem:$0x10100] =	vst v63  }
0x315: {  	s13 =	simm.s32 $0x1900  }
0x316: {  	[tilespmem:s13], [sflag:$0x1] =	stream.indirect_vreg.gather [hbm4b:s3+s2], $0x80, v3, vm0, $0xb8;
	[tilespmem:$0x10100] =	vst v63  }
0x317: {  	v3 =	vld [tilespmem:$0x20];
	_ =	sdelay $0x4  }
0x318: {  	v58 =	vshll.u32 v3, $0x1  }
0x319: {  	v3 =	vand.u32 $0x7, v3;
	v4 =	vand.u32 $0xFFFFFFF0, v58  }
0x31a: {  	v3 =	vor.u32 v3, v4  }
0x31b: {  	v4 =	vperm.xlane v3, v0;
	_ =	sdelay $0x1  }
0x31c: {  	v3 =	vperm.xlane v3, v2;
	v4 =	vadd.s32 v1, v4;
	_ =	sdelay $0x1  }
0x31d: {  	v3 =	vadd.s32 v1, v3;
	_ =	sdelay $0x1  }
0x31e: {  	s13 =	simm.s32 $0x2100  }
0x31f: {  	[tilespmem:s13], [sflag:$0x1] =	stream.indirect_vreg.gather [hbm4b:s3+s2], $0x80, v4, vm0, $0xb8;
	[tilespmem:$0x10100] =	vst v63  }
0x320: {  	s16 =	simm.s32 $0x2900  }
0x321: {  	[tilespmem:s16], [sflag:$0x1] =	stream.indirect_vreg.gather [hbm4b:s3+s2], $0x80, v3, vm0, $0xb8;
	[tilespmem:$0x10100] =	vst v63  }
0x322: {  	v3 =	vld [tilespmem:$0x30];
	_ =	sdelay $0x4  }
0x323: {  	v59 =	vshll.u32 v3, $0x1  }
0x324: {  	v3 =	vand.u32 $0x7, v3;
	v4 =	vand.u32 $0xFFFFFFF0, v59  }
0x325: {  	v3 =	vor.u32 v3, v4  }
0x326: {  	v4 =	vperm.xlane v3, v0;
	_ =	sdelay $0x1  }
0x327: {  	v3 =	vperm.xlane v3, v2;
	v4 =	vadd.s32 v1, v4;
	_ =	sdelay $0x1  }
0x328: {  	v3 =	vadd.s32 v1, v3;
	_ =	sdelay $0x1  }
0x329: {  	s13 =	simm.s32 $0x3100  }
0x32a: {  	[tilespmem:s13], [sflag:$0x1] =	stream.indirect_vreg.gather [hbm4b:s3+s2], $0x80, v4, vm0, $0xb8;
	[tilespmem:$0x10100] =	vst v63  }
0x32b: {  	s13 =	simm.s32 $0x3900  }
0x32c: {  	[tilespmem:s13], [sflag:$0x1] =	stream.indirect_vreg.gather [hbm4b:s3+s2], $0x80, v3, vm0, $0xb8;
	[tilespmem:$0x10100] =	vst v63  }
0x32d: {  	v3 =	vld [tilespmem:$0x40];
	_ =	sdelay $0x4  }
0x32e: {  	v60 =	vshll.u32 v3, $0x1  }
0x32f: {  	v3 =	vand.u32 $0x7, v3;
	v4 =	vand.u32 $0xFFFFFFF0, v60  }
0x330: {  	v3 =	vor.u32 v3, v4  }
0x331: {  	v4 =	vperm.xlane v3, v0;
	_ =	sdelay $0x1  }
0x332: {  	v3 =	vperm.xlane v3, v2;
	v4 =	vadd.s32 v1, v4;
	_ =	sdelay $0x1  }
0x333: {  	v3 =	vadd.s32 v1, v3;
	_ =	sdelay $0x1  }
0x334: {  	s20 =	simm.s32 $0x4100  }
0x335: {  	[tilespmem:s20], [sflag:$0x1] =	stream.indirect_vreg.gather [hbm4b:s3+s2], $0x80, v4, vm0, $0xb8;
	[tilespmem:$0x10100] =	vst v63  }
0x336: {  	s21 =	simm.s32 $0x4900  }
0x337: {  	[tilespmem:s21], [sflag:$0x1] =	stream.indirect_vreg.gather [hbm4b:s3+s2], $0x80, v3, vm0, $0xb8;
	[tilespmem:$0x10100] =	vst v63  }
0x338: {  	v3 =	vld [tilespmem:$0x50];
	_ =	sdelay $0x4  }
0x339: {  	v61 =	vshll.u32 v3, $0x1  }
0x33a: {  	v3 =	vand.u32 $0x7, v3;
	v4 =	vand.u32 $0xFFFFFFF0, v61  }
0x33b: {  	v3 =	vor.u32 v3, v4  }
0x33c: {  	v4 =	vperm.xlane v3, v0;
	_ =	sdelay $0x1  }
0x33d: {  	v3 =	vperm.xlane v3, v2;
	v4 =	vadd.s32 v1, v4;
	_ =	sdelay $0x1  }
0x33e: {  	v3 =	vadd.s32 v1, v3;
	_ =	sdelay $0x1  }
0x33f: {  	s22 =	simm.s32 $0x5100  }
0x340: {  	[tilespmem:s22], [sflag:$0x1] =	stream.indirect_vreg.gather [hbm4b:s3+s2], $0x80, v4, vm0, $0xb8;
	[tilespmem:$0x10100] =	vst v63  }
0x341: {  	s23 =	simm.s32 $0x5900  }
0x342: {  	[tilespmem:s23], [sflag:$0x1] =	stream.indirect_vreg.gather [hbm4b:s3+s2], $0x80, v3, vm0, $0xb8;
	[tilespmem:$0x10100] =	vst v63  }
0x343: {  	v3 =	vld [tilespmem:$0x60];
	_ =	sdelay $0x4  }
0x344: {  	v62 =	vshll.u32 v3, $0x1  }
0x345: {  	v3 =	vand.u32 $0x7, v3;
	v4 =	vand.u32 $0xFFFFFFF0, v62  }
0x346: {  	v3 =	vor.u32 v3, v4  }
0x347: {  	v4 =	vperm.xlane v3, v0;
	_ =	sdelay $0x1  }
0x348: {  	v3 =	vperm.xlane v3, v2;
	v4 =	vadd.s32 v1, v4;
	_ =	sdelay $0x1  }
0x349: {  	v3 =	vadd.s32 v1, v3;
	_ =	sdelay $0x1  }
0x34a: {  	s24 =	simm.s32 $0x6100  }
0x34b: {  	[tilespmem:s24], [sflag:$0x1] =	stream.indirect_vreg.gather [hbm4b:s3+s2], $0x80, v4, vm0, $0xb8;
	[tilespmem:$0x10100] =	vst v63  }
0x34c: {  	s25 =	simm.s32 $0x6900  }
0x34d: {  	[tilespmem:s25], [sflag:$0x1] =	stream.indirect_vreg.gather [hbm4b:s3+s2], $0x80, v3, vm0, $0xb8;
	[tilespmem:$0x10100] =	vst v63  }
0x34e: {  	v3 =	vld [tilespmem:$0x70];
	_ =	sdelay $0x4  }
0x34f: {  	v63 =	vshll.u32 v3, $0x1  }
0x350: {  	v3 =	vand.u32 $0x7, v3;
	v4 =	vand.u32 $0xFFFFFFF0, v63  }
0x351: {  	v3 =	vor.u32 v3, v4  }
0x352: {  	v4 =	vperm.xlane v3, v0;
	_ =	sdelay $0x1  }
0x353: {  	v3 =	vperm.xlane v3, v2;
	v4 =	vadd.s32 v1, v4;
	_ =	sdelay $0x1  }
0x354: {  	v3 =	vadd.s32 v1, v3;
	_ =	sdelay $0x1  }
0x355: {  	s26 =	simm.s32 $0x7100  }
0x356: {  	[tilespmem:s26], [sflag:$0x1] =	stream.indirect_vreg.gather [hbm4b:s3+s2], $0x80, v4, vm0, $0xb8;
	[tilespmem:$0x10100] =	vst v63  }
0x357: {  	s28 =	simm.s32 $0x7900  }
0x358: {  	[tilespmem:s28], [sflag:$0x1] =	stream.indirect_vreg.gather [hbm4b:s3+s2], $0x80, v3, vm0, $0xb8;
	[tilespmem:$0x10100] =	vst v63  }
0x359: {  	v3 =	vld [tilespmem:$0x80];
	_ =	sdelay $0x4  }
0x35a: {  	v8 =	vshll.u32 v3, $0x1  }
0x35b: {  	v3 =	vand.u32 $0x7, v3;
	v4 =	vand.u32 $0xFFFFFFF0, v8  }
0x35c: {  	v3 =	vor.u32 v3, v4  }
0x35d: {  	v4 =	vperm.xlane v3, v0;
	_ =	sdelay $0x1  }
0x35e: {  	v3 =	vperm.xlane v3, v2;
	v4 =	vadd.s32 v1, v4;
	_ =	sdelay $0x1  }
0x35f: {  	v3 =	vadd.s32 v1, v3;
	_ =	sdelay $0x1  }
0x360: {  	s29 =	simm.s32 $0x8100  }
0x361: {  	[tilespmem:s29], [sflag:$0x1] =	stream.indirect_vreg.gather [hbm4b:s3+s2], $0x80, v4, vm0, $0xb8;
	[tilespmem:$0x10100] =	vst v63  }
0x362: {  	s30 =	simm.s32 $0x8900  }
0x363: {  	[tilespmem:s30], [sflag:$0x1] =	stream.indirect_vreg.gather [hbm4b:s3+s2], $0x80, v3, vm0, $0xb8;
	[tilespmem:$0x10100] =	vst v63  }
0x364: {  	v3 =	vld [tilespmem:$0x90];
	_ =	sdelay $0x4  }
0x365: {  	v9 =	vshll.u32 v3, $0x1  }
0x366: {  	v3 =	vand.u32 $0x7, v3;
	v4 =	vand.u32 $0xFFFFFFF0, v9  }
0x367: {  	v3 =	vor.u32 v3, v4  }
0x368: {  	v4 =	vperm.xlane v3, v0;
	_ =	sdelay $0x1  }
0x369: {  	v3 =	vperm.xlane v3, v2;
	v4 =	vadd.s32 v1, v4;
	_ =	sdelay $0x1  }
0x36a: {  	v3 =	vadd.s32 v1, v3;
	_ =	sdelay $0x1  }
0x36b: {  	s31 =	simm.s32 $0x9100  }
0x36c: {  	[tilespmem:s31], [sflag:$0x1] =	stream.indirect_vreg.gather [hbm4b:s3+s2], $0x80, v4, vm0, $0xb8;
	[tilespmem:$0x10100] =	vst v63  }
0x36d: {  	s7 =	simm.s32 $0x9900  }
0x36e: {  	[tilespmem:s7], [sflag:$0x1] =	stream.indirect_vreg.gather [hbm4b:s3+s2], $0x80, v3, vm0, $0xb8;
	[tilespmem:$0x10100] =	vst v63  }
0x36f: {  	v3 =	vld [tilespmem:$0xA0];
	_ =	sdelay $0x4  }
0x370: {  	v10 =	vshll.u32 v3, $0x1  }
0x371: {  	v3 =	vand.u32 $0x7, v3;
	v4 =	vand.u32 $0xFFFFFFF0, v10  }
0x372: {  	v3 =	vor.u32 v3, v4  }
0x373: {  	v4 =	vperm.xlane v3, v0;
	_ =	sdelay $0x1  }
0x374: {  	v3 =	vperm.xlane v3, v2;
	v4 =	vadd.s32 v1, v4;
	_ =	sdelay $0x1  }
0x375: {  	v3 =	vadd.s32 v1, v3;
	_ =	sdelay $0x1  }
0x376: {  	s8 =	simm.s32 $0xA100  }
0x377: {  	[tilespmem:s8], [sflag:$0x1] =	stream.indirect_vreg.gather [hbm4b:s3+s2], $0x80, v4, vm0, $0xb8;
	[tilespmem:$0x10100] =	vst v63  }
0x378: {  	s15 =	simm.s32 $0xA900  }
0x379: {  	[tilespmem:s15], [sflag:$0x1] =	stream.indirect_vreg.gather [hbm4b:s3+s2], $0x80, v3, vm0, $0xb8;
	[tilespmem:$0x10100] =	vst v63  }
0x37a: {  	v3 =	vld [tilespmem:$0xB0];
	_ =	sdelay $0x4  }
0x37b: {  	v11 =	vshll.u32 v3, $0x1  }
0x37c: {  	v3 =	vand.u32 $0x7, v3;
	v4 =	vand.u32 $0xFFFFFFF0, v11  }
0x37d: {  	v3 =	vor.u32 v3, v4  }
0x37e: {  	v4 =	vperm.xlane v3, v0;
	_ =	sdelay $0x1  }
0x37f: {  	v3 =	vperm.xlane v3, v2;
	v4 =	vadd.s32 v1, v4;
	_ =	sdelay $0x1  }
0x380: {  	v3 =	vadd.s32 v1, v3;
	_ =	sdelay $0x1  }
0x381: {  	s17 =	simm.s32 $0xB100  }
0x382: {  	[tilespmem:s17], [sflag:$0x1] =	stream.indirect_vreg.gather [hbm4b:s3+s2], $0x80, v4, vm0, $0xb8;
	[tilespmem:$0x10100] =	vst v63  }
0x383: {  	s9 =	simm.s32 $0xB900  }
0x384: {  	[tilespmem:s9], [sflag:$0x1] =	stream.indirect_vreg.gather [hbm4b:s3+s2], $0x80, v3, vm0, $0xb8;
	[tilespmem:$0x10100] =	vst v63  }
0x385: {  	v3 =	vld [tilespmem:$0xC0];
	_ =	sdelay $0x4  }
0x386: {  	v12 =	vshll.u32 v3, $0x1  }
0x387: {  	v3 =	vand.u32 $0x7, v3;
	v4 =	vand.u32 $0xFFFFFFF0, v12  }
0x388: {  	v3 =	vor.u32 v3, v4  }
0x389: {  	v4 =	vperm.xlane v3, v0;
	_ =	sdelay $0x1  }
0x38a: {  	v3 =	vperm.xlane v3, v2;
	v4 =	vadd.s32 v1, v4;
	_ =	sdelay $0x1  }
0x38b: {  	v3 =	vadd.s32 v1, v3;
	_ =	sdelay $0x1  }
0x38c: {  	s18 =	simm.s32 $0xC100  }
0x38d: {  	[tilespmem:s18], [sflag:$0x1] =	stream.indirect_vreg.gather [hbm4b:s3+s2], $0x80, v4, vm0, $0xb8;
	[tilespmem:$0x10100] =	vst v63  }
0x38e: {  	s11 =	simm.s32 $0xC900  }
0x38f: {  	[tilespmem:s11], [sflag:$0x1] =	stream.indirect_vreg.gather [hbm4b:s3+s2], $0x80, v3, vm0, $0xb8;
	[tilespmem:$0x10100] =	vst v63  }
0x390: {  	v3 =	vld [tilespmem:$0xD0];
	_ =	sdelay $0x4  }
0x391: {  	v13 =	vshll.u32 v3, $0x1  }
0x392: {  	v3 =	vand.u32 $0x7, v3;
	v4 =	vand.u32 $0xFFFFFFF0, v13  }
0x393: {  	v3 =	vor.u32 v3, v4  }
0x394: {  	v4 =	vperm.xlane v3, v0;
	_ =	sdelay $0x1  }
0x395: {  	v3 =	vperm.xlane v3, v2;
	v4 =	vadd.s32 v1, v4;
	_ =	sdelay $0x1  }
0x396: {  	v3 =	vadd.s32 v1, v3;
	_ =	sdelay $0x1  }
0x397: {  	s0 =	simm.s32 $0xD100  }
0x398: {  	[tilespmem:s0], [sflag:$0x1] =	stream.indirect_vreg.gather [hbm4b:s3+s2], $0x80, v4, vm0, $0xb8;
	[tilespmem:$0x10100] =	vst v63  }
0x399: {  	s19 =	simm.s32 $0xD900  }
0x39a: {  	[tilespmem:s19], [sflag:$0x1] =	stream.indirect_vreg.gather [hbm4b:s3+s2], $0x80, v3, vm0, $0xb8;
	[tilespmem:$0x10100] =	vst v63  }
0x39b: {  	v3 =	vld [tilespmem:$0xE0];
	_ =	sdelay $0x4  }
0x39c: {  	v14 =	vshll.u32 v3, $0x1  }
0x39d: {  	v3 =	vand.u32 $0x7, v3;
	v4 =	vand.u32 $0xFFFFFFF0, v14  }
0x39e: {  	v3 =	vor.u32 v3, v4  }
0x39f: {  	v4 =	vperm.xlane v3, v0;
	_ =	sdelay $0x1  }
0x3a0: {  	v3 =	vperm.xlane v3, v2;
	v4 =	vadd.s32 v1, v4;
	_ =	sdelay $0x1  }
0x3a1: {  	v3 =	vadd.s32 v1, v3;
	_ =	sdelay $0x1  }
0x3a2: {  	s10 =	simm.s32 $0xE100  }
0x3a3: {  	[tilespmem:s10], [sflag:$0x1] =	stream.indirect_vreg.gather [hbm4b:s3+s2], $0x80, v4, vm0, $0xb8;
	[tilespmem:$0x10100] =	vst v63  }
0x3a4: {  	s14 =	simm.s32 $0xE900  }
0x3a5: {  	[tilespmem:s14], [sflag:$0x1] =	stream.indirect_vreg.gather [hbm4b:s3+s2], $0x80, v3, vm0, $0xb8;
	[tilespmem:$0x10100] =	vst v63  }
0x3a6: {  	v3 =	vld [tilespmem:$0xF0];
	_ =	sdelay $0x4  }
0x3a7: {  	v15 =	vshll.u32 v3, $0x1  }
0x3a8: {  	v3 =	vand.u32 $0x7, v3;
	v4 =	vand.u32 $0xFFFFFFF0, v15  }
0x3a9: {  	v3 =	vor.u32 v3, v4  }
0x3aa: {  	v4 =	vperm.xlane v3, v0;
	_ =	sdelay $0x1  }
0x3ab: {  	v3 =	vperm.xlane v3, v2;
	v4 =	vadd.s32 v1, v4;
	_ =	sdelay $0x1  }
0x3ac: {  	v3 =	vadd.s32 v1, v3;
	_ =	sdelay $0x1  }
0x3ad: {  	s1 =	simm.s32 $0xF100  }
0x3ae: {  	[tilespmem:s1], [sflag:$0x1] =	stream.indirect_vreg.gather [hbm4b:s3+s2], $0x80, v4, vm0, $0xb8;
	[tilespmem:$0x10100] =	vst v63  }
0x3af: {  	s4 =	simm.s32 $0xF900  }
0x3b0: {  	[tilespmem:s4], [sflag:$0x1] =	stream.indirect_vreg.gather [hbm4b:s3+s2], $0x80, v3, vm0, $0xb8;
	[tilespmem:$0x10100] =	vst v63  }
0x3b1: {  	_ =	swait.ge [sflag:s12], $0x10000  }
0x3b2: {  	[sflag:s12] =	ssyncset.done $0x0  }
0x3b3: {  	s13 =	rddreg [dreg:$0xc];
	[sflag:s12] =	ssyncadd.s32 $0xFFFF0000  }
0x3b4: {  	[hbm4b:s13+s2] =	stream.linear.scatter [tilespmem:s6], [sflag:$0x2], $0x10000, $0x38;
	[tilespmem:$0x10100] =	vst v63  }
0x3b5: {  	_ =	swait.ge [sflag:s5], $0x10000  }
0x3b6: {  	[sflag:s5] =	ssyncset.done $0x0  }
0x3b7: {  	s13 =	rddreg [dreg:$0xd];
	[sflag:s5] =	ssyncadd.s32 $0xFFFF0000  }
0x3b8: {  	[tilespmem:s2], [sflag:$0x2] =	stream.linear.gather [hbm4b:s13+s2], $0x100, $0x38;
	[tilespmem:$0x10100] =	vst v63  }
0x3b9: {  	_ =	swait.ge [sflag:s5], $0x100  }
0x3ba: {  	[sflag:s5] =	ssyncset.done $0x0  }
0x3bb: {  	[sflag:s5] =	ssyncadd.s32 $0xFFFFFF00  }
0x3bc: {  	v3 =	vld [tilespmem:$0x0];
	_ =	sdelay $0x4  }
0x3bd: {  	v16 =	vshll.u32 v3, $0x1  }
0x3be: {  	v3 =	vand.u32 $0x7, v3;
	v4 =	vand.u32 $0xFFFFFFF0, v16  }
0x3bf: {  	v3 =	vor.u32 v3, v4  }
0x3c0: {  	v4 =	vperm.xlane v3, v0;
	_ =	sdelay $0x1  }
0x3c1: {  	v3 =	vperm.xlane v3, v2;
	v4 =	vadd.s32 v1, v4;
	_ =	sdelay $0x1  }
0x3c2: {  	v3 =	vadd.s32 v1, v3;
	_ =	sdelay $0x2  }
0x3c3: {  	[tilespmem:s6], [sflag:$0x1] =	stream.indirect_vreg.gather [hbm4b:s3+s2], $0x80, v4, vm0, $0xb8;
	[tilespmem:$0x10100] =	vst v63  }
0x3c4: {  	s13 =	simm.s32 $0x900  }
0x3c5: {  	[tilespmem:s13], [sflag:$0x1] =	stream.indirect_vreg.gather [hbm4b:s3+s2], $0x80, v3, vm0, $0xb8;
	[tilespmem:$0x10100] =	vst v63  }
0x3c6: {  	v3 =	vld [tilespmem:$0x10];
	_ =	sdelay $0x4  }
0x3c7: {  	v17 =	vshll.u32 v3, $0x1  }
0x3c8: {  	v3 =	vand.u32 $0x7, v3;
	v4 =	vand.u32 $0xFFFFFFF0, v17  }
0x3c9: {  	v3 =	vor.u32 v3, v4  }
0x3ca: {  	v4 =	vperm.xlane v3, v0;
	_ =	sdelay $0x1  }
0x3cb: {  	v3 =	vperm.xlane v3, v2;
	v4 =	vadd.s32 v1, v4;
	_ =	sdelay $0x1  }
0x3cc: {  	v3 =	vadd.s32 v1, v3;
	_ =	sdelay $0x1  }
0x3cd: {  	s13 =	simm.s32 $0x1100  }
0x3ce: {  	[tilespmem:s13], [sflag:$0x1] =	stream.indirect_vreg.gather [hbm4b:s3+s2], $0x80, v4, vm0, $0xb8;
	[tilespmem:$0x10100] =	vst v63  }
0x3cf: {  	s13 =	simm.s32 $0x1900  }
0x3d0: {  	[tilespmem:s13], [sflag:$0x1] =	stream.indirect_vreg.gather [hbm4b:s3+s2], $0x80, v3, vm0, $0xb8;
	[tilespmem:$0x10100] =	vst v63  }
0x3d1: {  	v3 =	vld [tilespmem:$0x20];
	_ =	sdelay $0x4  }
0x3d2: {  	v18 =	vshll.u32 v3, $0x1  }
0x3d3: {  	v3 =	vand.u32 $0x7, v3;
	v4 =	vand.u32 $0xFFFFFFF0, v18  }
0x3d4: {  	v3 =	vor.u32 v3, v4  }
0x3d5: {  	v4 =	vperm.xlane v3, v0;
	_ =	sdelay $0x1  }
0x3d6: {  	v3 =	vperm.xlane v3, v2;
	v4 =	vadd.s32 v1, v4;
	_ =	sdelay $0x1  }
0x3d7: {  	v3 =	vadd.s32 v1, v3;
	_ =	sdelay $0x1  }
0x3d8: {  	s13 =	simm.s32 $0x2100  }
0x3d9: {  	[tilespmem:s13], [sflag:$0x1] =	stream.indirect_vreg.gather [hbm4b:s3+s2], $0x80, v4, vm0, $0xb8;
	[tilespmem:$0x10100] =	vst v63  }
0x3da: {  	s16 =	simm.s32 $0x2900  }
0x3db: {  	[tilespmem:s16], [sflag:$0x1] =	stream.indirect_vreg.gather [hbm4b:s3+s2], $0x80, v3, vm0, $0xb8;
	[tilespmem:$0x10100] =	vst v63  }
0x3dc: {  	v3 =	vld [tilespmem:$0x30];
	_ =	sdelay $0x4  }
0x3dd: {  	v19 =	vshll.u32 v3, $0x1  }
0x3de: {  	v3 =	vand.u32 $0x7, v3;
	v4 =	vand.u32 $0xFFFFFFF0, v19  }
0x3df: {  	v3 =	vor.u32 v3, v4  }
0x3e0: {  	v4 =	vperm.xlane v3, v0;
	_ =	sdelay $0x1  }
0x3e1: {  	v3 =	vperm.xlane v3, v2;
	v4 =	vadd.s32 v1, v4;
	_ =	sdelay $0x1  }
0x3e2: {  	v3 =	vadd.s32 v1, v3;
	_ =	sdelay $0x1  }
0x3e3: {  	s13 =	simm.s32 $0x3100  }
0x3e4: {  	[tilespmem:s13], [sflag:$0x1] =	stream.indirect_vreg.gather [hbm4b:s3+s2], $0x80, v4, vm0, $0xb8;
	[tilespmem:$0x10100] =	vst v63  }
0x3e5: {  	s13 =	simm.s32 $0x3900  }
0x3e6: {  	[tilespmem:s13], [sflag:$0x1] =	stream.indirect_vreg.gather [hbm4b:s3+s2], $0x80, v3, vm0, $0xb8;
	[tilespmem:$0x10100] =	vst v63  }
0x3e7: {  	v3 =	vld [tilespmem:$0x40];
	_ =	sdelay $0x4  }
0x3e8: {  	v20 =	vshll.u32 v3, $0x1  }
0x3e9: {  	v3 =	vand.u32 $0x7, v3;
	v4 =	vand.u32 $0xFFFFFFF0, v20  }
0x3ea: {  	v3 =	vor.u32 v3, v4  }
0x3eb: {  	v4 =	vperm.xlane v3, v0;
	_ =	sdelay $0x1  }
0x3ec: {  	v3 =	vperm.xlane v3, v2;
	v4 =	vadd.s32 v1, v4;
	_ =	sdelay $0x1  }
0x3ed: {  	v3 =	vadd.s32 v1, v3;
	_ =	sdelay $0x1  }
0x3ee: {  	s20 =	simm.s32 $0x4100  }
0x3ef: {  	[tilespmem:s20], [sflag:$0x1] =	stream.indirect_vreg.gather [hbm4b:s3+s2], $0x80, v4, vm0, $0xb8;
	[tilespmem:$0x10100] =	vst v63  }
0x3f0: {  	s21 =	simm.s32 $0x4900  }
0x3f1: {  	[tilespmem:s21], [sflag:$0x1] =	stream.indirect_vreg.gather [hbm4b:s3+s2], $0x80, v3, vm0, $0xb8;
	[tilespmem:$0x10100] =	vst v63  }
0x3f2: {  	v3 =	vld [tilespmem:$0x50];
	_ =	sdelay $0x4  }
0x3f3: {  	v21 =	vshll.u32 v3, $0x1  }
0x3f4: {  	v3 =	vand.u32 $0x7, v3;
	v4 =	vand.u32 $0xFFFFFFF0, v21  }
0x3f5: {  	v3 =	vor.u32 v3, v4  }
0x3f6: {  	v4 =	vperm.xlane v3, v0;
	_ =	sdelay $0x1  }
0x3f7: {  	v3 =	vperm.xlane v3, v2;
	v4 =	vadd.s32 v1, v4;
	_ =	sdelay $0x1  }
0x3f8: {  	v3 =	vadd.s32 v1, v3;
	_ =	sdelay $0x1  }
0x3f9: {  	s22 =	simm.s32 $0x5100  }
0x3fa: {  	[tilespmem:s22], [sflag:$0x1] =	stream.indirect_vreg.gather [hbm4b:s3+s2], $0x80, v4, vm0, $0xb8;
	[tilespmem:$0x10100] =	vst v63  }
0x3fb: {  	s23 =	simm.s32 $0x5900  }
0x3fc: {  	[tilespmem:s23], [sflag:$0x1] =	stream.indirect_vreg.gather [hbm4b:s3+s2], $0x80, v3, vm0, $0xb8;
	[tilespmem:$0x10100] =	vst v63  }
0x3fd: {  	v3 =	vld [tilespmem:$0x60];
	_ =	sdelay $0x4  }
0x3fe: {  	v22 =	vshll.u32 v3, $0x1  }
0x3ff: {  	v3 =	vand.u32 $0x7, v3;
	v4 =	vand.u32 $0xFFFFFFF0, v22  }
0x400: {  	v3 =	vor.u32 v3, v4  }
0x401: {  	v4 =	vperm.xlane v3, v0;
	_ =	sdelay $0x1  }
0x402: {  	v3 =	vperm.xlane v3, v2;
	v4 =	vadd.s32 v1, v4;
	_ =	sdelay $0x1  }
0x403: {  	v3 =	vadd.s32 v1, v3;
	_ =	sdelay $0x1  }
0x404: {  	s24 =	simm.s32 $0x6100  }
0x405: {  	[tilespmem:s24], [sflag:$0x1] =	stream.indirect_vreg.gather [hbm4b:s3+s2], $0x80, v4, vm0, $0xb8;
	[tilespmem:$0x10100] =	vst v63  }
0x406: {  	s25 =	simm.s32 $0x6900  }
0x407: {  	[tilespmem:s25], [sflag:$0x1] =	stream.indirect_vreg.gather [hbm4b:s3+s2], $0x80, v3, vm0, $0xb8;
	[tilespmem:$0x10100] =	vst v63  }
0x408: {  	v3 =	vld [tilespmem:$0x70];
	_ =	sdelay $0x4  }
0x409: {  	v23 =	vshll.u32 v3, $0x1  }
0x40a: {  	v3 =	vand.u32 $0x7, v3;
	v4 =	vand.u32 $0xFFFFFFF0, v23  }
0x40b: {  	v3 =	vor.u32 v3, v4  }
0x40c: {  	v4 =	vperm.xlane v3, v0;
	_ =	sdelay $0x1  }
0x40d: {  	v3 =	vperm.xlane v3, v2;
	v4 =	vadd.s32 v1, v4;
	_ =	sdelay $0x1  }
0x40e: {  	v3 =	vadd.s32 v1, v3;
	_ =	sdelay $0x1  }
0x40f: {  	s26 =	simm.s32 $0x7100  }
0x410: {  	[tilespmem:s26], [sflag:$0x1] =	stream.indirect_vreg.gather [hbm4b:s3+s2], $0x80, v4, vm0, $0xb8;
	[tilespmem:$0x10100] =	vst v63  }
0x411: {  	s28 =	simm.s32 $0x7900  }
0x412: {  	[tilespmem:s28], [sflag:$0x1] =	stream.indirect_vreg.gather [hbm4b:s3+s2], $0x80, v3, vm0, $0xb8;
	[tilespmem:$0x10100] =	vst v63  }
0x413: {  	v3 =	vld [tilespmem:$0x80];
	_ =	sdelay $0x4  }
0x414: {  	v24 =	vshll.u32 v3, $0x1  }
0x415: {  	v3 =	vand.u32 $0x7, v3;
	v4 =	vand.u32 $0xFFFFFFF0, v24  }
0x416: {  	v3 =	vor.u32 v3, v4  }
0x417: {  	v4 =	vperm.xlane v3, v0;
	_ =	sdelay $0x1  }
0x418: {  	v3 =	vperm.xlane v3, v2;
	v4 =	vadd.s32 v1, v4;
	_ =	sdelay $0x1  }
0x419: {  	v3 =	vadd.s32 v1, v3;
	_ =	sdelay $0x1  }
0x41a: {  	s29 =	simm.s32 $0x8100  }
0x41b: {  	[tilespmem:s29], [sflag:$0x1] =	stream.indirect_vreg.gather [hbm4b:s3+s2], $0x80, v4, vm0, $0xb8;
	[tilespmem:$0x10100] =	vst v63  }
0x41c: {  	s30 =	simm.s32 $0x8900  }
0x41d: {  	[tilespmem:s30], [sflag:$0x1] =	stream.indirect_vreg.gather [hbm4b:s3+s2], $0x80, v3, vm0, $0xb8;
	[tilespmem:$0x10100] =	vst v63  }
0x41e: {  	v3 =	vld [tilespmem:$0x90];
	_ =	sdelay $0x4  }
0x41f: {  	v25 =	vshll.u32 v3, $0x1  }
0x420: {  	v3 =	vand.u32 $0x7, v3;
	v4 =	vand.u32 $0xFFFFFFF0, v25  }
0x421: {  	v3 =	vor.u32 v3, v4  }
0x422: {  	v4 =	vperm.xlane v3, v0;
	_ =	sdelay $0x1  }
0x423: {  	v3 =	vperm.xlane v3, v2;
	v4 =	vadd.s32 v1, v4;
	_ =	sdelay $0x1  }
0x424: {  	v3 =	vadd.s32 v1, v3;
	_ =	sdelay $0x1  }
0x425: {  	s31 =	simm.s32 $0x9100  }
0x426: {  	[tilespmem:s31], [sflag:$0x1] =	stream.indirect_vreg.gather [hbm4b:s3+s2], $0x80, v4, vm0, $0xb8;
	[tilespmem:$0x10100] =	vst v63  }
0x427: {  	s7 =	simm.s32 $0x9900  }
0x428: {  	[tilespmem:s7], [sflag:$0x1] =	stream.indirect_vreg.gather [hbm4b:s3+s2], $0x80, v3, vm0, $0xb8;
	[tilespmem:$0x10100] =	vst v63  }
0x429: {  	v3 =	vld [tilespmem:$0xA0];
	_ =	sdelay $0x4  }
0x42a: {  	v26 =	vshll.u32 v3, $0x1  }
0x42b: {  	v3 =	vand.u32 $0x7, v3;
	v4 =	vand.u32 $0xFFFFFFF0, v26  }
0x42c: {  	v3 =	vor.u32 v3, v4  }
0x42d: {  	v4 =	vperm.xlane v3, v0;
	_ =	sdelay $0x1  }
0x42e: {  	v3 =	vperm.xlane v3, v2;
	v4 =	vadd.s32 v1, v4;
	_ =	sdelay $0x1  }
0x42f: {  	v3 =	vadd.s32 v1, v3;
	_ =	sdelay $0x1  }
0x430: {  	s8 =	simm.s32 $0xA100  }
0x431: {  	[tilespmem:s8], [sflag:$0x1] =	stream.indirect_vreg.gather [hbm4b:s3+s2], $0x80, v4, vm0, $0xb8;
	[tilespmem:$0x10100] =	vst v63  }
0x432: {  	s15 =	simm.s32 $0xA900  }
0x433: {  	[tilespmem:s15], [sflag:$0x1] =	stream.indirect_vreg.gather [hbm4b:s3+s2], $0x80, v3, vm0, $0xb8;
	[tilespmem:$0x10100] =	vst v63  }
0x434: {  	v3 =	vld [tilespmem:$0xB0];
	_ =	sdelay $0x4  }
0x435: {  	v27 =	vshll.u32 v3, $0x1  }
0x436: {  	v3 =	vand.u32 $0x7, v3;
	v4 =	vand.u32 $0xFFFFFFF0, v27  }
0x437: {  	v3 =	vor.u32 v3, v4  }
0x438: {  	v4 =	vperm.xlane v3, v0;
	_ =	sdelay $0x1  }
0x439: {  	v3 =	vperm.xlane v3, v2;
	v4 =	vadd.s32 v1, v4;
	_ =	sdelay $0x1  }
0x43a: {  	v3 =	vadd.s32 v1, v3;
	_ =	sdelay $0x1  }
0x43b: {  	s17 =	simm.s32 $0xB100  }
0x43c: {  	[tilespmem:s17], [sflag:$0x1] =	stream.indirect_vreg.gather [hbm4b:s3+s2], $0x80, v4, vm0, $0xb8;
	[tilespmem:$0x10100] =	vst v63  }
0x43d: {  	s9 =	simm.s32 $0xB900  }
0x43e: {  	[tilespmem:s9], [sflag:$0x1] =	stream.indirect_vreg.gather [hbm4b:s3+s2], $0x80, v3, vm0, $0xb8;
	[tilespmem:$0x10100] =	vst v63  }
0x43f: {  	v3 =	vld [tilespmem:$0xC0];
	_ =	sdelay $0x4  }
0x440: {  	v28 =	vshll.u32 v3, $0x1  }
0x441: {  	v3 =	vand.u32 $0x7, v3;
	v4 =	vand.u32 $0xFFFFFFF0, v28  }
0x442: {  	v3 =	vor.u32 v3, v4  }
0x443: {  	v4 =	vperm.xlane v3, v0;
	_ =	sdelay $0x1  }
0x444: {  	v3 =	vperm.xlane v3, v2;
	v4 =	vadd.s32 v1, v4;
	_ =	sdelay $0x1  }
0x445: {  	v3 =	vadd.s32 v1, v3;
	_ =	sdelay $0x1  }
0x446: {  	s18 =	simm.s32 $0xC100  }
0x447: {  	[tilespmem:s18], [sflag:$0x1] =	stream.indirect_vreg.gather [hbm4b:s3+s2], $0x80, v4, vm0, $0xb8;
	[tilespmem:$0x10100] =	vst v63  }
0x448: {  	s11 =	simm.s32 $0xC900  }
0x449: {  	[tilespmem:s11], [sflag:$0x1] =	stream.indirect_vreg.gather [hbm4b:s3+s2], $0x80, v3, vm0, $0xb8;
	[tilespmem:$0x10100] =	vst v63  }
0x44a: {  	v3 =	vld [tilespmem:$0xD0];
	_ =	sdelay $0x4  }
0x44b: {  	v29 =	vshll.u32 v3, $0x1  }
0x44c: {  	v3 =	vand.u32 $0x7, v3;
	v4 =	vand.u32 $0xFFFFFFF0, v29  }
0x44d: {  	v3 =	vor.u32 v3, v4  }
0x44e: {  	v4 =	vperm.xlane v3, v0;
	_ =	sdelay $0x1  }
0x44f: {  	v3 =	vperm.xlane v3, v2;
	v4 =	vadd.s32 v1, v4;
	_ =	sdelay $0x1  }
0x450: {  	v3 =	vadd.s32 v1, v3;
	_ =	sdelay $0x1  }
0x451: {  	s0 =	simm.s32 $0xD100  }
0x452: {  	[tilespmem:s0], [sflag:$0x1] =	stream.indirect_vreg.gather [hbm4b:s3+s2], $0x80, v4, vm0, $0xb8;
	[tilespmem:$0x10100] =	vst v63  }
0x453: {  	s19 =	simm.s32 $0xD900  }
0x454: {  	[tilespmem:s19], [sflag:$0x1] =	stream.indirect_vreg.gather [hbm4b:s3+s2], $0x80, v3, vm0, $0xb8;
	[tilespmem:$0x10100] =	vst v63  }
0x455: {  	v3 =	vld [tilespmem:$0xE0];
	_ =	sdelay $0x4  }
0x456: {  	v30 =	vshll.u32 v3, $0x1  }
0x457: {  	v3 =	vand.u32 $0x7, v3;
	v4 =	vand.u32 $0xFFFFFFF0, v30  }
0x458: {  	v3 =	vor.u32 v3, v4  }
0x459: {  	v4 =	vperm.xlane v3, v0;
	_ =	sdelay $0x1  }
0x45a: {  	v3 =	vperm.xlane v3, v2;
	v4 =	vadd.s32 v1, v4;
	_ =	sdelay $0x1  }
0x45b: {  	v3 =	vadd.s32 v1, v3;
	_ =	sdelay $0x1  }
0x45c: {  	s10 =	simm.s32 $0xE100  }
0x45d: {  	[tilespmem:s10], [sflag:$0x1] =	stream.indirect_vreg.gather [hbm4b:s3+s2], $0x80, v4, vm0, $0xb8;
	[tilespmem:$0x10100] =	vst v63  }
0x45e: {  	s14 =	simm.s32 $0xE900  }
0x45f: {  	[tilespmem:s14], [sflag:$0x1] =	stream.indirect_vreg.gather [hbm4b:s3+s2], $0x80, v3, vm0, $0xb8;
	[tilespmem:$0x10100] =	vst v63  }
0x460: {  	v3 =	vld [tilespmem:$0xF0];
	_ =	sdelay $0x4  }
0x461: {  	v31 =	vshll.u32 v3, $0x1  }
0x462: {  	v3 =	vand.u32 $0x7, v3;
	v4 =	vand.u32 $0xFFFFFFF0, v31  }
0x463: {  	v3 =	vor.u32 v3, v4  }
0x464: {  	v4 =	vperm.xlane v3, v0;
	_ =	sdelay $0x1  }
0x465: {  	v3 =	vperm.xlane v3, v2;
	v4 =	vadd.s32 v1, v4;
	_ =	sdelay $0x1  }
0x466: {  	v3 =	vadd.s32 v1, v3;
	_ =	sdelay $0x1  }
0x467: {  	s1 =	simm.s32 $0xF100  }
0x468: {  	[tilespmem:s1], [sflag:$0x1] =	stream.indirect_vreg.gather [hbm4b:s3+s2], $0x80, v4, vm0, $0xb8;
	[tilespmem:$0x10100] =	vst v63  }
0x469: {  	s4 =	simm.s32 $0xF900  }
0x46a: {  	[tilespmem:s4], [sflag:$0x1] =	stream.indirect_vreg.gather [hbm4b:s3+s2], $0x80, v3, vm0, $0xb8;
	[tilespmem:$0x10100] =	vst v63  }
0x46b: {  	_ =	swait.ge [sflag:s12], $0x10000  }
0x46c: {  	[sflag:s12] =	ssyncset.done $0x0  }
0x46d: {  	s4 =	rddreg [dreg:$0xe];
	[sflag:s12] =	ssyncadd.s32 $0xFFFF0000  }
0x46e: {  	[hbm4b:s4+s2] =	stream.linear.scatter [tilespmem:s6], [sflag:$0x2], $0x10000, $0x38;
	[tilespmem:$0x10100] =	vst v63  }
0x46f: {  	_ =	swait.ge [sflag:s5], $0x10000  }
0x470: {  	[sflag:s5] =	ssyncset.done $0x0  }
0x471: {  	s14 =	rddreg [dreg:$0xf];
	[sflag:s5] =	ssyncadd.s32 $0xFFFF0000  }
0x472: {  	[tilespmem:s2], [sflag:$0x2] =	stream.linear.gather [hbm4b:s14+s2], $0x100, $0x38;
	[tilespmem:$0x10100] =	vst v63  }
0x473: {  	_ =	swait.ge [sflag:s5], $0x100  }
0x474: {  	[sflag:s5] =	ssyncset.done $0x0  }
0x475: {  	[sflag:s5] =	ssyncadd.s32 $0xFFFFFF00  }
0x476: {  	v3 =	vld [tilespmem:$0x0];
	_ =	sdelay $0x4  }
0x477: {  	v32 =	vshll.u32 v3, $0x1  }
0x478: {  	v3 =	vand.u32 $0x7, v3;
	v4 =	vand.u32 $0xFFFFFFF0, v32  }
0x479: {  	v3 =	vor.u32 v3, v4  }
0x47a: {  	v4 =	vperm.xlane v3, v0;
	_ =	sdelay $0x1  }
0x47b: {  	v3 =	vperm.xlane v3, v2;
	v4 =	vadd.s32 v1, v4;
	_ =	sdelay $0x1  }
0x47c: {  	v3 =	vadd.s32 v1, v3;
	_ =	sdelay $0x2  }
0x47d: {  	[tilespmem:s6], [sflag:$0x1] =	stream.indirect_vreg.gather [hbm4b:s3+s2], $0x80, v4, vm0, $0xb8;
	[tilespmem:$0x10100] =	vst v63  }
0x47e: {  	s19 =	simm.s32 $0x900  }
0x47f: {  	[tilespmem:s19], [sflag:$0x1] =	stream.indirect_vreg.gather [hbm4b:s3+s2], $0x80, v3, vm0, $0xb8;
	[tilespmem:$0x10100] =	vst v63  }
0x480: {  	v3 =	vld [tilespmem:$0x10];
	_ =	sdelay $0x4  }
0x481: {  	v33 =	vshll.u32 v3, $0x1  }
0x482: {  	v3 =	vand.u32 $0x7, v3;
	v4 =	vand.u32 $0xFFFFFFF0, v33  }
0x483: {  	v3 =	vor.u32 v3, v4  }
0x484: {  	v4 =	vperm.xlane v3, v0;
	_ =	sdelay $0x1  }
0x485: {  	v3 =	vperm.xlane v3, v2;
	v4 =	vadd.s32 v1, v4;
	_ =	sdelay $0x1  }
0x486: {  	v3 =	vadd.s32 v1, v3;
	_ =	sdelay $0x1  }
0x487: {  	s4 =	simm.s32 $0x1100  }
0x488: {  	[tilespmem:s4], [sflag:$0x1] =	stream.indirect_vreg.gather [hbm4b:s3+s2], $0x80, v4, vm0, $0xb8;
	[tilespmem:$0x10100] =	vst v63  }
0x489: {  	s13 =	simm.s32 $0x1900  }
0x48a: {  	[tilespmem:s13], [sflag:$0x1] =	stream.indirect_vreg.gather [hbm4b:s3+s2], $0x80, v3, vm0, $0xb8;
	[tilespmem:$0x10100] =	vst v63  }
0x48b: {  	v3 =	vld [tilespmem:$0x20];
	_ =	sdelay $0x4  }
0x48c: {  	v34 =	vshll.u32 v3, $0x1  }
0x48d: {  	v3 =	vand.u32 $0x7, v3;
	v4 =	vand.u32 $0xFFFFFFF0, v34  }
0x48e: {  	v3 =	vor.u32 v3, v4  }
0x48f: {  	v4 =	vperm.xlane v3, v0;
	_ =	sdelay $0x1  }
0x490: {  	v3 =	vperm.xlane v3, v2;
	v4 =	vadd.s32 v1, v4;
	_ =	sdelay $0x1  }
0x491: {  	v3 =	vadd.s32 v1, v3;
	_ =	sdelay $0x1  }
0x492: {  	s14 =	simm.s32 $0x2100  }
0x493: {  	[tilespmem:s14], [sflag:$0x1] =	stream.indirect_vreg.gather [hbm4b:s3+s2], $0x80, v4, vm0, $0xb8;
	[tilespmem:$0x10100] =	vst v63  }
0x494: {  	s16 =	simm.s32 $0x2900  }
0x495: {  	[tilespmem:s16], [sflag:$0x1] =	stream.indirect_vreg.gather [hbm4b:s3+s2], $0x80, v3, vm0, $0xb8;
	[tilespmem:$0x10100] =	vst v63  }
0x496: {  	v3 =	vld [tilespmem:$0x30];
	_ =	sdelay $0x4  }
0x497: {  	v35 =	vshll.u32 v3, $0x1  }
0x498: {  	v3 =	vand.u32 $0x7, v3;
	v4 =	vand.u32 $0xFFFFFFF0, v35  }
0x499: {  	v3 =	vor.u32 v3, v4  }
0x49a: {  	v4 =	vperm.xlane v3, v0;
	_ =	sdelay $0x1  }
0x49b: {  	v3 =	vperm.xlane v3, v2;
	v4 =	vadd.s32 v1, v4;
	_ =	sdelay $0x1  }
0x49c: {  	v3 =	vadd.s32 v1, v3;
	_ =	sdelay $0x1  }
0x49d: {  	s16 =	simm.s32 $0x3100  }
0x49e: {  	[tilespmem:s16], [sflag:$0x1] =	stream.indirect_vreg.gather [hbm4b:s3+s2], $0x80, v4, vm0, $0xb8;
	[tilespmem:$0x10100] =	vst v63  }
0x49f: {  	s19 =	simm.s32 $0x3900  }
0x4a0: {  	[tilespmem:s19], [sflag:$0x1] =	stream.indirect_vreg.gather [hbm4b:s3+s2], $0x80, v3, vm0, $0xb8;
	[tilespmem:$0x10100] =	vst v63  }
0x4a1: {  	v3 =	vld [tilespmem:$0x40];
	_ =	sdelay $0x4  }
0x4a2: {  	v36 =	vshll.u32 v3, $0x1  }
0x4a3: {  	v3 =	vand.u32 $0x7, v3;
	v4 =	vand.u32 $0xFFFFFFF0, v36  }
0x4a4: {  	v3 =	vor.u32 v3, v4  }
0x4a5: {  	v4 =	vperm.xlane v3, v0;
	_ =	sdelay $0x1  }
0x4a6: {  	v3 =	vperm.xlane v3, v2;
	v4 =	vadd.s32 v1, v4;
	_ =	sdelay $0x1  }
0x4a7: {  	v3 =	vadd.s32 v1, v3;
	_ =	sdelay $0x1  }
0x4a8: {  	s20 =	simm.s32 $0x4100  }
0x4a9: {  	[tilespmem:s20], [sflag:$0x1] =	stream.indirect_vreg.gather [hbm4b:s3+s2], $0x80, v4, vm0, $0xb8;
	[tilespmem:$0x10100] =	vst v63  }
0x4aa: {  	s21 =	simm.s32 $0x4900  }
0x4ab: {  	[tilespmem:s21], [sflag:$0x1] =	stream.indirect_vreg.gather [hbm4b:s3+s2], $0x80, v3, vm0, $0xb8;
	[tilespmem:$0x10100] =	vst v63  }
0x4ac: {  	v3 =	vld [tilespmem:$0x50];
	_ =	sdelay $0x4  }
0x4ad: {  	v37 =	vshll.u32 v3, $0x1  }
0x4ae: {  	v3 =	vand.u32 $0x7, v3;
	v4 =	vand.u32 $0xFFFFFFF0, v37  }
0x4af: {  	v3 =	vor.u32 v3, v4  }
0x4b0: {  	v4 =	vperm.xlane v3, v0;
	_ =	sdelay $0x1  }
0x4b1: {  	v3 =	vperm.xlane v3, v2;
	v4 =	vadd.s32 v1, v4;
	_ =	sdelay $0x1  }
0x4b2: {  	v3 =	vadd.s32 v1, v3;
	_ =	sdelay $0x1  }
0x4b3: {  	s22 =	simm.s32 $0x5100  }
0x4b4: {  	[tilespmem:s22], [sflag:$0x1] =	stream.indirect_vreg.gather [hbm4b:s3+s2], $0x80, v4, vm0, $0xb8;
	[tilespmem:$0x10100] =	vst v63  }
0x4b5: {  	s23 =	simm.s32 $0x5900  }
0x4b6: {  	[tilespmem:s23], [sflag:$0x1] =	stream.indirect_vreg.gather [hbm4b:s3+s2], $0x80, v3, vm0, $0xb8;
	[tilespmem:$0x10100] =	vst v63  }
0x4b7: {  	v3 =	vld [tilespmem:$0x60];
	_ =	sdelay $0x4  }
0x4b8: {  	v38 =	vshll.u32 v3, $0x1  }
0x4b9: {  	v3 =	vand.u32 $0x7, v3;
	v4 =	vand.u32 $0xFFFFFFF0, v38  }
0x4ba: {  	v3 =	vor.u32 v3, v4  }
0x4bb: {  	v4 =	vperm.xlane v3, v0;
	_ =	sdelay $0x1  }
0x4bc: {  	v3 =	vperm.xlane v3, v2;
	v4 =	vadd.s32 v1, v4;
	_ =	sdelay $0x1  }
0x4bd: {  	v3 =	vadd.s32 v1, v3;
	_ =	sdelay $0x1  }
0x4be: {  	s24 =	simm.s32 $0x6100  }
0x4bf: {  	[tilespmem:s24], [sflag:$0x1] =	stream.indirect_vreg.gather [hbm4b:s3+s2], $0x80, v4, vm0, $0xb8;
	[tilespmem:$0x10100] =	vst v63  }
0x4c0: {  	s25 =	simm.s32 $0x6900  }
0x4c1: {  	[tilespmem:s25], [sflag:$0x1] =	stream.indirect_vreg.gather [hbm4b:s3+s2], $0x80, v3, vm0, $0xb8;
	[tilespmem:$0x10100] =	vst v63  }
0x4c2: {  	v3 =	vld [tilespmem:$0x70];
	_ =	sdelay $0x4  }
0x4c3: {  	v39 =	vshll.u32 v3, $0x1  }
0x4c4: {  	v3 =	vand.u32 $0x7, v3;
	v4 =	vand.u32 $0xFFFFFFF0, v39  }
0x4c5: {  	v3 =	vor.u32 v3, v4  }
0x4c6: {  	v4 =	vperm.xlane v3, v0;
	_ =	sdelay $0x1  }
0x4c7: {  	v3 =	vperm.xlane v3, v2;
	v4 =	vadd.s32 v1, v4;
	_ =	sdelay $0x1  }
0x4c8: {  	v3 =	vadd.s32 v1, v3;
	_ =	sdelay $0x1  }
0x4c9: {  	s26 =	simm.s32 $0x7100  }
0x4ca: {  	[tilespmem:s26], [sflag:$0x1] =	stream.indirect_vreg.gather [hbm4b:s3+s2], $0x80, v4, vm0, $0xb8;
	[tilespmem:$0x10100] =	vst v63  }
0x4cb: {  	s28 =	simm.s32 $0x7900  }
0x4cc: {  	[tilespmem:s28], [sflag:$0x1] =	stream.indirect_vreg.gather [hbm4b:s3+s2], $0x80, v3, vm0, $0xb8;
	[tilespmem:$0x10100] =	vst v63  }
0x4cd: {  	v3 =	vld [tilespmem:$0x80];
	_ =	sdelay $0x4  }
0x4ce: {  	v40 =	vshll.u32 v3, $0x1  }
0x4cf: {  	v3 =	vand.u32 $0x7, v3;
	v4 =	vand.u32 $0xFFFFFFF0, v40  }
0x4d0: {  	v3 =	vor.u32 v3, v4  }
0x4d1: {  	v4 =	vperm.xlane v3, v0;
	_ =	sdelay $0x1  }
0x4d2: {  	v3 =	vperm.xlane v3, v2;
	v4 =	vadd.s32 v1, v4;
	_ =	sdelay $0x1  }
0x4d3: {  	v3 =	vadd.s32 v1, v3;
	_ =	sdelay $0x1  }
0x4d4: {  	s29 =	simm.s32 $0x8100  }
0x4d5: {  	[tilespmem:s29], [sflag:$0x1] =	stream.indirect_vreg.gather [hbm4b:s3+s2], $0x80, v4, vm0, $0xb8;
	[tilespmem:$0x10100] =	vst v63  }
0x4d6: {  	s30 =	simm.s32 $0x8900  }
0x4d7: {  	[tilespmem:s30], [sflag:$0x1] =	stream.indirect_vreg.gather [hbm4b:s3+s2], $0x80, v3, vm0, $0xb8;
	[tilespmem:$0x10100] =	vst v63  }
0x4d8: {  	v3 =	vld [tilespmem:$0x90];
	_ =	sdelay $0x4  }
0x4d9: {  	v41 =	vshll.u32 v3, $0x1  }
0x4da: {  	v3 =	vand.u32 $0x7, v3;
	v4 =	vand.u32 $0xFFFFFFF0, v41  }
0x4db: {  	v3 =	vor.u32 v3, v4  }
0x4dc: {  	v4 =	vperm.xlane v3, v0;
	_ =	sdelay $0x1  }
0x4dd: {  	v3 =	vperm.xlane v3, v2;
	v4 =	vadd.s32 v1, v4;
	_ =	sdelay $0x1  }
0x4de: {  	v3 =	vadd.s32 v1, v3;
	_ =	sdelay $0x1  }
0x4df: {  	s31 =	simm.s32 $0x9100  }
0x4e0: {  	[tilespmem:s31], [sflag:$0x1] =	stream.indirect_vreg.gather [hbm4b:s3+s2], $0x80, v4, vm0, $0xb8;
	[tilespmem:$0x10100] =	vst v63  }
0x4e1: {  	s7 =	simm.s32 $0x9900  }
0x4e2: {  	[tilespmem:s7], [sflag:$0x1] =	stream.indirect_vreg.gather [hbm4b:s3+s2], $0x80, v3, vm0, $0xb8;
	[tilespmem:$0x10100] =	vst v63  }
0x4e3: {  	v3 =	vld [tilespmem:$0xA0];
	_ =	sdelay $0x4  }
0x4e4: {  	v42 =	vshll.u32 v3, $0x1  }
0x4e5: {  	v3 =	vand.u32 $0x7, v3;
	v4 =	vand.u32 $0xFFFFFFF0, v42  }
0x4e6: {  	v3 =	vor.u32 v3, v4  }
0x4e7: {  	v4 =	vperm.xlane v3, v0;
	_ =	sdelay $0x1  }
0x4e8: {  	v3 =	vperm.xlane v3, v2;
	v4 =	vadd.s32 v1, v4;
	_ =	sdelay $0x1  }
0x4e9: {  	v3 =	vadd.s32 v1, v3;
	_ =	sdelay $0x1  }
0x4ea: {  	s8 =	simm.s32 $0xA100  }
0x4eb: {  	[tilespmem:s8], [sflag:$0x1] =	stream.indirect_vreg.gather [hbm4b:s3+s2], $0x80, v4, vm0, $0xb8;
	[tilespmem:$0x10100] =	vst v63  }
0x4ec: {  	s15 =	simm.s32 $0xA900  }
0x4ed: {  	[tilespmem:s15], [sflag:$0x1] =	stream.indirect_vreg.gather [hbm4b:s3+s2], $0x80, v3, vm0, $0xb8;
	[tilespmem:$0x10100] =	vst v63  }
0x4ee: {  	v3 =	vld [tilespmem:$0xB0];
	_ =	sdelay $0x4  }
0x4ef: {  	v43 =	vshll.u32 v3, $0x1  }
0x4f0: {  	v3 =	vand.u32 $0x7, v3;
	v4 =	vand.u32 $0xFFFFFFF0, v43  }
0x4f1: {  	v3 =	vor.u32 v3, v4  }
0x4f2: {  	v4 =	vperm.xlane v3, v0;
	_ =	sdelay $0x1  }
0x4f3: {  	v3 =	vperm.xlane v3, v2;
	v4 =	vadd.s32 v1, v4;
	_ =	sdelay $0x1  }
0x4f4: {  	v3 =	vadd.s32 v1, v3;
	_ =	sdelay $0x1  }
0x4f5: {  	s17 =	simm.s32 $0xB100  }
0x4f6: {  	[tilespmem:s17], [sflag:$0x1] =	stream.indirect_vreg.gather [hbm4b:s3+s2], $0x80, v4, vm0, $0xb8;
	[tilespmem:$0x10100] =	vst v63  }
0x4f7: {  	s9 =	simm.s32 $0xB900  }
0x4f8: {  	[tilespmem:s9], [sflag:$0x1] =	stream.indirect_vreg.gather [hbm4b:s3+s2], $0x80, v3, vm0, $0xb8;
	[tilespmem:$0x10100] =	vst v63  }
0x4f9: {  	v3 =	vld [tilespmem:$0xC0];
	_ =	sdelay $0x4  }
0x4fa: {  	v44 =	vshll.u32 v3, $0x1  }
0x4fb: {  	v3 =	vand.u32 $0x7, v3;
	v4 =	vand.u32 $0xFFFFFFF0, v44  }
0x4fc: {  	v3 =	vor.u32 v3, v4  }
0x4fd: {  	v4 =	vperm.xlane v3, v0;
	_ =	sdelay $0x1  }
0x4fe: {  	v3 =	vperm.xlane v3, v2;
	v4 =	vadd.s32 v1, v4;
	_ =	sdelay $0x1  }
0x4ff: {  	v3 =	vadd.s32 v1, v3;
	_ =	sdelay $0x1  }
0x500: {  	s18 =	simm.s32 $0xC100  }
0x501: {  	[tilespmem:s18], [sflag:$0x1] =	stream.indirect_vreg.gather [hbm4b:s3+s2], $0x80, v4, vm0, $0xb8;
	[tilespmem:$0x10100] =	vst v63  }
0x502: {  	s30 =	simm.s32 $0xC900  }
0x503: {  	[tilespmem:s30], [sflag:$0x1] =	stream.indirect_vreg.gather [hbm4b:s3+s2], $0x80, v3, vm0, $0xb8;
	[tilespmem:$0x10100] =	vst v63  }
0x504: {  	v3 =	vld [tilespmem:$0xD0];
	_ =	sdelay $0x4  }
0x505: {  	v45 =	vshll.u32 v3, $0x1  }
0x506: {  	v3 =	vand.u32 $0x7, v3;
	v4 =	vand.u32 $0xFFFFFFF0, v45  }
0x507: {  	v3 =	vor.u32 v3, v4  }
0x508: {  	v4 =	vperm.xlane v3, v0;
	_ =	sdelay $0x1  }
0x509: {  	v3 =	vperm.xlane v3, v2;
	v4 =	vadd.s32 v1, v4;
	_ =	sdelay $0x1  }
0x50a: {  	v3 =	vadd.s32 v1, v3;
	_ =	sdelay $0x1  }
0x50b: {  	s11 =	simm.s32 $0xD100  }
0x50c: {  	[tilespmem:s11], [sflag:$0x1] =	stream.indirect_vreg.gather [hbm4b:s3+s2], $0x80, v4, vm0, $0xb8;
	[tilespmem:$0x10100] =	vst v63  }
0x50d: {  	s31 =	simm.s32 $0xD900  }
0x50e: {  	[tilespmem:s31], [sflag:$0x1] =	stream.indirect_vreg.gather [hbm4b:s3+s2], $0x80, v3, vm0, $0xb8;
	[tilespmem:$0x10100] =	vst v63  }
0x50f: {  	v3 =	vld [tilespmem:$0xE0];
	_ =	sdelay $0x4  }
0x510: {  	v46 =	vshll.u32 v3, $0x1  }
0x511: {  	v3 =	vand.u32 $0x7, v3;
	v4 =	vand.u32 $0xFFFFFFF0, v46  }
0x512: {  	v3 =	vor.u32 v3, v4  }
0x513: {  	v4 =	vperm.xlane v3, v0;
	_ =	sdelay $0x1  }
0x514: {  	v3 =	vperm.xlane v3, v2;
	v4 =	vadd.s32 v1, v4;
	_ =	sdelay $0x1  }
0x515: {  	v3 =	vadd.s32 v1, v3;
	_ =	sdelay $0x1  }
0x516: {  	s10 =	simm.s32 $0xE100  }
0x517: {  	[tilespmem:s10], [sflag:$0x1] =	stream.indirect_vreg.gather [hbm4b:s3+s2], $0x80, v4, vm0, $0xb8;
	[tilespmem:$0x10100] =	vst v63  }
0x518: {  	s11 =	simm.s32 $0xE900  }
0x519: {  	[tilespmem:s11], [sflag:$0x1] =	stream.indirect_vreg.gather [hbm4b:s3+s2], $0x80, v3, vm0, $0xb8;
	[tilespmem:$0x10100] =	vst v63  }
0x51a: {  	v3 =	vld [tilespmem:$0xF0];
	_ =	sdelay $0x4  }
0x51b: {  	v47 =	vshll.u32 v3, $0x1  }
0x51c: {  	v3 =	vand.u32 $0x7, v3;
	v4 =	vand.u32 $0xFFFFFFF0, v47  }
0x51d: {  	v3 =	vor.u32 v3, v4  }
0x51e: {  	v4 =	vperm.xlane v3, v0;
	_ =	sdelay $0x1  }
0x51f: {  	v3 =	vperm.xlane v3, v2;
	v4 =	vadd.s32 v1, v4;
	_ =	sdelay $0x1  }
0x520: {  	v3 =	vadd.s32 v1, v3;
	_ =	sdelay $0x1  }
0x521: {  	s1 =	simm.s32 $0xF100  }
0x522: {  	[tilespmem:s1], [sflag:$0x1] =	stream.indirect_vreg.gather [hbm4b:s3+s2], $0x80, v4, vm0, $0xb8;
	[tilespmem:$0x10100] =	vst v63  }
0x523: {  	s13 =	simm.s32 $0xF900  }
0x524: {  	[tilespmem:s13], [sflag:$0x1] =	stream.indirect_vreg.gather [hbm4b:s3+s2], $0x80, v3, vm0, $0xb8;
	[tilespmem:$0x10100] =	vst v63  }
0x525: {  	_ =	swait.ge [sflag:s12], $0x10000  }
0x526: {  	[sflag:s12] =	ssyncset.done $0x0  }
0x527: {  	s13 =	rddreg [dreg:$0x10];
	[sflag:s12] =	ssyncadd.s32 $0xFFFF0000  }
0x528: {  	[hbm4b:s13+s2] =	stream.linear.scatter [tilespmem:s6], [sflag:$0x2], $0x10000, $0x38;
	[tilespmem:$0x10100] =	vst v63  }
0x529: {  	_ =	swait.ge [sflag:s5], $0x10000  }
0x52a: {  	[sflag:s5] =	ssyncset.done $0x0  }
0x52b: {  	s13 =	rddreg [dreg:$0x11];
	[sflag:s5] =	ssyncadd.s32 $0xFFFF0000  }
0x52c: {  	[tilespmem:s2], [sflag:$0x2] =	stream.linear.gather [hbm4b:s13+s2], $0x100, $0x38;
	[tilespmem:$0x10100] =	vst v63  }
0x52d: {  	_ =	swait.ge [sflag:s5], $0x100  }
0x52e: {  	[sflag:s5] =	ssyncset.done $0x0  }
0x52f: {  	[sflag:s5] =	ssyncadd.s32 $0xFFFFFF00  }
0x530: {  	v3 =	vld [tilespmem:$0x0];
	_ =	sdelay $0x4  }
0x531: {  	v48 =	vshll.u32 v3, $0x1  }
0x532: {  	v3 =	vand.u32 $0x7, v3;
	v4 =	vand.u32 $0xFFFFFFF0, v48  }
0x533: {  	v3 =	vor.u32 v3, v4  }
0x534: {  	v4 =	vperm.xlane v3, v0;
	_ =	sdelay $0x1  }
0x535: {  	v3 =	vperm.xlane v3, v2;
	v4 =	vadd.s32 v1, v4;
	_ =	sdelay $0x1  }
0x536: {  	v3 =	vadd.s32 v1, v3;
	_ =	sdelay $0x2  }
0x537: {  	[tilespmem:s6], [sflag:$0x1] =	stream.indirect_vreg.gather [hbm4b:s3+s2], $0x80, v4, vm0, $0xb8;
	[tilespmem:$0x10100] =	vst v63  }
0x538: {  	s13 =	simm.s32 $0x900  }
0x539: {  	[tilespmem:s13], [sflag:$0x1] =	stream.indirect_vreg.gather [hbm4b:s3+s2], $0x80, v3, vm0, $0xb8;
	[tilespmem:$0x10100] =	vst v63  }
0x53a: {  	v3 =	vld [tilespmem:$0x10];
	_ =	sdelay $0x4  }
0x53b: {  	v49 =	vshll.u32 v3, $0x1  }
0x53c: {  	v3 =	vand.u32 $0x7, v3;
	v4 =	vand.u32 $0xFFFFFFF0, v49  }
0x53d: {  	v3 =	vor.u32 v3, v4  }
0x53e: {  	v4 =	vperm.xlane v3, v0;
	_ =	sdelay $0x1  }
0x53f: {  	v3 =	vperm.xlane v3, v2;
	v4 =	vadd.s32 v1, v4;
	_ =	sdelay $0x1  }
0x540: {  	v3 =	vadd.s32 v1, v3;
	_ =	sdelay $0x1  }
0x541: {  	s13 =	simm.s32 $0x1100  }
0x542: {  	[tilespmem:s13], [sflag:$0x1] =	stream.indirect_vreg.gather [hbm4b:s3+s2], $0x80, v4, vm0, $0xb8;
	[tilespmem:$0x10100] =	vst v63  }
0x543: {  	s13 =	simm.s32 $0x1900  }
0x544: {  	[tilespmem:s13], [sflag:$0x1] =	stream.indirect_vreg.gather [hbm4b:s3+s2], $0x80, v3, vm0, $0xb8;
	[tilespmem:$0x10100] =	vst v63  }
0x545: {  	v3 =	vld [tilespmem:$0x20];
	_ =	sdelay $0x4  }
0x546: {  	v50 =	vshll.u32 v3, $0x1  }
0x547: {  	v3 =	vand.u32 $0x7, v3;
	v4 =	vand.u32 $0xFFFFFFF0, v50  }
0x548: {  	v3 =	vor.u32 v3, v4  }
0x549: {  	v4 =	vperm.xlane v3, v0;
	_ =	sdelay $0x1  }
0x54a: {  	v3 =	vperm.xlane v3, v2;
	v4 =	vadd.s32 v1, v4;
	_ =	sdelay $0x1  }
0x54b: {  	v3 =	vadd.s32 v1, v3;
	_ =	sdelay $0x1  }
0x54c: {  	s13 =	simm.s32 $0x2100  }
0x54d: {  	[tilespmem:s13], [sflag:$0x1] =	stream.indirect_vreg.gather [hbm4b:s3+s2], $0x80, v4, vm0, $0xb8;
	[tilespmem:$0x10100] =	vst v63  }
0x54e: {  	s0 =	simm.s32 $0x2900  }
0x54f: {  	[tilespmem:s0], [sflag:$0x1] =	stream.indirect_vreg.gather [hbm4b:s3+s2], $0x80, v3, vm0, $0xb8;
	[tilespmem:$0x10100] =	vst v63  }
0x550: {  	v3 =	vld [tilespmem:$0x30];
	_ =	sdelay $0x4  }
0x551: {  	v51 =	vshll.u32 v3, $0x1  }
0x552: {  	v3 =	vand.u32 $0x7, v3;
	v4 =	vand.u32 $0xFFFFFFF0, v51  }
0x553: {  	v3 =	vor.u32 v3, v4  }
0x554: {  	v4 =	vperm.xlane v3, v0;
	_ =	sdelay $0x1  }
0x555: {  	v3 =	vperm.xlane v3, v2;
	v4 =	vadd.s32 v1, v4;
	_ =	sdelay $0x1  }
0x556: {  	v3 =	vadd.s32 v1, v3;
	_ =	sdelay $0x1  }
0x557: {  	s13 =	simm.s32 $0x3100  }
0x558: {  	[tilespmem:s13], [sflag:$0x1] =	stream.indirect_vreg.gather [hbm4b:s3+s2], $0x80, v4, vm0, $0xb8;
	[tilespmem:$0x10100] =	vst v63  }
0x559: {  	s13 =	simm.s32 $0x3900  }
0x55a: {  	[tilespmem:s13], [sflag:$0x1] =	stream.indirect_vreg.gather [hbm4b:s3+s2], $0x80, v3, vm0, $0xb8;
	[tilespmem:$0x10100] =	vst v63  }
0x55b: {  	v3 =	vld [tilespmem:$0x40];
	_ =	sdelay $0x4  }
0x55c: {  	v52 =	vshll.u32 v3, $0x1  }
0x55d: {  	v3 =	vand.u32 $0x7, v3;
	v4 =	vand.u32 $0xFFFFFFF0, v52  }
0x55e: {  	v3 =	vor.u32 v3, v4  }
0x55f: {  	v4 =	vperm.xlane v3, v0;
	_ =	sdelay $0x1  }
0x560: {  	v3 =	vperm.xlane v3, v2;
	v4 =	vadd.s32 v1, v4;
	_ =	sdelay $0x1  }
0x561: {  	v3 =	vadd.s32 v1, v3;
	_ =	sdelay $0x1  }
0x562: {  	s16 =	simm.s32 $0x4100  }
0x563: {  	[tilespmem:s16], [sflag:$0x1] =	stream.indirect_vreg.gather [hbm4b:s3+s2], $0x80, v4, vm0, $0xb8;
	[tilespmem:$0x10100] =	vst v63  }
0x564: {  	s19 =	simm.s32 $0x4900  }
0x565: {  	[tilespmem:s19], [sflag:$0x1] =	stream.indirect_vreg.gather [hbm4b:s3+s2], $0x80, v3, vm0, $0xb8;
	[tilespmem:$0x10100] =	vst v63  }
0x566: {  	v3 =	vld [tilespmem:$0x50];
	_ =	sdelay $0x4  }
0x567: {  	v53 =	vshll.u32 v3, $0x1  }
0x568: {  	v3 =	vand.u32 $0x7, v3;
	v4 =	vand.u32 $0xFFFFFFF0, v53  }
0x569: {  	v3 =	vor.u32 v3, v4  }
0x56a: {  	v4 =	vperm.xlane v3, v0;
	_ =	sdelay $0x1  }
0x56b: {  	v3 =	vperm.xlane v3, v2;
	v4 =	vadd.s32 v1, v4;
	_ =	sdelay $0x1  }
0x56c: {  	v3 =	vadd.s32 v1, v3;
	_ =	sdelay $0x1  }
0x56d: {  	s20 =	simm.s32 $0x5100  }
0x56e: {  	[tilespmem:s20], [sflag:$0x1] =	stream.indirect_vreg.gather [hbm4b:s3+s2], $0x80, v4, vm0, $0xb8;
	[tilespmem:$0x10100] =	vst v63  }
0x56f: {  	s21 =	simm.s32 $0x5900  }
0x570: {  	[tilespmem:s21], [sflag:$0x1] =	stream.indirect_vreg.gather [hbm4b:s3+s2], $0x80, v3, vm0, $0xb8;
	[tilespmem:$0x10100] =	vst v63  }
0x571: {  	v3 =	vld [tilespmem:$0x60];
	_ =	sdelay $0x4  }
0x572: {  	v54 =	vshll.u32 v3, $0x1  }
0x573: {  	v3 =	vand.u32 $0x7, v3;
	v4 =	vand.u32 $0xFFFFFFF0, v54  }
0x574: {  	v3 =	vor.u32 v3, v4  }
0x575: {  	v4 =	vperm.xlane v3, v0;
	_ =	sdelay $0x1  }
0x576: {  	v3 =	vperm.xlane v3, v2;
	v4 =	vadd.s32 v1, v4;
	_ =	sdelay $0x1  }
0x577: {  	v3 =	vadd.s32 v1, v3;
	_ =	sdelay $0x1  }
0x578: {  	s22 =	simm.s32 $0x6100  }
0x579: {  	[tilespmem:s22], [sflag:$0x1] =	stream.indirect_vreg.gather [hbm4b:s3+s2], $0x80, v4, vm0, $0xb8;
	[tilespmem:$0x10100] =	vst v63  }
0x57a: {  	s23 =	simm.s32 $0x6900  }
0x57b: {  	[tilespmem:s23], [sflag:$0x1] =	stream.indirect_vreg.gather [hbm4b:s3+s2], $0x80, v3, vm0, $0xb8;
	[tilespmem:$0x10100] =	vst v63  }
0x57c: {  	v3 =	vld [tilespmem:$0x70];
	_ =	sdelay $0x4  }
0x57d: {  	v55 =	vshll.u32 v3, $0x1  }
0x57e: {  	v3 =	vand.u32 $0x7, v3;
	v4 =	vand.u32 $0xFFFFFFF0, v55  }
0x57f: {  	v3 =	vor.u32 v3, v4  }
0x580: {  	v4 =	vperm.xlane v3, v0;
	_ =	sdelay $0x1  }
0x581: {  	v3 =	vperm.xlane v3, v2;
	v4 =	vadd.s32 v1, v4;
	_ =	sdelay $0x1  }
0x582: {  	v3 =	vadd.s32 v1, v3;
	_ =	sdelay $0x1  }
0x583: {  	s24 =	simm.s32 $0x7100  }
0x584: {  	[tilespmem:s24], [sflag:$0x1] =	stream.indirect_vreg.gather [hbm4b:s3+s2], $0x80, v4, vm0, $0xb8;
	[tilespmem:$0x10100] =	vst v63  }
0x585: {  	s25 =	simm.s32 $0x7900  }
0x586: {  	[tilespmem:s25], [sflag:$0x1] =	stream.indirect_vreg.gather [hbm4b:s3+s2], $0x80, v3, vm0, $0xb8;
	[tilespmem:$0x10100] =	vst v63  }
0x587: {  	v3 =	vld [tilespmem:$0x80];
	_ =	sdelay $0x4  }
0x588: {  	v56 =	vshll.u32 v3, $0x1  }
0x589: {  	v3 =	vand.u32 $0x7, v3;
	v4 =	vand.u32 $0xFFFFFFF0, v56  }
0x58a: {  	v3 =	vor.u32 v3, v4  }
0x58b: {  	v4 =	vperm.xlane v3, v0;
	_ =	sdelay $0x1  }
0x58c: {  	v3 =	vperm.xlane v3, v2;
	v4 =	vadd.s32 v1, v4;
	_ =	sdelay $0x1  }
0x58d: {  	v3 =	vadd.s32 v1, v3;
	_ =	sdelay $0x1  }
0x58e: {  	s26 =	simm.s32 $0x8100  }
0x58f: {  	[tilespmem:s26], [sflag:$0x1] =	stream.indirect_vreg.gather [hbm4b:s3+s2], $0x80, v4, vm0, $0xb8;
	[tilespmem:$0x10100] =	vst v63  }
0x590: {  	s28 =	simm.s32 $0x8900  }
0x591: {  	[tilespmem:s28], [sflag:$0x1] =	stream.indirect_vreg.gather [hbm4b:s3+s2], $0x80, v3, vm0, $0xb8;
	[tilespmem:$0x10100] =	vst v63  }
0x592: {  	v3 =	vld [tilespmem:$0x90];
	_ =	sdelay $0x4  }
0x593: {  	v57 =	vshll.u32 v3, $0x1  }
0x594: {  	v3 =	vand.u32 $0x7, v3;
	v4 =	vand.u32 $0xFFFFFFF0, v57  }
0x595: {  	v3 =	vor.u32 v3, v4  }
0x596: {  	v4 =	vperm.xlane v3, v0;
	_ =	sdelay $0x1  }
0x597: {  	v3 =	vperm.xlane v3, v2;
	v4 =	vadd.s32 v1, v4;
	_ =	sdelay $0x1  }
0x598: {  	v3 =	vadd.s32 v1, v3;
	_ =	sdelay $0x1  }
0x599: {  	s29 =	simm.s32 $0x9100  }
0x59a: {  	[tilespmem:s29], [sflag:$0x1] =	stream.indirect_vreg.gather [hbm4b:s3+s2], $0x80, v4, vm0, $0xb8;
	[tilespmem:$0x10100] =	vst v63  }
0x59b: {  	s4 =	simm.s32 $0x9900  }
0x59c: {  	[tilespmem:s4], [sflag:$0x1] =	stream.indirect_vreg.gather [hbm4b:s3+s2], $0x80, v3, vm0, $0xb8;
	[tilespmem:$0x10100] =	vst v63  }
0x59d: {  	v3 =	vld [tilespmem:$0xA0];
	_ =	sdelay $0x4  }
0x59e: {  	v58 =	vshll.u32 v3, $0x1  }
0x59f: {  	v3 =	vand.u32 $0x7, v3;
	v4 =	vand.u32 $0xFFFFFFF0, v58  }
0x5a0: {  	v3 =	vor.u32 v3, v4  }
0x5a1: {  	v4 =	vperm.xlane v3, v0;
	_ =	sdelay $0x1  }
0x5a2: {  	v3 =	vperm.xlane v3, v2;
	v4 =	vadd.s32 v1, v4;
	_ =	sdelay $0x1  }
0x5a3: {  	v3 =	vadd.s32 v1, v3;
	_ =	sdelay $0x1  }
0x5a4: {  	s7 =	simm.s32 $0xA100  }
0x5a5: {  	[tilespmem:s7], [sflag:$0x1] =	stream.indirect_vreg.gather [hbm4b:s3+s2], $0x80, v4, vm0, $0xb8;
	[tilespmem:$0x10100] =	vst v63  }
0x5a6: {  	s8 =	simm.s32 $0xA900  }
0x5a7: {  	[tilespmem:s8], [sflag:$0x1] =	stream.indirect_vreg.gather [hbm4b:s3+s2], $0x80, v3, vm0, $0xb8;
	[tilespmem:$0x10100] =	vst v63  }
0x5a8: {  	v3 =	vld [tilespmem:$0xB0];
	_ =	sdelay $0x4  }
0x5a9: {  	v59 =	vshll.u32 v3, $0x1  }
0x5aa: {  	v3 =	vand.u32 $0x7, v3;
	v4 =	vand.u32 $0xFFFFFFF0, v59  }
0x5ab: {  	v3 =	vor.u32 v3, v4  }
0x5ac: {  	v4 =	vperm.xlane v3, v0;
	_ =	sdelay $0x1  }
0x5ad: {  	v3 =	vperm.xlane v3, v2;
	v4 =	vadd.s32 v1, v4;
	_ =	sdelay $0x1  }
0x5ae: {  	v3 =	vadd.s32 v1, v3;
	_ =	sdelay $0x1  }
0x5af: {  	s15 =	simm.s32 $0xB100  }
0x5b0: {  	[tilespmem:s15], [sflag:$0x1] =	stream.indirect_vreg.gather [hbm4b:s3+s2], $0x80, v4, vm0, $0xb8;
	[tilespmem:$0x10100] =	vst v63  }
0x5b1: {  	s14 =	simm.s32 $0xB900  }
0x5b2: {  	[tilespmem:s14], [sflag:$0x1] =	stream.indirect_vreg.gather [hbm4b:s3+s2], $0x80, v3, vm0, $0xb8;
	[tilespmem:$0x10100] =	vst v63  }
0x5b3: {  	v3 =	vld [tilespmem:$0xC0];
	_ =	sdelay $0x4  }
0x5b4: {  	v60 =	vshll.u32 v3, $0x1  }
0x5b5: {  	v3 =	vand.u32 $0x7, v3;
	v4 =	vand.u32 $0xFFFFFFF0, v60  }
0x5b6: {  	v3 =	vor.u32 v3, v4  }
0x5b7: {  	v4 =	vperm.xlane v3, v0;
	_ =	sdelay $0x1  }
0x5b8: {  	v3 =	vperm.xlane v3, v2;
	v4 =	vadd.s32 v1, v4;
	_ =	sdelay $0x1  }
0x5b9: {  	v3 =	vadd.s32 v1, v3;
	_ =	sdelay $0x1  }
0x5ba: {  	s17 =	simm.s32 $0xC100  }
0x5bb: {  	[tilespmem:s17], [sflag:$0x1] =	stream.indirect_vreg.gather [hbm4b:s3+s2], $0x80, v4, vm0, $0xb8;
	[tilespmem:$0x10100] =	vst v63  }
0x5bc: {  	s30 =	simm.s32 $0xC900  }
0x5bd: {  	[tilespmem:s30], [sflag:$0x1] =	stream.indirect_vreg.gather [hbm4b:s3+s2], $0x80, v3, vm0, $0xb8;
	[tilespmem:$0x10100] =	vst v63  }
0x5be: {  	v3 =	vld [tilespmem:$0xD0];
	_ =	sdelay $0x4  }
0x5bf: {  	v61 =	vshll.u32 v3, $0x1  }
0x5c0: {  	v3 =	vand.u32 $0x7, v3;
	v4 =	vand.u32 $0xFFFFFFF0, v61  }
0x5c1: {  	v3 =	vor.u32 v3, v4  }
0x5c2: {  	v4 =	vperm.xlane v3, v0;
	_ =	sdelay $0x1  }
0x5c3: {  	v3 =	vperm.xlane v3, v2;
	v4 =	vadd.s32 v1, v4;
	_ =	sdelay $0x1  }
0x5c4: {  	v3 =	vadd.s32 v1, v3;
	_ =	sdelay $0x1  }
0x5c5: {  	s9 =	simm.s32 $0xD100  }
0x5c6: {  	[tilespmem:s9], [sflag:$0x1] =	stream.indirect_vreg.gather [hbm4b:s3+s2], $0x80, v4, vm0, $0xb8;
	[tilespmem:$0x10100] =	vst v63  }
0x5c7: {  	s31 =	simm.s32 $0xD900  }
0x5c8: {  	[tilespmem:s31], [sflag:$0x1] =	stream.indirect_vreg.gather [hbm4b:s3+s2], $0x80, v3, vm0, $0xb8;
	[tilespmem:$0x10100] =	vst v63  }
0x5c9: {  	v3 =	vld [tilespmem:$0xE0];
	_ =	sdelay $0x4  }
0x5ca: {  	v62 =	vshll.u32 v3, $0x1  }
0x5cb: {  	v3 =	vand.u32 $0x7, v3;
	v4 =	vand.u32 $0xFFFFFFF0, v62  }
0x5cc: {  	v3 =	vor.u32 v3, v4  }
0x5cd: {  	v4 =	vperm.xlane v3, v0;
	_ =	sdelay $0x1  }
0x5ce: {  	v3 =	vperm.xlane v3, v2;
	v4 =	vadd.s32 v1, v4;
	_ =	sdelay $0x1  }
0x5cf: {  	v3 =	vadd.s32 v1, v3;
	_ =	sdelay $0x1  }
0x5d0: {  	s18 =	simm.s32 $0xE100  }
0x5d1: {  	[tilespmem:s18], [sflag:$0x1] =	stream.indirect_vreg.gather [hbm4b:s3+s2], $0x80, v4, vm0, $0xb8;
	[tilespmem:$0x10100] =	vst v63  }
0x5d2: {  	s10 =	simm.s32 $0xE900  }
0x5d3: {  	[tilespmem:s10], [sflag:$0x1] =	stream.indirect_vreg.gather [hbm4b:s3+s2], $0x80, v3, vm0, $0xb8;
	[tilespmem:$0x10100] =	vst v63  }
0x5d4: {  	v3 =	vld [tilespmem:$0xF0];
	_ =	sdelay $0x4  }
0x5d5: {  	v63 =	vshll.u32 v3, $0x1  }
0x5d6: {  	v3 =	vand.u32 $0x7, v3;
	v4 =	vand.u32 $0xFFFFFFF0, v63  }
0x5d7: {  	v3 =	vor.u32 v3, v4  }
0x5d8: {  	v4 =	vperm.xlane v3, v0;
	_ =	sdelay $0x1  }
0x5d9: {  	v3 =	vperm.xlane v3, v2;
	v4 =	vadd.s32 v1, v4;
	_ =	sdelay $0x1  }
0x5da: {  	v3 =	vadd.s32 v1, v3;
	_ =	sdelay $0x1  }
0x5db: {  	s11 =	simm.s32 $0xF100  }
0x5dc: {  	[tilespmem:s11], [sflag:$0x1] =	stream.indirect_vreg.gather [hbm4b:s3+s2], $0x80, v4, vm0, $0xb8;
	[tilespmem:$0x10100] =	vst v63  }
0x5dd: {  	s1 =	simm.s32 $0xF900  }
0x5de: {  	[tilespmem:s1], [sflag:$0x1] =	stream.indirect_vreg.gather [hbm4b:s3+s2], $0x80, v3, vm0, $0xb8;
	[tilespmem:$0x10100] =	vst v63  }
0x5df: {  	s0 =	rddreg [dreg:$0x13];
	_ =	swait.ge [sflag:s12], $0x10000  }
0x5e0: {  	p0 =	sne.s32 s0, $0x1;
	[sflag:s12] =	ssyncset.done $0x0  }
.Ltmp0:
0x5e1: {  	s31 =	rddreg [dreg:$0x12];
	[sflag:s12] =	ssyncadd.s32 $0xFFFF0000;
	(pc) =	sbr.rel @p0 .LBB2_1-.Ltmp0, $4  }
0x5e2: {  	[hbm4b:s31+s2] =	stream.linear.scatter [tilespmem:s6], [sflag:$0x2], $0x10000, $0x38;
	[tilespmem:$0x10100] =	vst v63  }
0x5e3: {  	_ =	swait.ge [sflag:s5], $0x10000  }
0x5e4: {  	[sflag:s5] =	ssyncset.done $0x0  }
0x5e5: {  	s0 =	sadd.s32 $0xFFFFFFFF, s0;
	[sflag:s5] =	ssyncadd.s32 $0xFFFF0000  }
0x5e6: {  	_ =	sfence.sel $0x180000  }
0x5e7: {  	[bflag:$0x0] =	sbarrier.arrive $0xFFFF  }
0x5e8: {  	_ =	strace $0x90000047  }
0x5e9: {  	s0 =	stileid.u32;
	[bflag:$0x2] =	sbarrier.arrive $0xFFFF  }
0x5ea: {  	p0 =	sne.s32 s0, $0x0;
	s0 =	rddreg [dreg:$0x2]  }
0x5eb: {  	s0 =	sadd.s32 @!p0 $0x100000, s0  }
0x5ec: {  	[sflag:s0] =	ssyncadd.tile.s32 @!p0 $0x1;
	_ =	shalt  }
.Lfunc_end2:
_tile_overlayer_lowered:
.L_overlay_start_2:
0x5ed: {  	(tag) =	ssettag $0x2  }
0x5ee: {  	s0 =	rddreg [dreg:$0x0];
	s2 =	stileid.u32  }
0x5ef: {  	s1 =	rddreg [dreg:$0x1];
	p0 =	sne.s32 s2, $0x0  }
0x5f0: {  	s3 =	rddreg [dreg:$0x2];
	[bflag:$0x3] =	sbarrier.arrive $0xFFFF;
	s2 =	simm.s32 @!p0 $0x1C02  }
0x5f1: {  	[timem:s3], [sflag:s2] =	dma.local @!p0 [hbm:s0], s1  }
0x5f2: {  	s0 =	simm.s32 @!p0 $0x2  }
0x5f3: {  	_ =	swait.ge @!p0 [sflag:s0], s1  }
0x5f4: {  	s1 =	ssub.s32 @!p0 $0x0, s1;
	[sflag:s0] =	ssyncset.done @!p0 $0x0  }
0x5f5: {  	[sflag:s0] =	ssyncadd.s32 @!p0 s1  }
0x5f6: {  	[bflag:$0x3] =	sbarrier.arrive $0xFFFF  }
0x5f7: {  	_ =	shalt  }

</sc_bundles>
